<compile_context>
chip_gen: v7x
topology: tpu7x:2x2x1
jax: 0.10.2.dev20260603
libtpu: 0.0.44.dev20260713+nightly
codegen_flags: <defaults>
</compile_context>

<pallas_src>
import jax
import jax.numpy as jnp
from jax import lax
from jax.experimental import pallas as pl
from jax.experimental.pallas import tpu as pltpu
from jax.experimental.pallas import tpu_sc as plsc

T = 2048
D = 1024
E = 16
TOPK = 2
NG = 4
TKG = 2
F = 512
FS = 1024
RSF = 2.5

TM = 128
NPAD = ((T * TOPK + E * (TM - 1)) + TM - 1) // TM * TM
NT = NPAD // TM
TS = 512

GSZ = E // NG
NBUF = 4



def _route_body(x_ref, wr_ref, pos0_ref, pos1_ref, w0_ref, w1_ref,
                te_ref, tv_ref, c_ref, slot_ref, pf_ref, f3_ref):
    logits = jnp.dot(x_ref[...], wr_ref[...],
                     preferred_element_type=jnp.float32)
    s = jax.nn.softmax(logits, axis=-1)

    lane = lax.broadcasted_iota(jnp.int32, (T, E), 1)
    grp = lane // GSZ

    gcols = []
    for g in range(NG):
        gcols.append(jnp.max(jnp.where(grp == g, s, -jnp.inf), axis=-1,
                             keepdims=True))
    gs = jnp.concatenate(gcols, axis=-1)
    glane = lax.broadcasted_iota(jnp.int32, (T, NG), 1)

    g1 = jnp.min(jnp.where(gs == jnp.max(gs, axis=-1, keepdims=True),
                           glane, NG), axis=-1, keepdims=True)
    gs2 = jnp.where(glane == g1, -jnp.inf, gs)
    g2 = jnp.min(jnp.where(gs2 == jnp.max(gs2, axis=-1, keepdims=True),
                           glane, NG), axis=-1, keepdims=True)
    smask = (grp == g1) | (grp == g2)
    ms = jnp.where(smask, s, 0.0)

    v1 = jnp.max(ms, axis=-1, keepdims=True)
    e1 = jnp.min(jnp.where(ms == v1, lane, E), axis=-1, keepdims=True)
    ms2 = jnp.where(lane == e1, -jnp.inf, ms)
    v2 = jnp.max(ms2, axis=-1, keepdims=True)
    e2 = jnp.min(jnp.where(ms2 == v2, lane, E), axis=-1, keepdims=True)

    denom = v1 + v2 + 1e-20
    w0_ref[...] = jnp.broadcast_to((v1 / denom) * RSF, (T, 16))
    w1_ref[...] = jnp.broadcast_to((v2 / denom) * RSF, (T, 16))

    oh0 = (lane == e1).astype(jnp.float32)
    oh1 = (lane == e2).astype(jnp.float32)

    BL = 256
    NB = T // BL
    ri = lax.broadcasted_iota(jnp.int32, (BL, BL), 0)
    ci = lax.broadcasted_iota(jnp.int32, (BL, BL), 1)
    tri = (ci < ri).astype(jnp.float32)

    def excl_cumsum(oh):
        outs = []
        run = jnp.zeros((1, E), jnp.float32)
        for b in range(NB):
            blk = lax.slice(oh, (b * BL, 0), ((b + 1) * BL, E))
            within = jnp.dot(tri, blk, preferred_element_type=jnp.float32)
            outs.append(within + run)
            run = run + jnp.sum(blk, axis=0, keepdims=True)
        return jnp.concatenate(outs, axis=0), run

    ex0, tot0 = excl_cumsum(oh0)
    ex1, tot1 = excl_cumsum(oh1)
    counts = tot0 + tot1
    padded = jnp.ceil(counts / TM) * TM

    tri_e = (lax.broadcasted_iota(jnp.int32, (E, E), 0)
             < lax.broadcasted_iota(jnp.int32, (E, E), 1)).astype(jnp.float32)
    offsets = jnp.dot(padded, tri_e, preferred_element_type=jnp.float32)

    rank0 = jnp.sum(ex0 * oh0, axis=-1, keepdims=True)
    rank1 = jnp.sum((ex1 + tot0) * oh1, axis=-1, keepdims=True)
    off0 = jnp.sum(offsets * oh0, axis=-1, keepdims=True)
    off1 = jnp.sum(offsets * oh1, axis=-1, keepdims=True)
    pos0_ref[...] = (off0 + rank0).astype(jnp.int32)
    pos1_ref[...] = (off1 + rank1).astype(jnp.int32)

    jrow = (lax.broadcasted_iota(jnp.int32, (NT, E), 0) * TM).astype(jnp.float32)
    te_col = (jnp.sum((jnp.broadcast_to(offsets, (NT, E)) <= jrow)
                      .astype(jnp.int32), axis=-1, keepdims=True) - 1)
    te_ref[...] = te_col
    total = jnp.sum(padded, axis=-1, keepdims=True)
    tv_col = (lax.slice(jrow, (0, 0), (NT, 1))
              < jnp.broadcast_to(total, (NT, 1))).astype(jnp.int32)
    tv_ref[...] = tv_col

    pres = (padded > 0).astype(jnp.float32)
    rankk = jnp.dot(pres, tri_e, preferred_element_type=jnp.float32)
    oh_te = (jnp.broadcast_to(te_col, (NT, E))
             == lax.broadcasted_iota(jnp.int32, (NT, E), 1)).astype(jnp.float32)
    rank_te = jnp.sum(oh_te * jnp.broadcast_to(rankk, (NT, E)),
                      axis=-1, keepdims=True).astype(jnp.int32)
    slot_ref[...] = (rank_te - (rank_te // NBUF) * NBUF) * tv_col
    off_te = jnp.sum(oh_te * jnp.broadcast_to(offsets, (NT, E)),
                     axis=-1, keepdims=True)
    c_ref[...] = ((off_te == lax.slice(jrow, (0, 0), (NT, 1)))
                  .astype(jnp.int32) * tv_col)
    def rank_to_expert(k_col, rows):
        kmat = jnp.broadcast_to(k_col.astype(jnp.float32), (rows, E))
        match = ((jnp.broadcast_to(rankk, (rows, E)) == kmat)
                 * jnp.broadcast_to(pres, (rows, E)))
        lanes_f = lax.broadcasted_iota(jnp.int32, (rows, E), 1).astype(jnp.float32)
        hasm = jnp.sum(match, axis=-1, keepdims=True)
        return (jnp.sum(lanes_f * match, axis=-1, keepdims=True)
                - (1.0 - hasm)).astype(jnp.int32)
    pf_ref[...] = rank_to_expert(rank_te + (NBUF - 1), NT)
    kfirst = lax.broadcasted_iota(jnp.int32, (NBUF, 1), 0)
    f3_ref[...] = rank_to_expert(kfirst, NBUF)


def _route(x, w_router):
    return pl.pallas_call(
        _route_body,
        out_shape=(
            jax.ShapeDtypeStruct((T, 1), jnp.int32),
            jax.ShapeDtypeStruct((T, 1), jnp.int32),
            jax.ShapeDtypeStruct((T, 16), jnp.float32),
            jax.ShapeDtypeStruct((T, 16), jnp.float32),
            jax.ShapeDtypeStruct((NT, 1), jnp.int32),
            jax.ShapeDtypeStruct((NT, 1), jnp.int32),
            jax.ShapeDtypeStruct((NT, 1), jnp.int32),
            jax.ShapeDtypeStruct((NT, 1), jnp.int32),
            jax.ShapeDtypeStruct((NT, 1), jnp.int32),
            jax.ShapeDtypeStruct((NBUF, 1), jnp.int32),
        ),
    )(x, w_router)



SC_CORES = 2
SC_SUBCORES = 16
NW = SC_CORES * SC_SUBCORES
TPW = T // NW


def _dispatch_body(x_hbm, pos0_hbm, pos1_hbm, xs_hbm,
                   xbuf, idx0, idx1, sem0, sem1):
    wid = lax.axis_index("s") * SC_CORES + lax.axis_index("c")
    base = wid * TPW
    pltpu.sync_copy(pos0_hbm.at[wid], idx0)
    pltpu.sync_copy(pos1_hbm.at[wid], idx1)
    pltpu.sync_copy(x_hbm.at[pl.ds(base, TPW)], xbuf)
    c0 = pltpu.async_copy(xbuf, xs_hbm.at[idx0], sem0)
    c1 = pltpu.async_copy(xbuf, xs_hbm.at[idx1], sem1)
    c0.wait()
    c1.wait()


def _dispatch(x, pos0, pos1):
    mesh = plsc.VectorSubcoreMesh(core_axis_name="c", subcore_axis_name="s")
    run = pl.kernel(
        _dispatch_body,
        mesh=mesh,
        out_type=jax.ShapeDtypeStruct((NPAD, D), jnp.float32),
        scratch_types=[
            pltpu.VMEM((TPW, D), jnp.float32),
            pltpu.VMEM((TPW,), jnp.int32),
            pltpu.VMEM((TPW,), jnp.int32),
            pltpu.SemaphoreType.DMA,
            pltpu.SemaphoreType.DMA,
        ],
    )
    return run(x, pos0, pos1)



def _wcopy(wg_hbm, wu_hbm, wd_hbm, wgb, wub, wdb, sg, su, sd, e, s):
    return (
        pltpu.make_async_copy(wg_hbm.at[e], wgb.at[s], sg.at[s]),
        pltpu.make_async_copy(wu_hbm.at[e], wub.at[s], su.at[s]),
        pltpu.make_async_copy(wd_hbm.at[e], wdb.at[s], sd.at[s]),
    )


def _experts_body(te_ref, tv_ref, c_ref, slot_ref, pf_ref, f3_ref,
                  xs_ref, wg_hbm, wu_hbm, wd_hbm, out_ref,
                  wgb, wub, wdb, sg, su, sd):
    i = pl.program_id(0)
    valid = tv_ref[i, 0] == 1

    @pl.when(i == 0)
    def _():
        for r in range(NBUF):
            @pl.when(f3_ref[r, 0] >= 0)
            def _():
                for cp in _wcopy(wg_hbm, wu_hbm, wd_hbm, wgb, wub, wdb,
                                 sg, su, sd, f3_ref[r, 0], r):
                    cp.start()

    @pl.when(valid & (c_ref[i, 0] == 1))
    def _():
        s = slot_ref[i, 0]
        for cp in _wcopy(wg_hbm, wu_hbm, wd_hbm, wgb, wub, wdb,
                         sg, su, sd, te_ref[i, 0], s):
            cp.wait()

        @pl.when((pf_ref[i, 0] >= 0) & (i > 0))
        def _():
            s2 = s + (NBUF - 1) - (s + (NBUF - 1)) // NBUF * NBUF
            for cp in _wcopy(wg_hbm, wu_hbm, wd_hbm, wgb, wub, wdb,
                             sg, su, sd, pf_ref[i, 0], s2):
                cp.start()

    @pl.when(valid)
    def _():
        s = slot_ref[i, 0]
        xb = xs_ref[...].astype(jnp.bfloat16)
        g = jnp.dot(xb, wgb[s].astype(jnp.bfloat16),
                    preferred_element_type=jnp.float32)
        u = jnp.dot(xb, wub[s].astype(jnp.bfloat16),
                    preferred_element_type=jnp.float32)
        h = (jax.nn.silu(g) * u).astype(jnp.bfloat16)
        out_ref[...] = jnp.dot(h, wdb[s].astype(jnp.bfloat16),
                               preferred_element_type=jnp.float32)


def _experts(te, tv, c, slot, pf, f3, xs, w_gate, w_up, w_down):
    grid_spec = pltpu.PrefetchScalarGridSpec(
        num_scalar_prefetch=6,
        grid=(NT,),
        in_specs=[
            pl.BlockSpec((TM, D), lambda i, *_: (i, 0)),
            pl.BlockSpec(memory_space=pl.ANY),
            pl.BlockSpec(memory_space=pl.ANY),
            pl.BlockSpec(memory_space=pl.ANY),
        ],
        out_specs=pl.BlockSpec((TM, D), lambda i, *_: (i, 0)),
        scratch_shapes=[
            pltpu.VMEM((NBUF, D, F), jnp.float32),
            pltpu.VMEM((NBUF, D, F), jnp.float32),
            pltpu.VMEM((NBUF, F, D), jnp.float32),
            pltpu.SemaphoreType.DMA((NBUF,)),
            pltpu.SemaphoreType.DMA((NBUF,)),
            pltpu.SemaphoreType.DMA((NBUF,)),
        ],
    )
    return pl.pallas_call(
        _experts_body,
        grid_spec=grid_spec,
        out_shape=jax.ShapeDtypeStruct((NPAD, D), jnp.float32),
    )(te, tv, c, slot, pf, f3, xs, w_gate, w_up, w_down)



def _shared_body(x_ref, wg_ref, wu_ref, wd_ref, out_ref):
    xb = x_ref[...].astype(jnp.bfloat16)
    g = jnp.dot(xb, wg_ref[...].astype(jnp.bfloat16),
                preferred_element_type=jnp.float32)
    u = jnp.dot(xb, wu_ref[...].astype(jnp.bfloat16),
                preferred_element_type=jnp.float32)
    h = (jax.nn.silu(g) * u).astype(jnp.bfloat16)
    out_ref[...] = jnp.dot(h, wd_ref[...].astype(jnp.bfloat16),
                           preferred_element_type=jnp.float32)


def _shared(x, ws_gate, ws_up, ws_down):
    return pl.pallas_call(
        _shared_body,
        grid=(T // TS,),
        in_specs=[
            pl.BlockSpec((TS, D), lambda i: (i, 0)),
            pl.BlockSpec((D, FS), lambda i: (0, 0)),
            pl.BlockSpec((D, FS), lambda i: (0, 0)),
            pl.BlockSpec((FS, D), lambda i: (0, 0)),
        ],
        out_specs=pl.BlockSpec((TS, D), lambda i: (i, 0)),
        out_shape=jax.ShapeDtypeStruct((T, D), jnp.float32),
    )(x, ws_gate, ws_up, ws_down)



CH = 16
NCH = TPW // CH


def _combine_body(os_hbm, sh_hbm, pos0_hbm, pos1_hbm, w0_hbm, w1_hbm,
                  out_hbm, idxa, idxb, waf, wbf,
                  a0, b0, s0, a1, b1, s1,
                  sa0, sb0, ss0, sw0, sa1, sb1, ss1, sw1):
    wid = lax.axis_index("s") * SC_CORES + lax.axis_index("c")
    base = wid * TPW
    pltpu.sync_copy(pos0_hbm.at[wid], idxa)
    pltpu.sync_copy(pos1_hbm.at[wid], idxb)
    pltpu.sync_copy(w0_hbm.at[wid], waf)
    pltpu.sync_copy(w1_hbm.at[wid], wbf)

    bufs = [(a0, b0, s0), (a1, b1, s1)]
    gsems = [(sa0, sb0, ss0), (sa1, sb1, ss1)]
    wsems = [sw0, sw1]

    def gather(c, setidx):
        aj, bj, sj = bufs[setidx]
        sema, semb, sems = gsems[setidx]
        return (
            pltpu.async_copy(os_hbm.at[idxa.at[c]], aj, sema),
            pltpu.async_copy(os_hbm.at[idxb.at[c]], bj, semb),
            pltpu.async_copy(sh_hbm.at[pl.ds(base + c * CH, CH)], sj, sems),
        )

    inflight = [None, None]
    wbcopy = [None, None]
    inflight[0] = gather(0, 0)
    for c in range(NCH):
        s = c % 2
        o = 1 - s
        if c + 1 < NCH:
            if wbcopy[o] is not None:
                wbcopy[o].wait()
                wbcopy[o] = None
            inflight[o] = gather(c + 1, o)
        for cp in inflight[s]:
            cp.wait()
        aj, bj, sj = bufs[s]

        def row_body(r, carry):
            was = waf[c * CH + r, pl.ds(0, 16)]
            wbs = wbf[c * CH + r, pl.ds(0, 16)]

            def col_body(k, inner):
                for u in range(4):
                    sl = pl.ds(k * 64 + u * 16, 16)
                    sj[r, sl] = was * aj[r, sl] + wbs * bj[r, sl] + sj[r, sl]
                return inner

            return lax.fori_loop(0, D // 64, col_body, carry)

        lax.fori_loop(0, CH, row_body, 0)
        wbcopy[s] = pltpu.async_copy(
            sj, out_hbm.at[pl.ds(base + c * CH, CH)], wsems[s])
    for w in wbcopy:
        if w is not None:
            w.wait()


def _combine(out_sorted, shared, pos0, pos1, w0, w1):
    mesh = plsc.VectorSubcoreMesh(core_axis_name="c", subcore_axis_name="s")
    run = pl.kernel(
        _combine_body,
        mesh=mesh,
        out_type=jax.ShapeDtypeStruct((T, D), jnp.float32),
        scratch_types=[
            pltpu.VMEM((NCH, CH), jnp.int32),
            pltpu.VMEM((NCH, CH), jnp.int32),
            pltpu.VMEM((TPW, 16), jnp.float32),
            pltpu.VMEM((TPW, 16), jnp.float32),
            pltpu.VMEM((CH, D), jnp.float32),
            pltpu.VMEM((CH, D), jnp.float32),
            pltpu.VMEM((CH, D), jnp.float32),
            pltpu.VMEM((CH, D), jnp.float32),
            pltpu.VMEM((CH, D), jnp.float32),
            pltpu.VMEM((CH, D), jnp.float32),
            pltpu.SemaphoreType.DMA,
            pltpu.SemaphoreType.DMA,
            pltpu.SemaphoreType.DMA,
            pltpu.SemaphoreType.DMA,
            pltpu.SemaphoreType.DMA,
            pltpu.SemaphoreType.DMA,
            pltpu.SemaphoreType.DMA,
            pltpu.SemaphoreType.DMA,
        ],
    )
    return run(out_sorted, shared, pos0, pos1, w0, w1)



def kernel(hidden_states, w_router, w_gate, w_up, w_down,
           ws_gate, ws_up, ws_down):
    x = hidden_states
    pos0, pos1, w0, w1, te, tv, c, slot, pf, f3 = _route(x, w_router)
    pos0_w = pos0.reshape(NW, TPW)
    pos1_w = pos1.reshape(NW, TPW)
    xs = _dispatch(x, pos0_w, pos1_w)
    out_sorted = _experts(te, tv, c, slot, pf, f3,
                          xs, w_gate, w_up, w_down)
    shared = _shared(x, ws_gate, ws_up, ws_down)
    final = _combine(out_sorted, shared,
                     pos0.reshape(NW, NCH, CH), pos1.reshape(NW, NCH, CH),
                     w0.reshape(NW, TPW, 16), w1.reshape(NW, TPW, 16))
    return final

# --- scband reference (transcript-rebuilt; emitter-appended) ---
"""Pipeline reference for scband-ascend-deepseek-v2-mo-e-89601607729826 (READ-ONLY COPY).

The authoritative reference and input builder live on the scoring server;
editing this copy changes nothing except your own understanding.
"""

import jax, jax.numpy as jnp
import numpy as np

T = 2048      # tokens (batch=1, seq_len=2048)
D = 1024      # hidden_size
E = 16        # n_routed_experts
TOPK = 2      # num_experts_per_tok
NG = 4        # n_group
TKG = 2       # topk_group
F = 512       # moe_intermediate_size
NS = 2        # n_shared_experts
FS = F * NS   # shared expert intermediate size
RSF = 2.5     # routed_scaling_factor


def setup_inputs(seed: int = 0) -> dict:
    key = jax.random.key(seed)
    ks = jax.random.split(key, 8)
    hidden_states = jax.random.normal(ks[0], (T, D), dtype=jnp.float32)
    w_router = jax.random.normal(ks[1], (D, E), dtype=jnp.float32) * 0.02
    w_gate = jax.random.normal(ks[2], (E, D, F), dtype=jnp.float32) * 0.02
    w_up = jax.random.normal(ks[3], (E, D, F), dtype=jnp.float32) * 0.02
    w_down = jax.random.normal(ks[4], (E, F, D), dtype=jnp.float32) * 0.02
    ws_gate = jax.random.normal(ks[5], (D, FS), dtype=jnp.float32) * 0.02
    ws_up = jax.random.normal(ks[6], (D, FS), dtype=jnp.float32) * 0.02
    ws_down = jax.random.normal(ks[7], (FS, D), dtype=jnp.float32) * 0.02
    return {
        'hidden_states': hidden_states,
        'w_router': w_router,
        'w_gate': w_gate,
        'w_up': w_up,
        'w_down': w_down,
        'ws_gate': ws_gate,
        'ws_up': ws_up,
        'ws_down': ws_down,
    }


def reference(hidden_states, w_router, w_gate, w_up, w_down, ws_gate, ws_up, ws_down):
    x = hidden_states
    num_tokens = x.shape[0]
    # gate (ReplicatedLinear, no bias)
    router_logits = x @ w_router  # [T, E]
    # grouped top-k routing with softmax scoring (topk_method != noaux_tc -> no bias)
    scores = jax.nn.softmax(router_logits.astype(jnp.float32), axis=-1)  # [T, E]
    group_scores = scores.reshape(num_tokens, NG, E // NG).max(axis=-1)  # [T, NG]
    _, group_idx = jax.lax.top_k(group_scores, TKG)  # [T, TKG]
    group_mask = jnp.sum(jax.nn.one_hot(group_idx, NG, dtype=scores.dtype), axis=1)  # [T, NG]
    score_mask = jnp.repeat(group_mask, E // NG, axis=1)  # [T, E]
    masked_scores = jnp.where(score_mask > 0, scores, 0.0)
    topk_weights, topk_ids = jax.lax.top_k(masked_scores, TOPK)  # [T, TOPK]
    # renormalize (norm_topk_prob=True)
    topk_weights = topk_weights / (jnp.sum(topk_weights, axis=-1, keepdims=True) + 1e-20)
    # combine matrix [T, E]
    combine = jnp.sum(jax.nn.one_hot(topk_ids, E, dtype=topk_weights.dtype) * topk_weights[..., None], axis=1)
    # routed experts (SwiGLU MLPs), dense-combine formulation (mathematically identical)
    def expert(wg, wu, wd):
        h = jax.nn.silu(x @ wg) * (x @ wu)
        return h @ wd
    expert_outs = jax.vmap(expert)(w_gate, w_up, w_down)  # [E, T, D]
    routed = jnp.einsum('te,etd->td', combine, expert_outs)  # [T, D]
    # shared experts (DeepseekV2MLP, SwiGLU)
    shared = (jax.nn.silu(x @ ws_gate) * (x @ ws_up)) @ ws_down  # [T, D]
    # fp32 path: final_hidden_states *= routed_scaling_factor, then += shared_output
    final = routed * RSF + shared
    return final.reshape(num_tokens, D)

if __name__ == "__main__":
    import jax
    _d = setup_inputs()
    print(jax.jit(kernel)(*tuple(_d.values())))

</pallas_src>

<mosaic_0001>
#map = affine_map<(d0, d1) -> (0, 0)>
#map1 = affine_map<(d0, d1) -> (0, 0, 0)>
module attributes {stable_mosaic.version = 14 : i64} {
  func.func @_combine_body(%arg0: i32, %arg1: i32, %arg2: memref<6144x1024xf32, #tpu.memory_space<hbm>>, %arg3: memref<2048x1024xf32, #tpu.memory_space<hbm>>, %arg4: memref<32x4x16xi32, #tpu.memory_space<hbm>>, %arg5: memref<32x4x16xi32, #tpu.memory_space<hbm>>, %arg6: memref<32x64x16xf32, #tpu.memory_space<hbm>>, %arg7: memref<32x64x16xf32, #tpu.memory_space<hbm>>, %arg8: memref<2048x1024xf32, #tpu.memory_space<hbm>>, %arg9: memref<4x16xi32, #tpu.memory_space<vmem>>, %arg10: memref<4x16xi32, #tpu.memory_space<vmem>>, %arg11: memref<64x16xf32, #tpu.memory_space<vmem>>, %arg12: memref<64x16xf32, #tpu.memory_space<vmem>>, %arg13: memref<16x1024xf32, #tpu.memory_space<vmem>>, %arg14: memref<16x1024xf32, #tpu.memory_space<vmem>>, %arg15: memref<16x1024xf32, #tpu.memory_space<vmem>>, %arg16: memref<16x1024xf32, #tpu.memory_space<vmem>>, %arg17: memref<16x1024xf32, #tpu.memory_space<vmem>>, %arg18: memref<16x1024xf32, #tpu.memory_space<vmem>>, %arg19: memref<!tpu.dma_semaphore, #tpu.memory_space<semaphore_mem>>, %arg20: memref<!tpu.dma_semaphore, #tpu.memory_space<semaphore_mem>>, %arg21: memref<!tpu.dma_semaphore, #tpu.memory_space<semaphore_mem>>, %arg22: memref<!tpu.dma_semaphore, #tpu.memory_space<semaphore_mem>>, %arg23: memref<!tpu.dma_semaphore, #tpu.memory_space<semaphore_mem>>, %arg24: memref<!tpu.dma_semaphore, #tpu.memory_space<semaphore_mem>>, %arg25: memref<!tpu.dma_semaphore, #tpu.memory_space<semaphore_mem>>, %arg26: memref<!tpu.dma_semaphore, #tpu.memory_space<semaphore_mem>>) attributes {dimension_semantics = [#tpu.dimension_semantics<core_parallel>, #tpu.dimension_semantics<subcore_parallel>], iteration_bounds = array<i64: 2, 16>, scalar_prefetch = 0 : i64, scratch_operands = 18 : i64, tpu.core_type = #tpu.core_type<sc_vector_subcore>, window_params = [{transform_indices = #map}, {transform_indices = #map}, {transform_indices = #map1}, {transform_indices = #map1}, {transform_indices = #map1}, {transform_indices = #map1}, {transform_indices = #map}]} {
    %mul3A = arith.constant 2 : i32
    %mul3A_0 = arith.muli %arg1, %mul3A : i32
    %add3A = arith.addi %mul3A_0, %arg0 : i32
    %mul3A_1 = arith.constant 64 : i32
    %mul3A_2 = arith.muli %add3A, %mul3A_1 : i32
    "tpu.region"() ({
      %run_scoped3A = tpu.sem_alloc : memref<!tpu.dma_semaphore, #tpu.memory_space<semaphore_mem>>
      %dma_start3A_216 = arith.constant 0 : i32
      %dma_start3A_217 = arith.constant 0 : i32
      %dma_start3A_218 = tpu.memref_slice %arg4[%add3A, %dma_start3A_216, %dma_start3A_217] : memref<32x4x16xi32, #tpu.memory_space<hbm>> -> memref<1x4x16xi32, #tpu.memory_space<hbm>>
      %dma_start3A_219 = tpu.memref_squeeze %dma_start3A_218 : memref<1x4x16xi32, #tpu.memory_space<hbm>> -> memref<4x16xi32, #tpu.memory_space<hbm>>
      %dma_start3A_220 = arith.constant 0 : i32
      %dma_start3A_221 = arith.constant 0 : i32
      %dma_start3A_222 = tpu.memref_slice %arg4[%add3A, %dma_start3A_220, %dma_start3A_221] : memref<32x4x16xi32, #tpu.memory_space<hbm>> -> memref<1x4x16xi32, #tpu.memory_space<hbm>>
      %dma_start3A_223 = tpu.memref_squeeze %dma_start3A_222 : memref<1x4x16xi32, #tpu.memory_space<hbm>> -> memref<4x16xi32, #tpu.memory_space<hbm>>
      tpu.enqueue_dma source(%dma_start3A_223 : memref<4x16xi32, #tpu.memory_space<hbm>>) target(%arg9 : memref<4x16xi32, #tpu.memory_space<vmem>>) target_semaphore(%run_scoped3A : memref<!tpu.dma_semaphore, #tpu.memory_space<semaphore_mem>>)
      %dma_wait3A_224 = arith.constant 0 : i32
      %dma_wait3A_225 = arith.constant 0 : i32
      %dma_wait3A_226 = tpu.memref_slice %arg4[%add3A, %dma_wait3A_224, %dma_wait3A_225] : memref<32x4x16xi32, #tpu.memory_space<hbm>> -> memref<1x4x16xi32, #tpu.memory_space<hbm>>
      %dma_wait3A_227 = tpu.memref_squeeze %dma_wait3A_226 : memref<1x4x16xi32, #tpu.memory_space<hbm>> -> memref<4x16xi32, #tpu.memory_space<hbm>>
      %dma_wait3A_228 = arith.constant 0 : i32
      %dma_wait3A_229 = arith.constant 0 : i32
      %dma_wait3A_230 = tpu.memref_slice %arg4[%add3A, %dma_wait3A_228, %dma_wait3A_229] : memref<32x4x16xi32, #tpu.memory_space<hbm>> -> memref<1x4x16xi32, #tpu.memory_space<hbm>>
      %dma_wait3A_231 = tpu.memref_squeeze %dma_wait3A_230 : memref<1x4x16xi32, #tpu.memory_space<hbm>> -> memref<4x16xi32, #tpu.memory_space<hbm>>
      tpu.wait_dma2 semaphore(%run_scoped3A : memref<!tpu.dma_semaphore, #tpu.memory_space<semaphore_mem>>) src(%dma_wait3A_231 : memref<4x16xi32, #tpu.memory_space<hbm>>) dst(%arg9 : memref<4x16xi32, #tpu.memory_space<vmem>>)
      tpu.yield
    }) : () -> ()
    "tpu.region"() ({
      %run_scoped3A = tpu.sem_alloc : memref<!tpu.dma_semaphore, #tpu.memory_space<semaphore_mem>>
      %dma_start3A_216 = arith.constant 0 : i32
      %dma_start3A_217 = arith.constant 0 : i32
      %dma_start3A_218 = tpu.memref_slice %arg5[%add3A, %dma_start3A_216, %dma_start3A_217] : memref<32x4x16xi32, #tpu.memory_space<hbm>> -> memref<1x4x16xi32, #tpu.memory_space<hbm>>
      %dma_start3A_219 = tpu.memref_squeeze %dma_start3A_218 : memref<1x4x16xi32, #tpu.memory_space<hbm>> -> memref<4x16xi32, #tpu.memory_space<hbm>>
      %dma_start3A_220 = arith.constant 0 : i32
      %dma_start3A_221 = arith.constant 0 : i32
      %dma_start3A_222 = tpu.memref_slice %arg5[%add3A, %dma_start3A_220, %dma_start3A_221] : memref<32x4x16xi32, #tpu.memory_space<hbm>> -> memref<1x4x16xi32, #tpu.memory_space<hbm>>
      %dma_start3A_223 = tpu.memref_squeeze %dma_start3A_222 : memref<1x4x16xi32, #tpu.memory_space<hbm>> -> memref<4x16xi32, #tpu.memory_space<hbm>>
      tpu.enqueue_dma source(%dma_start3A_223 : memref<4x16xi32, #tpu.memory_space<hbm>>) target(%arg10 : memref<4x16xi32, #tpu.memory_space<vmem>>) target_semaphore(%run_scoped3A : memref<!tpu.dma_semaphore, #tpu.memory_space<semaphore_mem>>)
      %dma_wait3A_224 = arith.constant 0 : i32
      %dma_wait3A_225 = arith.constant 0 : i32
      %dma_wait3A_226 = tpu.memref_slice %arg5[%add3A, %dma_wait3A_224, %dma_wait3A_225] : memref<32x4x16xi32, #tpu.memory_space<hbm>> -> memref<1x4x16xi32, #tpu.memory_space<hbm>>
      %dma_wait3A_227 = tpu.memref_squeeze %dma_wait3A_226 : memref<1x4x16xi32, #tpu.memory_space<hbm>> -> memref<4x16xi32, #tpu.memory_space<hbm>>
      %dma_wait3A_228 = arith.constant 0 : i32
      %dma_wait3A_229 = arith.constant 0 : i32
      %dma_wait3A_230 = tpu.memref_slice %arg5[%add3A, %dma_wait3A_228, %dma_wait3A_229] : memref<32x4x16xi32, #tpu.memory_space<hbm>> -> memref<1x4x16xi32, #tpu.memory_space<hbm>>
      %dma_wait3A_231 = tpu.memref_squeeze %dma_wait3A_230 : memref<1x4x16xi32, #tpu.memory_space<hbm>> -> memref<4x16xi32, #tpu.memory_space<hbm>>
      tpu.wait_dma2 semaphore(%run_scoped3A : memref<!tpu.dma_semaphore, #tpu.memory_space<semaphore_mem>>) src(%dma_wait3A_231 : memref<4x16xi32, #tpu.memory_space<hbm>>) dst(%arg10 : memref<4x16xi32, #tpu.memory_space<vmem>>)
      tpu.yield
    }) : () -> ()
    "tpu.region"() ({
      %run_scoped3A = tpu.sem_alloc : memref<!tpu.dma_semaphore, #tpu.memory_space<semaphore_mem>>
      %dma_start3A_216 = arith.constant 0 : i32
      %dma_start3A_217 = arith.constant 0 : i32
      %dma_start3A_218 = tpu.memref_slice %arg6[%add3A, %dma_start3A_216, %dma_start3A_217] : memref<32x64x16xf32, #tpu.memory_space<hbm>> -> memref<1x64x16xf32, #tpu.memory_space<hbm>>
      %dma_start3A_219 = tpu.memref_squeeze %dma_start3A_218 : memref<1x64x16xf32, #tpu.memory_space<hbm>> -> memref<64x16xf32, #tpu.memory_space<hbm>>
      %dma_start3A_220 = arith.constant 0 : i32
      %dma_start3A_221 = arith.constant 0 : i32
      %dma_start3A_222 = tpu.memref_slice %arg6[%add3A, %dma_start3A_220, %dma_start3A_221] : memref<32x64x16xf32, #tpu.memory_space<hbm>> -> memref<1x64x16xf32, #tpu.memory_space<hbm>>
      %dma_start3A_223 = tpu.memref_squeeze %dma_start3A_222 : memref<1x64x16xf32, #tpu.memory_space<hbm>> -> memref<64x16xf32, #tpu.memory_space<hbm>>
      tpu.enqueue_dma source(%dma_start3A_223 : memref<64x16xf32, #tpu.memory_space<hbm>>) target(%arg11 : memref<64x16xf32, #tpu.memory_space<vmem>>) target_semaphore(%run_scoped3A : memref<!tpu.dma_semaphore, #tpu.memory_space<semaphore_mem>>)
      %dma_wait3A_224 = arith.constant 0 : i32
      %dma_wait3A_225 = arith.constant 0 : i32
      %dma_wait3A_226 = tpu.memref_slice %arg6[%add3A, %dma_wait3A_224, %dma_wait3A_225] : memref<32x64x16xf32, #tpu.memory_space<hbm>> -> memref<1x64x16xf32, #tpu.memory_space<hbm>>
      %dma_wait3A_227 = tpu.memref_squeeze %dma_wait3A_226 : memref<1x64x16xf32, #tpu.memory_space<hbm>> -> memref<64x16xf32, #tpu.memory_space<hbm>>
      %dma_wait3A_228 = arith.constant 0 : i32
      %dma_wait3A_229 = arith.constant 0 : i32
      %dma_wait3A_230 = tpu.memref_slice %arg6[%add3A, %dma_wait3A_228, %dma_wait3A_229] : memref<32x64x16xf32, #tpu.memory_space<hbm>> -> memref<1x64x16xf32, #tpu.memory_space<hbm>>
      %dma_wait3A_231 = tpu.memref_squeeze %dma_wait3A_230 : memref<1x64x16xf32, #tpu.memory_space<hbm>> -> memref<64x16xf32, #tpu.memory_space<hbm>>
      tpu.wait_dma2 semaphore(%run_scoped3A : memref<!tpu.dma_semaphore, #tpu.memory_space<semaphore_mem>>) src(%dma_wait3A_231 : memref<64x16xf32, #tpu.memory_space<hbm>>) dst(%arg11 : memref<64x16xf32, #tpu.memory_space<vmem>>)
      tpu.yield
    }) : () -> ()
    "tpu.region"() ({
      %run_scoped3A = tpu.sem_alloc : memref<!tpu.dma_semaphore, #tpu.memory_space<semaphore_mem>>
      %dma_start3A_216 = arith.constant 0 : i32
      %dma_start3A_217 = arith.constant 0 : i32
      %dma_start3A_218 = tpu.memref_slice %arg7[%add3A, %dma_start3A_216, %dma_start3A_217] : memref<32x64x16xf32, #tpu.memory_space<hbm>> -> memref<1x64x16xf32, #tpu.memory_space<hbm>>
      %dma_start3A_219 = tpu.memref_squeeze %dma_start3A_218 : memref<1x64x16xf32, #tpu.memory_space<hbm>> -> memref<64x16xf32, #tpu.memory_space<hbm>>
      %dma_start3A_220 = arith.constant 0 : i32
      %dma_start3A_221 = arith.constant 0 : i32
      %dma_start3A_222 = tpu.memref_slice %arg7[%add3A, %dma_start3A_220, %dma_start3A_221] : memref<32x64x16xf32, #tpu.memory_space<hbm>> -> memref<1x64x16xf32, #tpu.memory_space<hbm>>
      %dma_start3A_223 = tpu.memref_squeeze %dma_start3A_222 : memref<1x64x16xf32, #tpu.memory_space<hbm>> -> memref<64x16xf32, #tpu.memory_space<hbm>>
      tpu.enqueue_dma source(%dma_start3A_223 : memref<64x16xf32, #tpu.memory_space<hbm>>) target(%arg12 : memref<64x16xf32, #tpu.memory_space<vmem>>) target_semaphore(%run_scoped3A : memref<!tpu.dma_semaphore, #tpu.memory_space<semaphore_mem>>)
      %dma_wait3A_224 = arith.constant 0 : i32
      %dma_wait3A_225 = arith.constant 0 : i32
      %dma_wait3A_226 = tpu.memref_slice %arg7[%add3A, %dma_wait3A_224, %dma_wait3A_225] : memref<32x64x16xf32, #tpu.memory_space<hbm>> -> memref<1x64x16xf32, #tpu.memory_space<hbm>>
      %dma_wait3A_227 = tpu.memref_squeeze %dma_wait3A_226 : memref<1x64x16xf32, #tpu.memory_space<hbm>> -> memref<64x16xf32, #tpu.memory_space<hbm>>
      %dma_wait3A_228 = arith.constant 0 : i32
      %dma_wait3A_229 = arith.constant 0 : i32
      %dma_wait3A_230 = tpu.memref_slice %arg7[%add3A, %dma_wait3A_228, %dma_wait3A_229] : memref<32x64x16xf32, #tpu.memory_space<hbm>> -> memref<1x64x16xf32, #tpu.memory_space<hbm>>
      %dma_wait3A_231 = tpu.memref_squeeze %dma_wait3A_230 : memref<1x64x16xf32, #tpu.memory_space<hbm>> -> memref<64x16xf32, #tpu.memory_space<hbm>>
      tpu.wait_dma2 semaphore(%run_scoped3A : memref<!tpu.dma_semaphore, #tpu.memory_space<semaphore_mem>>) src(%dma_wait3A_231 : memref<64x16xf32, #tpu.memory_space<hbm>>) dst(%arg12 : memref<64x16xf32, #tpu.memory_space<vmem>>)
      tpu.yield
    }) : () -> ()
    %dma_start3A = arith.constant 0 : i32
    %dma_start3A_3 = arith.constant 0 : i32
    %dma_start3A_4 = tpu.memref_slice %arg9[%dma_start3A, %dma_start3A_3] : memref<4x16xi32, #tpu.memory_space<vmem>> -> memref<1x16xi32, #tpu.memory_space<vmem>>
    %dma_start3A_5 = tpu.memref_squeeze %dma_start3A_4 : memref<1x16xi32, #tpu.memory_space<vmem>> -> memref<16xi32, #tpu.memory_space<vmem>>
    %dma_start3A_6 = arith.constant 0 : i32
    %dma_start3A_7 = arith.constant 0 : i32
    %dma_start3A_8 = tpu.memref_slice %arg2[%dma_start3A_6, %dma_start3A_7] : memref<6144x1024xf32, #tpu.memory_space<hbm>> -> memref<6144x1024xf32, #tpu.memory_space<hbm>>
    tpu.enqueue_indirect_dma source(%dma_start3A_8 : memref<6144x1024xf32, #tpu.memory_space<hbm>>) target(%arg13 : memref<16x1024xf32, #tpu.memory_space<vmem>>) offsets(%dma_start3A_5 : memref<16xi32, #tpu.memory_space<vmem>>) semaphore(%arg19 : memref<!tpu.dma_semaphore, #tpu.memory_space<semaphore_mem>>)
    %dma_start3A_9 = arith.constant 0 : i32
    %dma_start3A_10 = arith.constant 0 : i32
    %dma_start3A_11 = tpu.memref_slice %arg10[%dma_start3A_9, %dma_start3A_10] : memref<4x16xi32, #tpu.memory_space<vmem>> -> memref<1x16xi32, #tpu.memory_space<vmem>>
    %dma_start3A_12 = tpu.memref_squeeze %dma_start3A_11 : memref<1x16xi32, #tpu.memory_space<vmem>> -> memref<16xi32, #tpu.memory_space<vmem>>
    %dma_start3A_13 = arith.constant 0 : i32
    %dma_start3A_14 = arith.constant 0 : i32
    %dma_start3A_15 = tpu.memref_slice %arg2[%dma_start3A_13, %dma_start3A_14] : memref<6144x1024xf32, #tpu.memory_space<hbm>> -> memref<6144x1024xf32, #tpu.memory_space<hbm>>
    tpu.enqueue_indirect_dma source(%dma_start3A_15 : memref<6144x1024xf32, #tpu.memory_space<hbm>>) target(%arg14 : memref<16x1024xf32, #tpu.memory_space<vmem>>) offsets(%dma_start3A_12 : memref<16xi32, #tpu.memory_space<vmem>>) semaphore(%arg20 : memref<!tpu.dma_semaphore, #tpu.memory_space<semaphore_mem>>)
    %add3A_16 = arith.constant 0 : i32
    %add3A_17 = arith.addi %mul3A_2, %add3A_16 : i32
    %dma_start3A_18 = arith.constant 0 : i32
    %dma_start3A_19 = tpu.memref_slice %arg3[%add3A_17, %dma_start3A_18] : memref<2048x1024xf32, #tpu.memory_space<hbm>> -> memref<16x1024xf32, #tpu.memory_space<hbm>>
    %dma_start3A_20 = arith.constant 0 : i32
    %dma_start3A_21 = tpu.memref_slice %arg3[%add3A_17, %dma_start3A_20] : memref<2048x1024xf32, #tpu.memory_space<hbm>> -> memref<16x1024xf32, #tpu.memory_space<hbm>>
    tpu.enqueue_dma source(%dma_start3A_21 : memref<16x1024xf32, #tpu.memory_space<hbm>>) target(%arg15 : memref<16x1024xf32, #tpu.memory_space<vmem>>) target_semaphore(%arg21 : memref<!tpu.dma_semaphore, #tpu.memory_space<semaphore_mem>>)
    %dma_start3A_22 = arith.constant 1 : i32
    %dma_start3A_23 = arith.constant 0 : i32
    %dma_start3A_24 = tpu.memref_slice %arg9[%dma_start3A_22, %dma_start3A_23] : memref<4x16xi32, #tpu.memory_space<vmem>> -> memref<1x16xi32, #tpu.memory_space<vmem>>
    %dma_start3A_25 = tpu.memref_squeeze %dma_start3A_24 : memref<1x16xi32, #tpu.memory_space<vmem>> -> memref<16xi32, #tpu.memory_space<vmem>>
    %dma_start3A_26 = arith.constant 0 : i32
    %dma_start3A_27 = arith.constant 0 : i32
    %dma_start3A_28 = tpu.memref_slice %arg2[%dma_start3A_26, %dma_start3A_27] : memref<6144x1024xf32, #tpu.memory_space<hbm>> -> memref<6144x1024xf32, #tpu.memory_space<hbm>>
    tpu.enqueue_indirect_dma source(%dma_start3A_28 : memref<6144x1024xf32, #tpu.memory_space<hbm>>) target(%arg16 : memref<16x1024xf32, #tpu.memory_space<vmem>>) offsets(%dma_start3A_25 : memref<16xi32, #tpu.memory_space<vmem>>) semaphore(%arg23 : memref<!tpu.dma_semaphore, #tpu.memory_space<semaphore_mem>>)
    %dma_start3A_29 = arith.constant 1 : i32
    %dma_start3A_30 = arith.constant 0 : i32
    %dma_start3A_31 = tpu.memref_slice %arg10[%dma_start3A_29, %dma_start3A_30] : memref<4x16xi32, #tpu.memory_space<vmem>> -> memref<1x16xi32, #tpu.memory_space<vmem>>
    %dma_start3A_32 = tpu.memref_squeeze %dma_start3A_31 : memref<1x16xi32, #tpu.memory_space<vmem>> -> memref<16xi32, #tpu.memory_space<vmem>>
    %dma_start3A_33 = arith.constant 0 : i32
    %dma_start3A_34 = arith.constant 0 : i32
    %dma_start3A_35 = tpu.memref_slice %arg2[%dma_start3A_33, %dma_start3A_34] : memref<6144x1024xf32, #tpu.memory_space<hbm>> -> memref<6144x1024xf32, #tpu.memory_space<hbm>>
    tpu.enqueue_indirect_dma source(%dma_start3A_35 : memref<6144x1024xf32, #tpu.memory_space<hbm>>) target(%arg17 : memref<16x1024xf32, #tpu.memory_space<vmem>>) offsets(%dma_start3A_32 : memref<16xi32, #tpu.memory_space<vmem>>) semaphore(%arg24 : memref<!tpu.dma_semaphore, #tpu.memory_space<semaphore_mem>>)
    %add3A_36 = arith.constant 16 : i32
    %add3A_37 = arith.addi %mul3A_2, %add3A_36 : i32
    %dma_start3A_38 = arith.constant 0 : i32
    %dma_start3A_39 = tpu.memref_slice %arg3[%add3A_37, %dma_start3A_38] : memref<2048x1024xf32, #tpu.memory_space<hbm>> -> memref<16x1024xf32, #tpu.memory_space<hbm>>
    %dma_start3A_40 = arith.constant 0 : i32
    %dma_start3A_41 = tpu.memref_slice %arg3[%add3A_37, %dma_start3A_40] : memref<2048x1024xf32, #tpu.memory_space<hbm>> -> memref<16x1024xf32, #tpu.memory_space<hbm>>
    tpu.enqueue_dma source(%dma_start3A_41 : memref<16x1024xf32, #tpu.memory_space<hbm>>) target(%arg18 : memref<16x1024xf32, #tpu.memory_space<vmem>>) target_semaphore(%arg25 : memref<!tpu.dma_semaphore, #tpu.memory_space<semaphore_mem>>)
    %dma_wait3A = arith.constant 0 : i32
    %dma_wait3A_42 = arith.constant 0 : i32
    %dma_wait3A_43 = tpu.memref_slice %arg9[%dma_wait3A, %dma_wait3A_42] : memref<4x16xi32, #tpu.memory_space<vmem>> -> memref<1x16xi32, #tpu.memory_space<vmem>>
    %dma_wait3A_44 = tpu.memref_squeeze %dma_wait3A_43 : memref<1x16xi32, #tpu.memory_space<vmem>> -> memref<16xi32, #tpu.memory_space<vmem>>
    %dma_wait3A_45 = arith.constant 0 : i32
    %dma_wait3A_46 = arith.constant 0 : i32
    %dma_wait3A_47 = tpu.memref_slice %arg2[%dma_wait3A_45, %dma_wait3A_46] : memref<6144x1024xf32, #tpu.memory_space<hbm>> -> memref<6144x1024xf32, #tpu.memory_space<hbm>>
    tpu.wait_indirect_dma semaphore(%arg19 : memref<!tpu.dma_semaphore, #tpu.memory_space<semaphore_mem>>) src(%dma_wait3A_47 : memref<6144x1024xf32, #tpu.memory_space<hbm>>) dst(%arg13 : memref<16x1024xf32, #tpu.memory_space<vmem>>)
    %dma_wait3A_48 = arith.constant 0 : i32
    %dma_wait3A_49 = arith.constant 0 : i32
    %dma_wait3A_50 = tpu.memref_slice %arg10[%dma_wait3A_48, %dma_wait3A_49] : memref<4x16xi32, #tpu.memory_space<vmem>> -> memref<1x16xi32, #tpu.memory_space<vmem>>
    %dma_wait3A_51 = tpu.memref_squeeze %dma_wait3A_50 : memref<1x16xi32, #tpu.memory_space<vmem>> -> memref<16xi32, #tpu.memory_space<vmem>>
    %dma_wait3A_52 = arith.constant 0 : i32
    %dma_wait3A_53 = arith.constant 0 : i32
    %dma_wait3A_54 = tpu.memref_slice %arg2[%dma_wait3A_52, %dma_wait3A_53] : memref<6144x1024xf32, #tpu.memory_space<hbm>> -> memref<6144x1024xf32, #tpu.memory_space<hbm>>
    tpu.wait_indirect_dma semaphore(%arg20 : memref<!tpu.dma_semaphore, #tpu.memory_space<semaphore_mem>>) src(%dma_wait3A_54 : memref<6144x1024xf32, #tpu.memory_space<hbm>>) dst(%arg14 : memref<16x1024xf32, #tpu.memory_space<vmem>>)
    %dma_wait3A_55 = arith.constant 0 : i32
    %dma_wait3A_56 = tpu.memref_slice %arg3[%add3A_17, %dma_wait3A_55] : memref<2048x1024xf32, #tpu.memory_space<hbm>> -> memref<16x1024xf32, #tpu.memory_space<hbm>>
    %dma_wait3A_57 = arith.constant 0 : i32
    %dma_wait3A_58 = tpu.memref_slice %arg3[%add3A_17, %dma_wait3A_57] : memref<2048x1024xf32, #tpu.memory_space<hbm>> -> memref<16x1024xf32, #tpu.memory_space<hbm>>
    tpu.wait_dma2 semaphore(%arg21 : memref<!tpu.dma_semaphore, #tpu.memory_space<semaphore_mem>>) src(%dma_wait3A_58 : memref<16x1024xf32, #tpu.memory_space<hbm>>) dst(%arg15 : memref<16x1024xf32, #tpu.memory_space<vmem>>)
    %scan3A = arith.constant 0 : i32
    %scan3A_59 = arith.constant 0 : i32
    %scan3A_60 = arith.constant 16 : i32
    %scan3A_61 = arith.addi %scan3A_59, %scan3A_60 : i32
    %scan3A_62 = arith.constant 1 : i32
    scf.for %scan3A_216 = %scan3A_59 to %scan3A_61 step %scan3A_62  : i32 {
      %add3A_217 = arith.constant 0 : i32
      %add3A_218 = arith.addi %add3A_217, %scan3A_216 : i32
      %get3A = arith.index_cast %add3A_218 : i32 to index
      %get3A_219 = arith.constant 0 : index
      %get3A_220 = tpu.vector_load %arg11[%get3A, %get3A_219] {strides = array<i32>} : memref<64x16xf32, #tpu.memory_space<vmem>>, vector<1x16xf32>,
      %get3A_221 = vector.shape_cast %get3A_220 : vector<1x16xf32> to vector<16xf32>
      %add3A_222 = arith.constant 0 : i32
      %add3A_223 = arith.addi %add3A_222, %scan3A_216 : i32
      %get3A_224 = arith.index_cast %add3A_223 : i32 to index
      %get3A_225 = arith.constant 0 : index
      %get3A_226 = tpu.vector_load %arg12[%get3A_224, %get3A_225] {strides = array<i32>} : memref<64x16xf32, #tpu.memory_space<vmem>>, vector<1x16xf32>,
      %get3A_227 = vector.shape_cast %get3A_226 : vector<1x16xf32> to vector<16xf32>
      %scan3A_228 = arith.constant 0 : i32
      %scan3A_229 = arith.constant 16 : i32
      %scan3A_230 = arith.addi %scan3A_228, %scan3A_229 : i32
      %scan3A_231 = arith.constant 1 : i32
      scf.for %scan3A_233 = %scan3A_228 to %scan3A_230 step %scan3A_231  : i32 {
        %mul3A_234 = arith.constant 64 : i32
        %mul3A_235 = arith.muli %scan3A_233, %mul3A_234 : i32
        %add3A_236 = arith.constant 0 : i32
        %add3A_237 = arith.addi %mul3A_235, %add3A_236 : i32
        %get3A_238 = arith.index_cast %scan3A_216 : i32 to index
        %get3A_239 = arith.index_cast %add3A_237 : i32 to index
        %get3A_240 = tpu.vector_load %arg13[%get3A_238, %get3A_239] {strides = array<i32>} : memref<16x1024xf32, #tpu.memory_space<vmem>>, vector<1x16xf32>,
        %get3A_241 = vector.shape_cast %get3A_240 : vector<1x16xf32> to vector<16xf32>
        %mul3A_242 = arith.mulf %get3A_221, %get3A_241 : vector<16xf32>
        %get3A_243 = arith.index_cast %scan3A_216 : i32 to index
        %get3A_244 = arith.index_cast %add3A_237 : i32 to index
        %get3A_245 = tpu.vector_load %arg14[%get3A_243, %get3A_244] {strides = array<i32>} : memref<16x1024xf32, #tpu.memory_space<vmem>>, vector<1x16xf32>,
        %get3A_246 = vector.shape_cast %get3A_245 : vector<1x16xf32> to vector<16xf32>
        %mul3A_247 = arith.mulf %get3A_227, %get3A_246 : vector<16xf32>
        %add3A_248 = arith.addf %mul3A_242, %mul3A_247 : vector<16xf32>
        %get3A_249 = arith.index_cast %scan3A_216 : i32 to index
        %get3A_250 = arith.index_cast %add3A_237 : i32 to index
        %get3A_251 = tpu.vector_load %arg15[%get3A_249, %get3A_250] {strides = array<i32>} : memref<16x1024xf32, #tpu.memory_space<vmem>>, vector<1x16xf32>,
        %get3A_252 = vector.shape_cast %get3A_251 : vector<1x16xf32> to vector<16xf32>
        %add3A_253 = arith.addf %add3A_248, %get3A_252 : vector<16xf32>
        %swap3A = arith.index_cast %scan3A_216 : i32 to index
        %swap3A_254 = arith.index_cast %add3A_237 : i32 to index
        %swap3A_255 = tpu.vector_load %arg15[%swap3A, %swap3A_254] {strides = array<i32>} : memref<16x1024xf32, #tpu.memory_space<vmem>>, vector<1x16xf32>,
        %swap3A_256 = vector.shape_cast %swap3A_255 : vector<1x16xf32> to vector<16xf32>
        %swap3A_257 = vector.shape_cast %add3A_253 : vector<16xf32> to vector<1x16xf32>
        tpu.vector_store %arg15[%swap3A, %swap3A_254], %swap3A_257 {strides = array<i32>} : memref<16x1024xf32, #tpu.memory_space<vmem>>, vector<1x16xf32>,
        %mul3A_258 = arith.constant 64 : i32
        %mul3A_259 = arith.muli %scan3A_233, %mul3A_258 : i32
        %add3A_260 = arith.constant 16 : i32
        %add3A_261 = arith.addi %mul3A_259, %add3A_260 : i32
        %get3A_262 = arith.index_cast %scan3A_216 : i32 to index
        %get3A_263 = arith.index_cast %add3A_261 : i32 to index
        %get3A_264 = tpu.vector_load %arg13[%get3A_262, %get3A_263] {strides = array<i32>} : memref<16x1024xf32, #tpu.memory_space<vmem>>, vector<1x16xf32>,
        %get3A_265 = vector.shape_cast %get3A_264 : vector<1x16xf32> to vector<16xf32>
        %mul3A_266 = arith.mulf %get3A_221, %get3A_265 : vector<16xf32>
        %get3A_267 = arith.index_cast %scan3A_216 : i32 to index
        %get3A_268 = arith.index_cast %add3A_261 : i32 to index
        %get3A_269 = tpu.vector_load %arg14[%get3A_267, %get3A_268] {strides = array<i32>} : memref<16x1024xf32, #tpu.memory_space<vmem>>, vector<1x16xf32>,
        %get3A_270 = vector.shape_cast %get3A_269 : vector<1x16xf32> to vector<16xf32>
        %mul3A_271 = arith.mulf %get3A_227, %get3A_270 : vector<16xf32>
        %add3A_272 = arith.addf %mul3A_266, %mul3A_271 : vector<16xf32>
        %get3A_273 = arith.index_cast %scan3A_216 : i32 to index
        %get3A_274 = arith.index_cast %add3A_261 : i32 to index
        %get3A_275 = tpu.vector_load %arg15[%get3A_273, %get3A_274] {strides = array<i32>} : memref<16x1024xf32, #tpu.memory_space<vmem>>, vector<1x16xf32>,
        %get3A_276 = vector.shape_cast %get3A_275 : vector<1x16xf32> to vector<16xf32>
        %add3A_277 = arith.addf %add3A_272, %get3A_276 : vector<16xf32>
        %swap3A_278 = arith.index_cast %scan3A_216 : i32 to index
        %swap3A_279 = arith.index_cast %add3A_261 : i32 to index
        %swap3A_280 = tpu.vector_load %arg15[%swap3A_278, %swap3A_279] {strides = array<i32>} : memref<16x1024xf32, #tpu.memory_space<vmem>>, vector<1x16xf32>,
        %swap3A_281 = vector.shape_cast %swap3A_280 : vector<1x16xf32> to vector<16xf32>
        %swap3A_282 = vector.shape_cast %add3A_277 : vector<16xf32> to vector<1x16xf32>
        tpu.vector_store %arg15[%swap3A_278, %swap3A_279], %swap3A_282 {strides = array<i32>} : memref<16x1024xf32, #tpu.memory_space<vmem>>, vector<1x16xf32>,
        %mul3A_283 = arith.constant 64 : i32
        %mul3A_284 = arith.muli %scan3A_233, %mul3A_283 : i32
        %add3A_285 = arith.constant 32 : i32
        %add3A_286 = arith.addi %mul3A_284, %add3A_285 : i32
        %get3A_287 = arith.index_cast %scan3A_216 : i32 to index
        %get3A_288 = arith.index_cast %add3A_286 : i32 to index
        %get3A_289 = tpu.vector_load %arg13[%get3A_287, %get3A_288] {strides = array<i32>} : memref<16x1024xf32, #tpu.memory_space<vmem>>, vector<1x16xf32>,
        %get3A_290 = vector.shape_cast %get3A_289 : vector<1x16xf32> to vector<16xf32>
        %mul3A_291 = arith.mulf %get3A_221, %get3A_290 : vector<16xf32>
        %get3A_292 = arith.index_cast %scan3A_216 : i32 to index
        %get3A_293 = arith.index_cast %add3A_286 : i32 to index
        %get3A_294 = tpu.vector_load %arg14[%get3A_292, %get3A_293] {strides = array<i32>} : memref<16x1024xf32, #tpu.memory_space<vmem>>, vector<1x16xf32>,
        %get3A_295 = vector.shape_cast %get3A_294 : vector<1x16xf32> to vector<16xf32>
        %mul3A_296 = arith.mulf %get3A_227, %get3A_295 : vector<16xf32>
        %add3A_297 = arith.addf %mul3A_291, %mul3A_296 : vector<16xf32>
        %get3A_298 = arith.index_cast %scan3A_216 : i32 to index
        %get3A_299 = arith.index_cast %add3A_286 : i32 to index
        %get3A_300 = tpu.vector_load %arg15[%get3A_298, %get3A_299] {strides = array<i32>} : memref<16x1024xf32, #tpu.memory_space<vmem>>, vector<1x16xf32>,
        %get3A_301 = vector.shape_cast %get3A_300 : vector<1x16xf32> to vector<16xf32>
        %add3A_302 = arith.addf %add3A_297, %get3A_301 : vector<16xf32>
        %swap3A_303 = arith.index_cast %scan3A_216 : i32 to index
        %swap3A_304 = arith.index_cast %add3A_286 : i32 to index
        %swap3A_305 = tpu.vector_load %arg15[%swap3A_303, %swap3A_304] {strides = array<i32>} : memref<16x1024xf32, #tpu.memory_space<vmem>>, vector<1x16xf32>,
        %swap3A_306 = vector.shape_cast %swap3A_305 : vector<1x16xf32> to vector<16xf32>
        %swap3A_307 = vector.shape_cast %add3A_302 : vector<16xf32> to vector<1x16xf32>
        tpu.vector_store %arg15[%swap3A_303, %swap3A_304], %swap3A_307 {strides = array<i32>} : memref<16x1024xf32, #tpu.memory_space<vmem>>, vector<1x16xf32>,
        %mul3A_308 = arith.constant 64 : i32
        %mul3A_309 = arith.muli %scan3A_233, %mul3A_308 : i32
        %add3A_310 = arith.constant 48 : i32
        %add3A_311 = arith.addi %mul3A_309, %add3A_310 : i32
        %get3A_312 = arith.index_cast %scan3A_216 : i32 to index
        %get3A_313 = arith.index_cast %add3A_311 : i32 to index
        %get3A_314 = tpu.vector_load %arg13[%get3A_312, %get3A_313] {strides = array<i32>} : memref<16x1024xf32, #tpu.memory_space<vmem>>, vector<1x16xf32>,
        %get3A_315 = vector.shape_cast %get3A_314 : vector<1x16xf32> to vector<16xf32>
        %mul3A_316 = arith.mulf %get3A_221, %get3A_315 : vector<16xf32>
        %get3A_317 = arith.index_cast %scan3A_216 : i32 to index
        %get3A_318 = arith.index_cast %add3A_311 : i32 to index
        %get3A_319 = tpu.vector_load %arg14[%get3A_317, %get3A_318] {strides = array<i32>} : memref<16x1024xf32, #tpu.memory_space<vmem>>, vector<1x16xf32>,
        %get3A_320 = vector.shape_cast %get3A_319 : vector<1x16xf32> to vector<16xf32>
        %mul3A_321 = arith.mulf %get3A_227, %get3A_320 : vector<16xf32>
        %add3A_322 = arith.addf %mul3A_316, %mul3A_321 : vector<16xf32>
        %get3A_323 = arith.index_cast %scan3A_216 : i32 to index
        %get3A_324 = arith.index_cast %add3A_311 : i32 to index
        %get3A_325 = tpu.vector_load %arg15[%get3A_323, %get3A_324] {strides = array<i32>} : memref<16x1024xf32, #tpu.memory_space<vmem>>, vector<1x16xf32>,
        %get3A_326 = vector.shape_cast %get3A_325 : vector<1x16xf32> to vector<16xf32>
        %add3A_327 = arith.addf %add3A_322, %get3A_326 : vector<16xf32>
        %swap3A_328 = arith.index_cast %scan3A_216 : i32 to index
        %swap3A_329 = arith.index_cast %add3A_311 : i32 to index
        %swap3A_330 = tpu.vector_load %arg15[%swap3A_328, %swap3A_329] {strides = array<i32>} : memref<16x1024xf32, #tpu.memory_space<vmem>>, vector<1x16xf32>,
        %swap3A_331 = vector.shape_cast %swap3A_330 : vector<1x16xf32> to vector<16xf32>
        %swap3A_332 = vector.shape_cast %add3A_327 : vector<16xf32> to vector<1x16xf32>
        tpu.vector_store %arg15[%swap3A_328, %swap3A_329], %swap3A_332 {strides = array<i32>} : memref<16x1024xf32, #tpu.memory_space<vmem>>, vector<1x16xf32>,
      }
      %scan3A_232 = arith.constant 16 : i32
    }
    %scan3A_63 = arith.constant 16 : i32
    %add3A_64 = arith.constant 0 : i32
    %add3A_65 = arith.addi %mul3A_2, %add3A_64 : i32
    %dma_start3A_66 = arith.constant 0 : i32
    %dma_start3A_67 = tpu.memref_slice %arg8[%add3A_65, %dma_start3A_66] : memref<2048x1024xf32, #tpu.memory_space<hbm>> -> memref<16x1024xf32, #tpu.memory_space<hbm>>
    %dma_start3A_68 = arith.constant 0 : i32
    %dma_start3A_69 = tpu.memref_slice %arg8[%add3A_65, %dma_start3A_68] : memref<2048x1024xf32, #tpu.memory_space<hbm>> -> memref<16x1024xf32, #tpu.memory_space<hbm>>
    tpu.enqueue_dma source(%arg15 : memref<16x1024xf32, #tpu.memory_space<vmem>>) target(%dma_start3A_69 : memref<16x1024xf32, #tpu.memory_space<hbm>>) target_semaphore(%arg22 : memref<!tpu.dma_semaphore, #tpu.memory_space<semaphore_mem>>)
    %dma_wait3A_70 = arith.constant 0 : i32
    %dma_wait3A_71 = tpu.memref_slice %arg8[%add3A_65, %dma_wait3A_70] : memref<2048x1024xf32, #tpu.memory_space<hbm>> -> memref<16x1024xf32, #tpu.memory_space<hbm>>
    %dma_wait3A_72 = arith.constant 0 : i32
    %dma_wait3A_73 = tpu.memref_slice %arg8[%add3A_65, %dma_wait3A_72] : memref<2048x1024xf32, #tpu.memory_space<hbm>> -> memref<16x1024xf32, #tpu.memory_space<hbm>>
    tpu.wait_dma2 semaphore(%arg22 : memref<!tpu.dma_semaphore, #tpu.memory_space<semaphore_mem>>) src(%arg15 : memref<16x1024xf32, #tpu.memory_space<vmem>>) dst(%dma_wait3A_73 : memref<16x1024xf32, #tpu.memory_space<hbm>>)
    %dma_start3A_74 = arith.constant 2 : i32
    %dma_start3A_75 = arith.constant 0 : i32
    %dma_start3A_76 = tpu.memref_slice %arg9[%dma_start3A_74, %dma_start3A_75] : memref<4x16xi32, #tpu.memory_space<vmem>> -> memref<1x16xi32, #tpu.memory_space<vmem>>
    %dma_start3A_77 = tpu.memref_squeeze %dma_start3A_76 : memref<1x16xi32, #tpu.memory_space<vmem>> -> memref<16xi32, #tpu.memory_space<vmem>>
    %dma_start3A_78 = arith.constant 0 : i32
    %dma_start3A_79 = arith.constant 0 : i32
    %dma_start3A_80 = tpu.memref_slice %arg2[%dma_start3A_78, %dma_start3A_79] : memref<6144x1024xf32, #tpu.memory_space<hbm>> -> memref<6144x1024xf32, #tpu.memory_space<hbm>>
    tpu.enqueue_indirect_dma source(%dma_start3A_80 : memref<6144x1024xf32, #tpu.memory_space<hbm>>) target(%arg13 : memref<16x1024xf32, #tpu.memory_space<vmem>>) offsets(%dma_start3A_77 : memref<16xi32, #tpu.memory_space<vmem>>) semaphore(%arg19 : memref<!tpu.dma_semaphore, #tpu.memory_space<semaphore_mem>>)
    %dma_start3A_81 = arith.constant 2 : i32
    %dma_start3A_82 = arith.constant 0 : i32
    %dma_start3A_83 = tpu.memref_slice %arg10[%dma_start3A_81, %dma_start3A_82] : memref<4x16xi32, #tpu.memory_space<vmem>> -> memref<1x16xi32, #tpu.memory_space<vmem>>
    %dma_start3A_84 = tpu.memref_squeeze %dma_start3A_83 : memref<1x16xi32, #tpu.memory_space<vmem>> -> memref<16xi32, #tpu.memory_space<vmem>>
    %dma_start3A_85 = arith.constant 0 : i32
    %dma_start3A_86 = arith.constant 0 : i32
    %dma_start3A_87 = tpu.memref_slice %arg2[%dma_start3A_85, %dma_start3A_86] : memref<6144x1024xf32, #tpu.memory_space<hbm>> -> memref<6144x1024xf32, #tpu.memory_space<hbm>>
    tpu.enqueue_indirect_dma source(%dma_start3A_87 : memref<6144x1024xf32, #tpu.memory_space<hbm>>) target(%arg14 : memref<16x1024xf32, #tpu.memory_space<vmem>>) offsets(%dma_start3A_84 : memref<16xi32, #tpu.memory_space<vmem>>) semaphore(%arg20 : memref<!tpu.dma_semaphore, #tpu.memory_space<semaphore_mem>>)
    %add3A_88 = arith.constant 32 : i32
    %add3A_89 = arith.addi %mul3A_2, %add3A_88 : i32
    %dma_start3A_90 = arith.constant 0 : i32
    %dma_start3A_91 = tpu.memref_slice %arg3[%add3A_89, %dma_start3A_90] : memref<2048x1024xf32, #tpu.memory_space<hbm>> -> memref<16x1024xf32, #tpu.memory_space<hbm>>
    %dma_start3A_92 = arith.constant 0 : i32
    %dma_start3A_93 = tpu.memref_slice %arg3[%add3A_89, %dma_start3A_92] : memref<2048x1024xf32, #tpu.memory_space<hbm>> -> memref<16x1024xf32, #tpu.memory_space<hbm>>
    tpu.enqueue_dma source(%dma_start3A_93 : memref<16x1024xf32, #tpu.memory_space<hbm>>) target(%arg15 : memref<16x1024xf32, #tpu.memory_space<vmem>>) target_semaphore(%arg21 : memref<!tpu.dma_semaphore, #tpu.memory_space<semaphore_mem>>)
    %dma_wait3A_94 = arith.constant 1 : i32
    %dma_wait3A_95 = arith.constant 0 : i32
    %dma_wait3A_96 = tpu.memref_slice %arg9[%dma_wait3A_94, %dma_wait3A_95] : memref<4x16xi32, #tpu.memory_space<vmem>> -> memref<1x16xi32, #tpu.memory_space<vmem>>
    %dma_wait3A_97 = tpu.memref_squeeze %dma_wait3A_96 : memref<1x16xi32, #tpu.memory_space<vmem>> -> memref<16xi32, #tpu.memory_space<vmem>>
    %dma_wait3A_98 = arith.constant 0 : i32
    %dma_wait3A_99 = arith.constant 0 : i32
    %dma_wait3A_100 = tpu.memref_slice %arg2[%dma_wait3A_98, %dma_wait3A_99] : memref<6144x1024xf32, #tpu.memory_space<hbm>> -> memref<6144x1024xf32, #tpu.memory_space<hbm>>
    tpu.wait_indirect_dma semaphore(%arg23 : memref<!tpu.dma_semaphore, #tpu.memory_space<semaphore_mem>>) src(%dma_wait3A_100 : memref<6144x1024xf32, #tpu.memory_space<hbm>>) dst(%arg16 : memref<16x1024xf32, #tpu.memory_space<vmem>>)
    %dma_wait3A_101 = arith.constant 1 : i32
    %dma_wait3A_102 = arith.constant 0 : i32
    %dma_wait3A_103 = tpu.memref_slice %arg10[%dma_wait3A_101, %dma_wait3A_102] : memref<4x16xi32, #tpu.memory_space<vmem>> -> memref<1x16xi32, #tpu.memory_space<vmem>>
    %dma_wait3A_104 = tpu.memref_squeeze %dma_wait3A_103 : memref<1x16xi32, #tpu.memory_space<vmem>> -> memref<16xi32, #tpu.memory_space<vmem>>
    %dma_wait3A_105 = arith.constant 0 : i32
    %dma_wait3A_106 = arith.constant 0 : i32
    %dma_wait3A_107 = tpu.memref_slice %arg2[%dma_wait3A_105, %dma_wait3A_106] : memref<6144x1024xf32, #tpu.memory_space<hbm>> -> memref<6144x1024xf32, #tpu.memory_space<hbm>>
    tpu.wait_indirect_dma semaphore(%arg24 : memref<!tpu.dma_semaphore, #tpu.memory_space<semaphore_mem>>) src(%dma_wait3A_107 : memref<6144x1024xf32, #tpu.memory_space<hbm>>) dst(%arg17 : memref<16x1024xf32, #tpu.memory_space<vmem>>)
    %dma_wait3A_108 = arith.constant 0 : i32
    %dma_wait3A_109 = tpu.memref_slice %arg3[%add3A_37, %dma_wait3A_108] : memref<2048x1024xf32, #tpu.memory_space<hbm>> -> memref<16x1024xf32, #tpu.memory_space<hbm>>
    %dma_wait3A_110 = arith.constant 0 : i32
    %dma_wait3A_111 = tpu.memref_slice %arg3[%add3A_37, %dma_wait3A_110] : memref<2048x1024xf32, #tpu.memory_space<hbm>> -> memref<16x1024xf32, #tpu.memory_space<hbm>>
    tpu.wait_dma2 semaphore(%arg25 : memref<!tpu.dma_semaphore, #tpu.memory_space<semaphore_mem>>) src(%dma_wait3A_111 : memref<16x1024xf32, #tpu.memory_space<hbm>>) dst(%arg18 : memref<16x1024xf32, #tpu.memory_space<vmem>>)
    %scan3A_112 = arith.constant 0 : i32
    %scan3A_113 = arith.constant 0 : i32
    %scan3A_114 = arith.constant 16 : i32
    %scan3A_115 = arith.addi %scan3A_113, %scan3A_114 : i32
    %scan3A_116 = arith.constant 1 : i32
    scf.for %scan3A_216 = %scan3A_113 to %scan3A_115 step %scan3A_116  : i32 {
      %add3A_217 = arith.constant 16 : i32
      %add3A_218 = arith.addi %add3A_217, %scan3A_216 : i32
      %get3A = arith.index_cast %add3A_218 : i32 to index
      %get3A_219 = arith.constant 0 : index
      %get3A_220 = tpu.vector_load %arg11[%get3A, %get3A_219] {strides = array<i32>} : memref<64x16xf32, #tpu.memory_space<vmem>>, vector<1x16xf32>,
      %get3A_221 = vector.shape_cast %get3A_220 : vector<1x16xf32> to vector<16xf32>
      %add3A_222 = arith.constant 16 : i32
      %add3A_223 = arith.addi %add3A_222, %scan3A_216 : i32
      %get3A_224 = arith.index_cast %add3A_223 : i32 to index
      %get3A_225 = arith.constant 0 : index
      %get3A_226 = tpu.vector_load %arg12[%get3A_224, %get3A_225] {strides = array<i32>} : memref<64x16xf32, #tpu.memory_space<vmem>>, vector<1x16xf32>,
      %get3A_227 = vector.shape_cast %get3A_226 : vector<1x16xf32> to vector<16xf32>
      %scan3A_228 = arith.constant 0 : i32
      %scan3A_229 = arith.constant 16 : i32
      %scan3A_230 = arith.addi %scan3A_228, %scan3A_229 : i32
      %scan3A_231 = arith.constant 1 : i32
      scf.for %scan3A_233 = %scan3A_228 to %scan3A_230 step %scan3A_231  : i32 {
        %mul3A_234 = arith.constant 64 : i32
        %mul3A_235 = arith.muli %scan3A_233, %mul3A_234 : i32
        %add3A_236 = arith.constant 0 : i32
        %add3A_237 = arith.addi %mul3A_235, %add3A_236 : i32
        %get3A_238 = arith.index_cast %scan3A_216 : i32 to index
        %get3A_239 = arith.index_cast %add3A_237 : i32 to index
        %get3A_240 = tpu.vector_load %arg16[%get3A_238, %get3A_239] {strides = array<i32>} : memref<16x1024xf32, #tpu.memory_space<vmem>>, vector<1x16xf32>,
        %get3A_241 = vector.shape_cast %get3A_240 : vector<1x16xf32> to vector<16xf32>
        %mul3A_242 = arith.mulf %get3A_221, %get3A_241 : vector<16xf32>
        %get3A_243 = arith.index_cast %scan3A_216 : i32 to index
        %get3A_244 = arith.index_cast %add3A_237 : i32 to index
        %get3A_245 = tpu.vector_load %arg17[%get3A_243, %get3A_244] {strides = array<i32>} : memref<16x1024xf32, #tpu.memory_space<vmem>>, vector<1x16xf32>,
        %get3A_246 = vector.shape_cast %get3A_245 : vector<1x16xf32> to vector<16xf32>
        %mul3A_247 = arith.mulf %get3A_227, %get3A_246 : vector<16xf32>
        %add3A_248 = arith.addf %mul3A_242, %mul3A_247 : vector<16xf32>
        %get3A_249 = arith.index_cast %scan3A_216 : i32 to index
        %get3A_250 = arith.index_cast %add3A_237 : i32 to index
        %get3A_251 = tpu.vector_load %arg18[%get3A_249, %get3A_250] {strides = array<i32>} : memref<16x1024xf32, #tpu.memory_space<vmem>>, vector<1x16xf32>,
        %get3A_252 = vector.shape_cast %get3A_251 : vector<1x16xf32> to vector<16xf32>
        %add3A_253 = arith.addf %add3A_248, %get3A_252 : vector<16xf32>
        %swap3A = arith.index_cast %scan3A_216 : i32 to index
        %swap3A_254 = arith.index_cast %add3A_237 : i32 to index
        %swap3A_255 = tpu.vector_load %arg18[%swap3A, %swap3A_254] {strides = array<i32>} : memref<16x1024xf32, #tpu.memory_space<vmem>>, vector<1x16xf32>,
        %swap3A_256 = vector.shape_cast %swap3A_255 : vector<1x16xf32> to vector<16xf32>
        %swap3A_257 = vector.shape_cast %add3A_253 : vector<16xf32> to vector<1x16xf32>
        tpu.vector_store %arg18[%swap3A, %swap3A_254], %swap3A_257 {strides = array<i32>} : memref<16x1024xf32, #tpu.memory_space<vmem>>, vector<1x16xf32>,
        %mul3A_258 = arith.constant 64 : i32
        %mul3A_259 = arith.muli %scan3A_233, %mul3A_258 : i32
        %add3A_260 = arith.constant 16 : i32
        %add3A_261 = arith.addi %mul3A_259, %add3A_260 : i32
        %get3A_262 = arith.index_cast %scan3A_216 : i32 to index
        %get3A_263 = arith.index_cast %add3A_261 : i32 to index
        %get3A_264 = tpu.vector_load %arg16[%get3A_262, %get3A_263] {strides = array<i32>} : memref<16x1024xf32, #tpu.memory_space<vmem>>, vector<1x16xf32>,
        %get3A_265 = vector.shape_cast %get3A_264 : vector<1x16xf32> to vector<16xf32>
        %mul3A_266 = arith.mulf %get3A_221, %get3A_265 : vector<16xf32>
        %get3A_267 = arith.index_cast %scan3A_216 : i32 to index
        %get3A_268 = arith.index_cast %add3A_261 : i32 to index
        %get3A_269 = tpu.vector_load %arg17[%get3A_267, %get3A_268] {strides = array<i32>} : memref<16x1024xf32, #tpu.memory_space<vmem>>, vector<1x16xf32>,
        %get3A_270 = vector.shape_cast %get3A_269 : vector<1x16xf32> to vector<16xf32>
        %mul3A_271 = arith.mulf %get3A_227, %get3A_270 : vector<16xf32>
        %add3A_272 = arith.addf %mul3A_266, %mul3A_271 : vector<16xf32>
        %get3A_273 = arith.index_cast %scan3A_216 : i32 to index
        %get3A_274 = arith.index_cast %add3A_261 : i32 to index
        %get3A_275 = tpu.vector_load %arg18[%get3A_273, %get3A_274] {strides = array<i32>} : memref<16x1024xf32, #tpu.memory_space<vmem>>, vector<1x16xf32>,
        %get3A_276 = vector.shape_cast %get3A_275 : vector<1x16xf32> to vector<16xf32>
        %add3A_277 = arith.addf %add3A_272, %get3A_276 : vector<16xf32>
        %swap3A_278 = arith.index_cast %scan3A_216 : i32 to index
        %swap3A_279 = arith.index_cast %add3A_261 : i32 to index
        %swap3A_280 = tpu.vector_load %arg18[%swap3A_278, %swap3A_279] {strides = array<i32>} : memref<16x1024xf32, #tpu.memory_space<vmem>>, vector<1x16xf32>,
        %swap3A_281 = vector.shape_cast %swap3A_280 : vector<1x16xf32> to vector<16xf32>
        %swap3A_282 = vector.shape_cast %add3A_277 : vector<16xf32> to vector<1x16xf32>
        tpu.vector_store %arg18[%swap3A_278, %swap3A_279], %swap3A_282 {strides = array<i32>} : memref<16x1024xf32, #tpu.memory_space<vmem>>, vector<1x16xf32>,
        %mul3A_283 = arith.constant 64 : i32
        %mul3A_284 = arith.muli %scan3A_233, %mul3A_283 : i32
        %add3A_285 = arith.constant 32 : i32
        %add3A_286 = arith.addi %mul3A_284, %add3A_285 : i32
        %get3A_287 = arith.index_cast %scan3A_216 : i32 to index
        %get3A_288 = arith.index_cast %add3A_286 : i32 to index
        %get3A_289 = tpu.vector_load %arg16[%get3A_287, %get3A_288] {strides = array<i32>} : memref<16x1024xf32, #tpu.memory_space<vmem>>, vector<1x16xf32>,
        %get3A_290 = vector.shape_cast %get3A_289 : vector<1x16xf32> to vector<16xf32>
        %mul3A_291 = arith.mulf %get3A_221, %get3A_290 : vector<16xf32>
        %get3A_292 = arith.index_cast %scan3A_216 : i32 to index
        %get3A_293 = arith.index_cast %add3A_286 : i32 to index
        %get3A_294 = tpu.vector_load %arg17[%get3A_292, %get3A_293] {strides = array<i32>} : memref<16x1024xf32, #tpu.memory_space<vmem>>, vector<1x16xf32>,
        %get3A_295 = vector.shape_cast %get3A_294 : vector<1x16xf32> to vector<16xf32>
        %mul3A_296 = arith.mulf %get3A_227, %get3A_295 : vector<16xf32>
        %add3A_297 = arith.addf %mul3A_291, %mul3A_296 : vector<16xf32>
        %get3A_298 = arith.index_cast %scan3A_216 : i32 to index
        %get3A_299 = arith.index_cast %add3A_286 : i32 to index
        %get3A_300 = tpu.vector_load %arg18[%get3A_298, %get3A_299] {strides = array<i32>} : memref<16x1024xf32, #tpu.memory_space<vmem>>, vector<1x16xf32>,
        %get3A_301 = vector.shape_cast %get3A_300 : vector<1x16xf32> to vector<16xf32>
        %add3A_302 = arith.addf %add3A_297, %get3A_301 : vector<16xf32>
        %swap3A_303 = arith.index_cast %scan3A_216 : i32 to index
        %swap3A_304 = arith.index_cast %add3A_286 : i32 to index
        %swap3A_305 = tpu.vector_load %arg18[%swap3A_303, %swap3A_304] {strides = array<i32>} : memref<16x1024xf32, #tpu.memory_space<vmem>>, vector<1x16xf32>,
        %swap3A_306 = vector.shape_cast %swap3A_305 : vector<1x16xf32> to vector<16xf32>
        %swap3A_307 = vector.shape_cast %add3A_302 : vector<16xf32> to vector<1x16xf32>
        tpu.vector_store %arg18[%swap3A_303, %swap3A_304], %swap3A_307 {strides = array<i32>} : memref<16x1024xf32, #tpu.memory_space<vmem>>, vector<1x16xf32>,
        %mul3A_308 = arith.constant 64 : i32
        %mul3A_309 = arith.muli %scan3A_233, %mul3A_308 : i32
        %add3A_310 = arith.constant 48 : i32
        %add3A_311 = arith.addi %mul3A_309, %add3A_310 : i32
        %get3A_312 = arith.index_cast %scan3A_216 : i32 to index
        %get3A_313 = arith.index_cast %add3A_311 : i32 to index
        %get3A_314 = tpu.vector_load %arg16[%get3A_312, %get3A_313] {strides = array<i32>} : memref<16x1024xf32, #tpu.memory_space<vmem>>, vector<1x16xf32>,
        %get3A_315 = vector.shape_cast %get3A_314 : vector<1x16xf32> to vector<16xf32>
        %mul3A_316 = arith.mulf %get3A_221, %get3A_315 : vector<16xf32>
        %get3A_317 = arith.index_cast %scan3A_216 : i32 to index
        %get3A_318 = arith.index_cast %add3A_311 : i32 to index
        %get3A_319 = tpu.vector_load %arg17[%get3A_317, %get3A_318] {strides = array<i32>} : memref<16x1024xf32, #tpu.memory_space<vmem>>, vector<1x16xf32>,
        %get3A_320 = vector.shape_cast %get3A_319 : vector<1x16xf32> to vector<16xf32>
        %mul3A_321 = arith.mulf %get3A_227, %get3A_320 : vector<16xf32>
        %add3A_322 = arith.addf %mul3A_316, %mul3A_321 : vector<16xf32>
        %get3A_323 = arith.index_cast %scan3A_216 : i32 to index
        %get3A_324 = arith.index_cast %add3A_311 : i32 to index
        %get3A_325 = tpu.vector_load %arg18[%get3A_323, %get3A_324] {strides = array<i32>} : memref<16x1024xf32, #tpu.memory_space<vmem>>, vector<1x16xf32>,
        %get3A_326 = vector.shape_cast %get3A_325 : vector<1x16xf32> to vector<16xf32>
        %add3A_327 = arith.addf %add3A_322, %get3A_326 : vector<16xf32>
        %swap3A_328 = arith.index_cast %scan3A_216 : i32 to index
        %swap3A_329 = arith.index_cast %add3A_311 : i32 to index
        %swap3A_330 = tpu.vector_load %arg18[%swap3A_328, %swap3A_329] {strides = array<i32>} : memref<16x1024xf32, #tpu.memory_space<vmem>>, vector<1x16xf32>,
        %swap3A_331 = vector.shape_cast %swap3A_330 : vector<1x16xf32> to vector<16xf32>
        %swap3A_332 = vector.shape_cast %add3A_327 : vector<16xf32> to vector<1x16xf32>
        tpu.vector_store %arg18[%swap3A_328, %swap3A_329], %swap3A_332 {strides = array<i32>} : memref<16x1024xf32, #tpu.memory_space<vmem>>, vector<1x16xf32>,
      }
      %scan3A_232 = arith.constant 16 : i32
    }
    %scan3A_117 = arith.constant 16 : i32
    %add3A_118 = arith.constant 16 : i32
    %add3A_119 = arith.addi %mul3A_2, %add3A_118 : i32
    %dma_start3A_120 = arith.constant 0 : i32
    %dma_start3A_121 = tpu.memref_slice %arg8[%add3A_119, %dma_start3A_120] : memref<2048x1024xf32, #tpu.memory_space<hbm>> -> memref<16x1024xf32, #tpu.memory_space<hbm>>
    %dma_start3A_122 = arith.constant 0 : i32
    %dma_start3A_123 = tpu.memref_slice %arg8[%add3A_119, %dma_start3A_122] : memref<2048x1024xf32, #tpu.memory_space<hbm>> -> memref<16x1024xf32, #tpu.memory_space<hbm>>
    tpu.enqueue_dma source(%arg18 : memref<16x1024xf32, #tpu.memory_space<vmem>>) target(%dma_start3A_123 : memref<16x1024xf32, #tpu.memory_space<hbm>>) target_semaphore(%arg26 : memref<!tpu.dma_semaphore, #tpu.memory_space<semaphore_mem>>)
    %dma_wait3A_124 = arith.constant 0 : i32
    %dma_wait3A_125 = tpu.memref_slice %arg8[%add3A_119, %dma_wait3A_124] : memref<2048x1024xf32, #tpu.memory_space<hbm>> -> memref<16x1024xf32, #tpu.memory_space<hbm>>
    %dma_wait3A_126 = arith.constant 0 : i32
    %dma_wait3A_127 = tpu.memref_slice %arg8[%add3A_119, %dma_wait3A_126] : memref<2048x1024xf32, #tpu.memory_space<hbm>> -> memref<16x1024xf32, #tpu.memory_space<hbm>>
    tpu.wait_dma2 semaphore(%arg26 : memref<!tpu.dma_semaphore, #tpu.memory_space<semaphore_mem>>) src(%arg18 : memref<16x1024xf32, #tpu.memory_space<vmem>>) dst(%dma_wait3A_127 : memref<16x1024xf32, #tpu.memory_space<hbm>>)
    %dma_start3A_128 = arith.constant 3 : i32
    %dma_start3A_129 = arith.constant 0 : i32
    %dma_start3A_130 = tpu.memref_slice %arg9[%dma_start3A_128, %dma_start3A_129] : memref<4x16xi32, #tpu.memory_space<vmem>> -> memref<1x16xi32, #tpu.memory_space<vmem>>
    %dma_start3A_131 = tpu.memref_squeeze %dma_start3A_130 : memref<1x16xi32, #tpu.memory_space<vmem>> -> memref<16xi32, #tpu.memory_space<vmem>>
    %dma_start3A_132 = arith.constant 0 : i32
    %dma_start3A_133 = arith.constant 0 : i32
    %dma_start3A_134 = tpu.memref_slice %arg2[%dma_start3A_132, %dma_start3A_133] : memref<6144x1024xf32, #tpu.memory_space<hbm>> -> memref<6144x1024xf32, #tpu.memory_space<hbm>>
    tpu.enqueue_indirect_dma source(%dma_start3A_134 : memref<6144x1024xf32, #tpu.memory_space<hbm>>) target(%arg16 : memref<16x1024xf32, #tpu.memory_space<vmem>>) offsets(%dma_start3A_131 : memref<16xi32, #tpu.memory_space<vmem>>) semaphore(%arg23 : memref<!tpu.dma_semaphore, #tpu.memory_space<semaphore_mem>>)
    %dma_start3A_135 = arith.constant 3 : i32
    %dma_start3A_136 = arith.constant 0 : i32
    %dma_start3A_137 = tpu.memref_slice %arg10[%dma_start3A_135, %dma_start3A_136] : memref<4x16xi32, #tpu.memory_space<vmem>> -> memref<1x16xi32, #tpu.memory_space<vmem>>
    %dma_start3A_138 = tpu.memref_squeeze %dma_start3A_137 : memref<1x16xi32, #tpu.memory_space<vmem>> -> memref<16xi32, #tpu.memory_space<vmem>>
    %dma_start3A_139 = arith.constant 0 : i32
    %dma_start3A_140 = arith.constant 0 : i32
    %dma_start3A_141 = tpu.memref_slice %arg2[%dma_start3A_139, %dma_start3A_140] : memref<6144x1024xf32, #tpu.memory_space<hbm>> -> memref<6144x1024xf32, #tpu.memory_space<hbm>>
    tpu.enqueue_indirect_dma source(%dma_start3A_141 : memref<6144x1024xf32, #tpu.memory_space<hbm>>) target(%arg17 : memref<16x1024xf32, #tpu.memory_space<vmem>>) offsets(%dma_start3A_138 : memref<16xi32, #tpu.memory_space<vmem>>) semaphore(%arg24 : memref<!tpu.dma_semaphore, #tpu.memory_space<semaphore_mem>>)
    %add3A_142 = arith.constant 48 : i32
    %add3A_143 = arith.addi %mul3A_2, %add3A_142 : i32
    %dma_start3A_144 = arith.constant 0 : i32
    %dma_start3A_145 = tpu.memref_slice %arg3[%add3A_143, %dma_start3A_144] : memref<2048x1024xf32, #tpu.memory_space<hbm>> -> memref<16x1024xf32, #tpu.memory_space<hbm>>
    %dma_start3A_146 = arith.constant 0 : i32
    %dma_start3A_147 = tpu.memref_slice %arg3[%add3A_143, %dma_start3A_146] : memref<2048x1024xf32, #tpu.memory_space<hbm>> -> memref<16x1024xf32, #tpu.memory_space<hbm>>
    tpu.enqueue_dma source(%dma_start3A_147 : memref<16x1024xf32, #tpu.memory_space<hbm>>) target(%arg18 : memref<16x1024xf32, #tpu.memory_space<vmem>>) target_semaphore(%arg25 : memref<!tpu.dma_semaphore, #tpu.memory_space<semaphore_mem>>)
    %dma_wait3A_148 = arith.constant 2 : i32
    %dma_wait3A_149 = arith.constant 0 : i32
    %dma_wait3A_150 = tpu.memref_slice %arg9[%dma_wait3A_148, %dma_wait3A_149] : memref<4x16xi32, #tpu.memory_space<vmem>> -> memref<1x16xi32, #tpu.memory_space<vmem>>
    %dma_wait3A_151 = tpu.memref_squeeze %dma_wait3A_150 : memref<1x16xi32, #tpu.memory_space<vmem>> -> memref<16xi32, #tpu.memory_space<vmem>>
    %dma_wait3A_152 = arith.constant 0 : i32
    %dma_wait3A_153 = arith.constant 0 : i32
    %dma_wait3A_154 = tpu.memref_slice %arg2[%dma_wait3A_152, %dma_wait3A_153] : memref<6144x1024xf32, #tpu.memory_space<hbm>> -> memref<6144x1024xf32, #tpu.memory_space<hbm>>
    tpu.wait_indirect_dma semaphore(%arg19 : memref<!tpu.dma_semaphore, #tpu.memory_space<semaphore_mem>>) src(%dma_wait3A_154 : memref<6144x1024xf32, #tpu.memory_space<hbm>>) dst(%arg13 : memref<16x1024xf32, #tpu.memory_space<vmem>>)
    %dma_wait3A_155 = arith.constant 2 : i32
    %dma_wait3A_156 = arith.constant 0 : i32
    %dma_wait3A_157 = tpu.memref_slice %arg10[%dma_wait3A_155, %dma_wait3A_156] : memref<4x16xi32, #tpu.memory_space<vmem>> -> memref<1x16xi32, #tpu.memory_space<vmem>>
    %dma_wait3A_158 = tpu.memref_squeeze %dma_wait3A_157 : memref<1x16xi32, #tpu.memory_space<vmem>> -> memref<16xi32, #tpu.memory_space<vmem>>
    %dma_wait3A_159 = arith.constant 0 : i32
    %dma_wait3A_160 = arith.constant 0 : i32
    %dma_wait3A_161 = tpu.memref_slice %arg2[%dma_wait3A_159, %dma_wait3A_160] : memref<6144x1024xf32, #tpu.memory_space<hbm>> -> memref<6144x1024xf32, #tpu.memory_space<hbm>>
    tpu.wait_indirect_dma semaphore(%arg20 : memref<!tpu.dma_semaphore, #tpu.memory_space<semaphore_mem>>) src(%dma_wait3A_161 : memref<6144x1024xf32, #tpu.memory_space<hbm>>) dst(%arg14 : memref<16x1024xf32, #tpu.memory_space<vmem>>)
    %dma_wait3A_162 = arith.constant 0 : i32
    %dma_wait3A_163 = tpu.memref_slice %arg3[%add3A_89, %dma_wait3A_162] : memref<2048x1024xf32, #tpu.memory_space<hbm>> -> memref<16x1024xf32, #tpu.memory_space<hbm>>
    %dma_wait3A_164 = arith.constant 0 : i32
    %dma_wait3A_165 = tpu.memref_slice %arg3[%add3A_89, %dma_wait3A_164] : memref<2048x1024xf32, #tpu.memory_space<hbm>> -> memref<16x1024xf32, #tpu.memory_space<hbm>>
    tpu.wait_dma2 semaphore(%arg21 : memref<!tpu.dma_semaphore, #tpu.memory_space<semaphore_mem>>) src(%dma_wait3A_165 : memref<16x1024xf32, #tpu.memory_space<hbm>>) dst(%arg15 : memref<16x1024xf32, #tpu.memory_space<vmem>>)
    %scan3A_166 = arith.constant 0 : i32
    %scan3A_167 = arith.constant 0 : i32
    %scan3A_168 = arith.constant 16 : i32
    %scan3A_169 = arith.addi %scan3A_167, %scan3A_168 : i32
    %scan3A_170 = arith.constant 1 : i32
    scf.for %scan3A_216 = %scan3A_167 to %scan3A_169 step %scan3A_170  : i32 {
      %add3A_217 = arith.constant 32 : i32
      %add3A_218 = arith.addi %add3A_217, %scan3A_216 : i32
      %get3A = arith.index_cast %add3A_218 : i32 to index
      %get3A_219 = arith.constant 0 : index
      %get3A_220 = tpu.vector_load %arg11[%get3A, %get3A_219] {strides = array<i32>} : memref<64x16xf32, #tpu.memory_space<vmem>>, vector<1x16xf32>,
      %get3A_221 = vector.shape_cast %get3A_220 : vector<1x16xf32> to vector<16xf32>
      %add3A_222 = arith.constant 32 : i32
      %add3A_223 = arith.addi %add3A_222, %scan3A_216 : i32
      %get3A_224 = arith.index_cast %add3A_223 : i32 to index
      %get3A_225 = arith.constant 0 : index
      %get3A_226 = tpu.vector_load %arg12[%get3A_224, %get3A_225] {strides = array<i32>} : memref<64x16xf32, #tpu.memory_space<vmem>>, vector<1x16xf32>,
      %get3A_227 = vector.shape_cast %get3A_226 : vector<1x16xf32> to vector<16xf32>
      %scan3A_228 = arith.constant 0 : i32
      %scan3A_229 = arith.constant 16 : i32
      %scan3A_230 = arith.addi %scan3A_228, %scan3A_229 : i32
      %scan3A_231 = arith.constant 1 : i32
      scf.for %scan3A_233 = %scan3A_228 to %scan3A_230 step %scan3A_231  : i32 {
        %mul3A_234 = arith.constant 64 : i32
        %mul3A_235 = arith.muli %scan3A_233, %mul3A_234 : i32
        %add3A_236 = arith.constant 0 : i32
        %add3A_237 = arith.addi %mul3A_235, %add3A_236 : i32
        %get3A_238 = arith.index_cast %scan3A_216 : i32 to index
        %get3A_239 = arith.index_cast %add3A_237 : i32 to index
        %get3A_240 = tpu.vector_load %arg13[%get3A_238, %get3A_239] {strides = array<i32>} : memref<16x1024xf32, #tpu.memory_space<vmem>>, vector<1x16xf32>,
        %get3A_241 = vector.shape_cast %get3A_240 : vector<1x16xf32> to vector<16xf32>
        %mul3A_242 = arith.mulf %get3A_221, %get3A_241 : vector<16xf32>
        %get3A_243 = arith.index_cast %scan3A_216 : i32 to index
        %get3A_244 = arith.index_cast %add3A_237 : i32 to index
        %get3A_245 = tpu.vector_load %arg14[%get3A_243, %get3A_244] {strides = array<i32>} : memref<16x1024xf32, #tpu.memory_space<vmem>>, vector<1x16xf32>,
        %get3A_246 = vector.shape_cast %get3A_245 : vector<1x16xf32> to vector<16xf32>
        %mul3A_247 = arith.mulf %get3A_227, %get3A_246 : vector<16xf32>
        %add3A_248 = arith.addf %mul3A_242, %mul3A_247 : vector<16xf32>
        %get3A_249 = arith.index_cast %scan3A_216 : i32 to index
        %get3A_250 = arith.index_cast %add3A_237 : i32 to index
        %get3A_251 = tpu.vector_load %arg15[%get3A_249, %get3A_250] {strides = array<i32>} : memref<16x1024xf32, #tpu.memory_space<vmem>>, vector<1x16xf32>,
        %get3A_252 = vector.shape_cast %get3A_251 : vector<1x16xf32> to vector<16xf32>
        %add3A_253 = arith.addf %add3A_248, %get3A_252 : vector<16xf32>
        %swap3A = arith.index_cast %scan3A_216 : i32 to index
        %swap3A_254 = arith.index_cast %add3A_237 : i32 to index
        %swap3A_255 = tpu.vector_load %arg15[%swap3A, %swap3A_254] {strides = array<i32>} : memref<16x1024xf32, #tpu.memory_space<vmem>>, vector<1x16xf32>,
        %swap3A_256 = vector.shape_cast %swap3A_255 : vector<1x16xf32> to vector<16xf32>
        %swap3A_257 = vector.shape_cast %add3A_253 : vector<16xf32> to vector<1x16xf32>
        tpu.vector_store %arg15[%swap3A, %swap3A_254], %swap3A_257 {strides = array<i32>} : memref<16x1024xf32, #tpu.memory_space<vmem>>, vector<1x16xf32>,
        %mul3A_258 = arith.constant 64 : i32
        %mul3A_259 = arith.muli %scan3A_233, %mul3A_258 : i32
        %add3A_260 = arith.constant 16 : i32
        %add3A_261 = arith.addi %mul3A_259, %add3A_260 : i32
        %get3A_262 = arith.index_cast %scan3A_216 : i32 to index
        %get3A_263 = arith.index_cast %add3A_261 : i32 to index
        %get3A_264 = tpu.vector_load %arg13[%get3A_262, %get3A_263] {strides = array<i32>} : memref<16x1024xf32, #tpu.memory_space<vmem>>, vector<1x16xf32>,
        %get3A_265 = vector.shape_cast %get3A_264 : vector<1x16xf32> to vector<16xf32>
        %mul3A_266 = arith.mulf %get3A_221, %get3A_265 : vector<16xf32>
        %get3A_267 = arith.index_cast %scan3A_216 : i32 to index
        %get3A_268 = arith.index_cast %add3A_261 : i32 to index
        %get3A_269 = tpu.vector_load %arg14[%get3A_267, %get3A_268] {strides = array<i32>} : memref<16x1024xf32, #tpu.memory_space<vmem>>, vector<1x16xf32>,
        %get3A_270 = vector.shape_cast %get3A_269 : vector<1x16xf32> to vector<16xf32>
        %mul3A_271 = arith.mulf %get3A_227, %get3A_270 : vector<16xf32>
        %add3A_272 = arith.addf %mul3A_266, %mul3A_271 : vector<16xf32>
        %get3A_273 = arith.index_cast %scan3A_216 : i32 to index
        %get3A_274 = arith.index_cast %add3A_261 : i32 to index
        %get3A_275 = tpu.vector_load %arg15[%get3A_273, %get3A_274] {strides = array<i32>} : memref<16x1024xf32, #tpu.memory_space<vmem>>, vector<1x16xf32>,
        %get3A_276 = vector.shape_cast %get3A_275 : vector<1x16xf32> to vector<16xf32>
        %add3A_277 = arith.addf %add3A_272, %get3A_276 : vector<16xf32>
        %swap3A_278 = arith.index_cast %scan3A_216 : i32 to index
        %swap3A_279 = arith.index_cast %add3A_261 : i32 to index
        %swap3A_280 = tpu.vector_load %arg15[%swap3A_278, %swap3A_279] {strides = array<i32>} : memref<16x1024xf32, #tpu.memory_space<vmem>>, vector<1x16xf32>,
        %swap3A_281 = vector.shape_cast %swap3A_280 : vector<1x16xf32> to vector<16xf32>
        %swap3A_282 = vector.shape_cast %add3A_277 : vector<16xf32> to vector<1x16xf32>
        tpu.vector_store %arg15[%swap3A_278, %swap3A_279], %swap3A_282 {strides = array<i32>} : memref<16x1024xf32, #tpu.memory_space<vmem>>, vector<1x16xf32>,
        %mul3A_283 = arith.constant 64 : i32
        %mul3A_284 = arith.muli %scan3A_233, %mul3A_283 : i32
        %add3A_285 = arith.constant 32 : i32
        %add3A_286 = arith.addi %mul3A_284, %add3A_285 : i32
        %get3A_287 = arith.index_cast %scan3A_216 : i32 to index
        %get3A_288 = arith.index_cast %add3A_286 : i32 to index
        %get3A_289 = tpu.vector_load %arg13[%get3A_287, %get3A_288] {strides = array<i32>} : memref<16x1024xf32, #tpu.memory_space<vmem>>, vector<1x16xf32>,
        %get3A_290 = vector.shape_cast %get3A_289 : vector<1x16xf32> to vector<16xf32>
        %mul3A_291 = arith.mulf %get3A_221, %get3A_290 : vector<16xf32>
        %get3A_292 = arith.index_cast %scan3A_216 : i32 to index
        %get3A_293 = arith.index_cast %add3A_286 : i32 to index
        %get3A_294 = tpu.vector_load %arg14[%get3A_292, %get3A_293] {strides = array<i32>} : memref<16x1024xf32, #tpu.memory_space<vmem>>, vector<1x16xf32>,
        %get3A_295 = vector.shape_cast %get3A_294 : vector<1x16xf32> to vector<16xf32>
        %mul3A_296 = arith.mulf %get3A_227, %get3A_295 : vector<16xf32>
        %add3A_297 = arith.addf %mul3A_291, %mul3A_296 : vector<16xf32>
        %get3A_298 = arith.index_cast %scan3A_216 : i32 to index
        %get3A_299 = arith.index_cast %add3A_286 : i32 to index
        %get3A_300 = tpu.vector_load %arg15[%get3A_298, %get3A_299] {strides = array<i32>} : memref<16x1024xf32, #tpu.memory_space<vmem>>, vector<1x16xf32>,
        %get3A_301 = vector.shape_cast %get3A_300 : vector<1x16xf32> to vector<16xf32>
        %add3A_302 = arith.addf %add3A_297, %get3A_301 : vector<16xf32>
        %swap3A_303 = arith.index_cast %scan3A_216 : i32 to index
        %swap3A_304 = arith.index_cast %add3A_286 : i32 to index
        %swap3A_305 = tpu.vector_load %arg15[%swap3A_303, %swap3A_304] {strides = array<i32>} : memref<16x1024xf32, #tpu.memory_space<vmem>>, vector<1x16xf32>,
        %swap3A_306 = vector.shape_cast %swap3A_305 : vector<1x16xf32> to vector<16xf32>
        %swap3A_307 = vector.shape_cast %add3A_302 : vector<16xf32> to vector<1x16xf32>
        tpu.vector_store %arg15[%swap3A_303, %swap3A_304], %swap3A_307 {strides = array<i32>} : memref<16x1024xf32, #tpu.memory_space<vmem>>, vector<1x16xf32>,
        %mul3A_308 = arith.constant 64 : i32
        %mul3A_309 = arith.muli %scan3A_233, %mul3A_308 : i32
        %add3A_310 = arith.constant 48 : i32
        %add3A_311 = arith.addi %mul3A_309, %add3A_310 : i32
        %get3A_312 = arith.index_cast %scan3A_216 : i32 to index
        %get3A_313 = arith.index_cast %add3A_311 : i32 to index
        %get3A_314 = tpu.vector_load %arg13[%get3A_312, %get3A_313] {strides = array<i32>} : memref<16x1024xf32, #tpu.memory_space<vmem>>, vector<1x16xf32>,
        %get3A_315 = vector.shape_cast %get3A_314 : vector<1x16xf32> to vector<16xf32>
        %mul3A_316 = arith.mulf %get3A_221, %get3A_315 : vector<16xf32>
        %get3A_317 = arith.index_cast %scan3A_216 : i32 to index
        %get3A_318 = arith.index_cast %add3A_311 : i32 to index
        %get3A_319 = tpu.vector_load %arg14[%get3A_317, %get3A_318] {strides = array<i32>} : memref<16x1024xf32, #tpu.memory_space<vmem>>, vector<1x16xf32>,
        %get3A_320 = vector.shape_cast %get3A_319 : vector<1x16xf32> to vector<16xf32>
        %mul3A_321 = arith.mulf %get3A_227, %get3A_320 : vector<16xf32>
        %add3A_322 = arith.addf %mul3A_316, %mul3A_321 : vector<16xf32>
        %get3A_323 = arith.index_cast %scan3A_216 : i32 to index
        %get3A_324 = arith.index_cast %add3A_311 : i32 to index
        %get3A_325 = tpu.vector_load %arg15[%get3A_323, %get3A_324] {strides = array<i32>} : memref<16x1024xf32, #tpu.memory_space<vmem>>, vector<1x16xf32>,
        %get3A_326 = vector.shape_cast %get3A_325 : vector<1x16xf32> to vector<16xf32>
        %add3A_327 = arith.addf %add3A_322, %get3A_326 : vector<16xf32>
        %swap3A_328 = arith.index_cast %scan3A_216 : i32 to index
        %swap3A_329 = arith.index_cast %add3A_311 : i32 to index
        %swap3A_330 = tpu.vector_load %arg15[%swap3A_328, %swap3A_329] {strides = array<i32>} : memref<16x1024xf32, #tpu.memory_space<vmem>>, vector<1x16xf32>,
        %swap3A_331 = vector.shape_cast %swap3A_330 : vector<1x16xf32> to vector<16xf32>
        %swap3A_332 = vector.shape_cast %add3A_327 : vector<16xf32> to vector<1x16xf32>
        tpu.vector_store %arg15[%swap3A_328, %swap3A_329], %swap3A_332 {strides = array<i32>} : memref<16x1024xf32, #tpu.memory_space<vmem>>, vector<1x16xf32>,
      }
      %scan3A_232 = arith.constant 16 : i32
    }
    %scan3A_171 = arith.constant 16 : i32
    %add3A_172 = arith.constant 32 : i32
    %add3A_173 = arith.addi %mul3A_2, %add3A_172 : i32
    %dma_start3A_174 = arith.constant 0 : i32
    %dma_start3A_175 = tpu.memref_slice %arg8[%add3A_173, %dma_start3A_174] : memref<2048x1024xf32, #tpu.memory_space<hbm>> -> memref<16x1024xf32, #tpu.memory_space<hbm>>
    %dma_start3A_176 = arith.constant 0 : i32
    %dma_start3A_177 = tpu.memref_slice %arg8[%add3A_173, %dma_start3A_176] : memref<2048x1024xf32, #tpu.memory_space<hbm>> -> memref<16x1024xf32, #tpu.memory_space<hbm>>
    tpu.enqueue_dma source(%arg15 : memref<16x1024xf32, #tpu.memory_space<vmem>>) target(%dma_start3A_177 : memref<16x1024xf32, #tpu.memory_space<hbm>>) target_semaphore(%arg22 : memref<!tpu.dma_semaphore, #tpu.memory_space<semaphore_mem>>)
    %dma_wait3A_178 = arith.constant 3 : i32
    %dma_wait3A_179 = arith.constant 0 : i32
    %dma_wait3A_180 = tpu.memref_slice %arg9[%dma_wait3A_178, %dma_wait3A_179] : memref<4x16xi32, #tpu.memory_space<vmem>> -> memref<1x16xi32, #tpu.memory_space<vmem>>
    %dma_wait3A_181 = tpu.memref_squeeze %dma_wait3A_180 : memref<1x16xi32, #tpu.memory_space<vmem>> -> memref<16xi32, #tpu.memory_space<vmem>>
    %dma_wait3A_182 = arith.constant 0 : i32
    %dma_wait3A_183 = arith.constant 0 : i32
    %dma_wait3A_184 = tpu.memref_slice %arg2[%dma_wait3A_182, %dma_wait3A_183] : memref<6144x1024xf32, #tpu.memory_space<hbm>> -> memref<6144x1024xf32, #tpu.memory_space<hbm>>
    tpu.wait_indirect_dma semaphore(%arg23 : memref<!tpu.dma_semaphore, #tpu.memory_space<semaphore_mem>>) src(%dma_wait3A_184 : memref<6144x1024xf32, #tpu.memory_space<hbm>>) dst(%arg16 : memref<16x1024xf32, #tpu.memory_space<vmem>>)
    %dma_wait3A_185 = arith.constant 3 : i32
    %dma_wait3A_186 = arith.constant 0 : i32
    %dma_wait3A_187 = tpu.memref_slice %arg10[%dma_wait3A_185, %dma_wait3A_186] : memref<4x16xi32, #tpu.memory_space<vmem>> -> memref<1x16xi32, #tpu.memory_space<vmem>>
    %dma_wait3A_188 = tpu.memref_squeeze %dma_wait3A_187 : memref<1x16xi32, #tpu.memory_space<vmem>> -> memref<16xi32, #tpu.memory_space<vmem>>
    %dma_wait3A_189 = arith.constant 0 : i32
    %dma_wait3A_190 = arith.constant 0 : i32
    %dma_wait3A_191 = tpu.memref_slice %arg2[%dma_wait3A_189, %dma_wait3A_190] : memref<6144x1024xf32, #tpu.memory_space<hbm>> -> memref<6144x1024xf32, #tpu.memory_space<hbm>>
    tpu.wait_indirect_dma semaphore(%arg24 : memref<!tpu.dma_semaphore, #tpu.memory_space<semaphore_mem>>) src(%dma_wait3A_191 : memref<6144x1024xf32, #tpu.memory_space<hbm>>) dst(%arg17 : memref<16x1024xf32, #tpu.memory_space<vmem>>)
    %dma_wait3A_192 = arith.constant 0 : i32
    %dma_wait3A_193 = tpu.memref_slice %arg3[%add3A_143, %dma_wait3A_192] : memref<2048x1024xf32, #tpu.memory_space<hbm>> -> memref<16x1024xf32, #tpu.memory_space<hbm>>
    %dma_wait3A_194 = arith.constant 0 : i32
    %dma_wait3A_195 = tpu.memref_slice %arg3[%add3A_143, %dma_wait3A_194] : memref<2048x1024xf32, #tpu.memory_space<hbm>> -> memref<16x1024xf32, #tpu.memory_space<hbm>>
    tpu.wait_dma2 semaphore(%arg25 : memref<!tpu.dma_semaphore, #tpu.memory_space<semaphore_mem>>) src(%dma_wait3A_195 : memref<16x1024xf32, #tpu.memory_space<hbm>>) dst(%arg18 : memref<16x1024xf32, #tpu.memory_space<vmem>>)
    %scan3A_196 = arith.constant 0 : i32
    %scan3A_197 = arith.constant 0 : i32
    %scan3A_198 = arith.constant 16 : i32
    %scan3A_199 = arith.addi %scan3A_197, %scan3A_198 : i32
    %scan3A_200 = arith.constant 1 : i32
    scf.for %scan3A_216 = %scan3A_197 to %scan3A_199 step %scan3A_200  : i32 {
      %add3A_217 = arith.constant 48 : i32
      %add3A_218 = arith.addi %add3A_217, %scan3A_216 : i32
      %get3A = arith.index_cast %add3A_218 : i32 to index
      %get3A_219 = arith.constant 0 : index
      %get3A_220 = tpu.vector_load %arg11[%get3A, %get3A_219] {strides = array<i32>} : memref<64x16xf32, #tpu.memory_space<vmem>>, vector<1x16xf32>,
      %get3A_221 = vector.shape_cast %get3A_220 : vector<1x16xf32> to vector<16xf32>
      %add3A_222 = arith.constant 48 : i32
      %add3A_223 = arith.addi %add3A_222, %scan3A_216 : i32
      %get3A_224 = arith.index_cast %add3A_223 : i32 to index
      %get3A_225 = arith.constant 0 : index
      %get3A_226 = tpu.vector_load %arg12[%get3A_224, %get3A_225] {strides = array<i32>} : memref<64x16xf32, #tpu.memory_space<vmem>>, vector<1x16xf32>,
      %get3A_227 = vector.shape_cast %get3A_226 : vector<1x16xf32> to vector<16xf32>
      %scan3A_228 = arith.constant 0 : i32
      %scan3A_229 = arith.constant 16 : i32
      %scan3A_230 = arith.addi %scan3A_228, %scan3A_229 : i32
      %scan3A_231 = arith.constant 1 : i32
      scf.for %scan3A_233 = %scan3A_228 to %scan3A_230 step %scan3A_231  : i32 {
        %mul3A_234 = arith.constant 64 : i32
        %mul3A_235 = arith.muli %scan3A_233, %mul3A_234 : i32
        %add3A_236 = arith.constant 0 : i32
        %add3A_237 = arith.addi %mul3A_235, %add3A_236 : i32
        %get3A_238 = arith.index_cast %scan3A_216 : i32 to index
        %get3A_239 = arith.index_cast %add3A_237 : i32 to index
        %get3A_240 = tpu.vector_load %arg16[%get3A_238, %get3A_239] {strides = array<i32>} : memref<16x1024xf32, #tpu.memory_space<vmem>>, vector<1x16xf32>,
        %get3A_241 = vector.shape_cast %get3A_240 : vector<1x16xf32> to vector<16xf32>
        %mul3A_242 = arith.mulf %get3A_221, %get3A_241 : vector<16xf32>
        %get3A_243 = arith.index_cast %scan3A_216 : i32 to index
        %get3A_244 = arith.index_cast %add3A_237 : i32 to index
        %get3A_245 = tpu.vector_load %arg17[%get3A_243, %get3A_244] {strides = array<i32>} : memref<16x1024xf32, #tpu.memory_space<vmem>>, vector<1x16xf32>,
        %get3A_246 = vector.shape_cast %get3A_245 : vector<1x16xf32> to vector<16xf32>
        %mul3A_247 = arith.mulf %get3A_227, %get3A_246 : vector<16xf32>
        %add3A_248 = arith.addf %mul3A_242, %mul3A_247 : vector<16xf32>
        %get3A_249 = arith.index_cast %scan3A_216 : i32 to index
        %get3A_250 = arith.index_cast %add3A_237 : i32 to index
        %get3A_251 = tpu.vector_load %arg18[%get3A_249, %get3A_250] {strides = array<i32>} : memref<16x1024xf32, #tpu.memory_space<vmem>>, vector<1x16xf32>,
        %get3A_252 = vector.shape_cast %get3A_251 : vector<1x16xf32> to vector<16xf32>
        %add3A_253 = arith.addf %add3A_248, %get3A_252 : vector<16xf32>
        %swap3A = arith.index_cast %scan3A_216 : i32 to index
        %swap3A_254 = arith.index_cast %add3A_237 : i32 to index
        %swap3A_255 = tpu.vector_load %arg18[%swap3A, %swap3A_254] {strides = array<i32>} : memref<16x1024xf32, #tpu.memory_space<vmem>>, vector<1x16xf32>,
        %swap3A_256 = vector.shape_cast %swap3A_255 : vector<1x16xf32> to vector<16xf32>
        %swap3A_257 = vector.shape_cast %add3A_253 : vector<16xf32> to vector<1x16xf32>
        tpu.vector_store %arg18[%swap3A, %swap3A_254], %swap3A_257 {strides = array<i32>} : memref<16x1024xf32, #tpu.memory_space<vmem>>, vector<1x16xf32>,
        %mul3A_258 = arith.constant 64 : i32
        %mul3A_259 = arith.muli %scan3A_233, %mul3A_258 : i32
        %add3A_260 = arith.constant 16 : i32
        %add3A_261 = arith.addi %mul3A_259, %add3A_260 : i32
        %get3A_262 = arith.index_cast %scan3A_216 : i32 to index
        %get3A_263 = arith.index_cast %add3A_261 : i32 to index
        %get3A_264 = tpu.vector_load %arg16[%get3A_262, %get3A_263] {strides = array<i32>} : memref<16x1024xf32, #tpu.memory_space<vmem>>, vector<1x16xf32>,
        %get3A_265 = vector.shape_cast %get3A_264 : vector<1x16xf32> to vector<16xf32>
        %mul3A_266 = arith.mulf %get3A_221, %get3A_265 : vector<16xf32>
        %get3A_267 = arith.index_cast %scan3A_216 : i32 to index
        %get3A_268 = arith.index_cast %add3A_261 : i32 to index
        %get3A_269 = tpu.vector_load %arg17[%get3A_267, %get3A_268] {strides = array<i32>} : memref<16x1024xf32, #tpu.memory_space<vmem>>, vector<1x16xf32>,
        %get3A_270 = vector.shape_cast %get3A_269 : vector<1x16xf32> to vector<16xf32>
        %mul3A_271 = arith.mulf %get3A_227, %get3A_270 : vector<16xf32>
        %add3A_272 = arith.addf %mul3A_266, %mul3A_271 : vector<16xf32>
        %get3A_273 = arith.index_cast %scan3A_216 : i32 to index
        %get3A_274 = arith.index_cast %add3A_261 : i32 to index
        %get3A_275 = tpu.vector_load %arg18[%get3A_273, %get3A_274] {strides = array<i32>} : memref<16x1024xf32, #tpu.memory_space<vmem>>, vector<1x16xf32>,
        %get3A_276 = vector.shape_cast %get3A_275 : vector<1x16xf32> to vector<16xf32>
        %add3A_277 = arith.addf %add3A_272, %get3A_276 : vector<16xf32>
        %swap3A_278 = arith.index_cast %scan3A_216 : i32 to index
        %swap3A_279 = arith.index_cast %add3A_261 : i32 to index
        %swap3A_280 = tpu.vector_load %arg18[%swap3A_278, %swap3A_279] {strides = array<i32>} : memref<16x1024xf32, #tpu.memory_space<vmem>>, vector<1x16xf32>,
        %swap3A_281 = vector.shape_cast %swap3A_280 : vector<1x16xf32> to vector<16xf32>
        %swap3A_282 = vector.shape_cast %add3A_277 : vector<16xf32> to vector<1x16xf32>
        tpu.vector_store %arg18[%swap3A_278, %swap3A_279], %swap3A_282 {strides = array<i32>} : memref<16x1024xf32, #tpu.memory_space<vmem>>, vector<1x16xf32>,
        %mul3A_283 = arith.constant 64 : i32
        %mul3A_284 = arith.muli %scan3A_233, %mul3A_283 : i32
        %add3A_285 = arith.constant 32 : i32
        %add3A_286 = arith.addi %mul3A_284, %add3A_285 : i32
        %get3A_287 = arith.index_cast %scan3A_216 : i32 to index
        %get3A_288 = arith.index_cast %add3A_286 : i32 to index
        %get3A_289 = tpu.vector_load %arg16[%get3A_287, %get3A_288] {strides = array<i32>} : memref<16x1024xf32, #tpu.memory_space<vmem>>, vector<1x16xf32>,
        %get3A_290 = vector.shape_cast %get3A_289 : vector<1x16xf32> to vector<16xf32>
        %mul3A_291 = arith.mulf %get3A_221, %get3A_290 : vector<16xf32>
        %get3A_292 = arith.index_cast %scan3A_216 : i32 to index
        %get3A_293 = arith.index_cast %add3A_286 : i32 to index
        %get3A_294 = tpu.vector_load %arg17[%get3A_292, %get3A_293] {strides = array<i32>} : memref<16x1024xf32, #tpu.memory_space<vmem>>, vector<1x16xf32>,
        %get3A_295 = vector.shape_cast %get3A_294 : vector<1x16xf32> to vector<16xf32>
        %mul3A_296 = arith.mulf %get3A_227, %get3A_295 : vector<16xf32>
        %add3A_297 = arith.addf %mul3A_291, %mul3A_296 : vector<16xf32>
        %get3A_298 = arith.index_cast %scan3A_216 : i32 to index
        %get3A_299 = arith.index_cast %add3A_286 : i32 to index
        %get3A_300 = tpu.vector_load %arg18[%get3A_298, %get3A_299] {strides = array<i32>} : memref<16x1024xf32, #tpu.memory_space<vmem>>, vector<1x16xf32>,
        %get3A_301 = vector.shape_cast %get3A_300 : vector<1x16xf32> to vector<16xf32>
        %add3A_302 = arith.addf %add3A_297, %get3A_301 : vector<16xf32>
        %swap3A_303 = arith.index_cast %scan3A_216 : i32 to index
        %swap3A_304 = arith.index_cast %add3A_286 : i32 to index
        %swap3A_305 = tpu.vector_load %arg18[%swap3A_303, %swap3A_304] {strides = array<i32>} : memref<16x1024xf32, #tpu.memory_space<vmem>>, vector<1x16xf32>,
        %swap3A_306 = vector.shape_cast %swap3A_305 : vector<1x16xf32> to vector<16xf32>
        %swap3A_307 = vector.shape_cast %add3A_302 : vector<16xf32> to vector<1x16xf32>
        tpu.vector_store %arg18[%swap3A_303, %swap3A_304], %swap3A_307 {strides = array<i32>} : memref<16x1024xf32, #tpu.memory_space<vmem>>, vector<1x16xf32>,
        %mul3A_308 = arith.constant 64 : i32
        %mul3A_309 = arith.muli %scan3A_233, %mul3A_308 : i32
        %add3A_310 = arith.constant 48 : i32
        %add3A_311 = arith.addi %mul3A_309, %add3A_310 : i32
        %get3A_312 = arith.index_cast %scan3A_216 : i32 to index
        %get3A_313 = arith.index_cast %add3A_311 : i32 to index
        %get3A_314 = tpu.vector_load %arg16[%get3A_312, %get3A_313] {strides = array<i32>} : memref<16x1024xf32, #tpu.memory_space<vmem>>, vector<1x16xf32>,
        %get3A_315 = vector.shape_cast %get3A_314 : vector<1x16xf32> to vector<16xf32>
        %mul3A_316 = arith.mulf %get3A_221, %get3A_315 : vector<16xf32>
        %get3A_317 = arith.index_cast %scan3A_216 : i32 to index
        %get3A_318 = arith.index_cast %add3A_311 : i32 to index
        %get3A_319 = tpu.vector_load %arg17[%get3A_317, %get3A_318] {strides = array<i32>} : memref<16x1024xf32, #tpu.memory_space<vmem>>, vector<1x16xf32>,
        %get3A_320 = vector.shape_cast %get3A_319 : vector<1x16xf32> to vector<16xf32>
        %mul3A_321 = arith.mulf %get3A_227, %get3A_320 : vector<16xf32>
        %add3A_322 = arith.addf %mul3A_316, %mul3A_321 : vector<16xf32>
        %get3A_323 = arith.index_cast %scan3A_216 : i32 to index
        %get3A_324 = arith.index_cast %add3A_311 : i32 to index
        %get3A_325 = tpu.vector_load %arg18[%get3A_323, %get3A_324] {strides = array<i32>} : memref<16x1024xf32, #tpu.memory_space<vmem>>, vector<1x16xf32>,
        %get3A_326 = vector.shape_cast %get3A_325 : vector<1x16xf32> to vector<16xf32>
        %add3A_327 = arith.addf %add3A_322, %get3A_326 : vector<16xf32>
        %swap3A_328 = arith.index_cast %scan3A_216 : i32 to index
        %swap3A_329 = arith.index_cast %add3A_311 : i32 to index
        %swap3A_330 = tpu.vector_load %arg18[%swap3A_328, %swap3A_329] {strides = array<i32>} : memref<16x1024xf32, #tpu.memory_space<vmem>>, vector<1x16xf32>,
        %swap3A_331 = vector.shape_cast %swap3A_330 : vector<1x16xf32> to vector<16xf32>
        %swap3A_332 = vector.shape_cast %add3A_327 : vector<16xf32> to vector<1x16xf32>
        tpu.vector_store %arg18[%swap3A_328, %swap3A_329], %swap3A_332 {strides = array<i32>} : memref<16x1024xf32, #tpu.memory_space<vmem>>, vector<1x16xf32>,
      }
      %scan3A_232 = arith.constant 16 : i32
    }
    %scan3A_201 = arith.constant 16 : i32
    %add3A_202 = arith.constant 48 : i32
    %add3A_203 = arith.addi %mul3A_2, %add3A_202 : i32
    %dma_start3A_204 = arith.constant 0 : i32
    %dma_start3A_205 = tpu.memref_slice %arg8[%add3A_203, %dma_start3A_204] : memref<2048x1024xf32, #tpu.memory_space<hbm>> -> memref<16x1024xf32, #tpu.memory_space<hbm>>
    %dma_start3A_206 = arith.constant 0 : i32
    %dma_start3A_207 = tpu.memref_slice %arg8[%add3A_203, %dma_start3A_206] : memref<2048x1024xf32, #tpu.memory_space<hbm>> -> memref<16x1024xf32, #tpu.memory_space<hbm>>
    tpu.enqueue_dma source(%arg18 : memref<16x1024xf32, #tpu.memory_space<vmem>>) target(%dma_start3A_207 : memref<16x1024xf32, #tpu.memory_space<hbm>>) target_semaphore(%arg26 : memref<!tpu.dma_semaphore, #tpu.memory_space<semaphore_mem>>)
    %dma_wait3A_208 = arith.constant 0 : i32
    %dma_wait3A_209 = tpu.memref_slice %arg8[%add3A_173, %dma_wait3A_208] : memref<2048x1024xf32, #tpu.memory_space<hbm>> -> memref<16x1024xf32, #tpu.memory_space<hbm>>
    %dma_wait3A_210 = arith.constant 0 : i32
    %dma_wait3A_211 = tpu.memref_slice %arg8[%add3A_173, %dma_wait3A_210] : memref<2048x1024xf32, #tpu.memory_space<hbm>> -> memref<16x1024xf32, #tpu.memory_space<hbm>>
    tpu.wait_dma2 semaphore(%arg22 : memref<!tpu.dma_semaphore, #tpu.memory_space<semaphore_mem>>) src(%arg15 : memref<16x1024xf32, #tpu.memory_space<vmem>>) dst(%dma_wait3A_211 : memref<16x1024xf32, #tpu.memory_space<hbm>>)
    %dma_wait3A_212 = arith.constant 0 : i32
    %dma_wait3A_213 = tpu.memref_slice %arg8[%add3A_203, %dma_wait3A_212] : memref<2048x1024xf32, #tpu.memory_space<hbm>> -> memref<16x1024xf32, #tpu.memory_space<hbm>>
    %dma_wait3A_214 = arith.constant 0 : i32
    %dma_wait3A_215 = tpu.memref_slice %arg8[%add3A_203, %dma_wait3A_214] : memref<2048x1024xf32, #tpu.memory_space<hbm>> -> memref<16x1024xf32, #tpu.memory_space<hbm>>
    tpu.wait_dma2 semaphore(%arg26 : memref<!tpu.dma_semaphore, #tpu.memory_space<semaphore_mem>>) src(%arg18 : memref<16x1024xf32, #tpu.memory_space<vmem>>) dst(%dma_wait3A_215 : memref<16x1024xf32, #tpu.memory_space<hbm>>)
    return
  }
}

#map = affine_map<(d0, d1) -> (0, 0)>
module attributes {stable_mosaic.version = 14 : i64} {
  func.func @_dispatch_body(%arg0: i32, %arg1: i32, %arg2: memref<2048x1024xf32, #tpu.memory_space<hbm>>, %arg3: memref<32x64xi32, #tpu.memory_space<hbm>>, %arg4: memref<32x64xi32, #tpu.memory_space<hbm>>, %arg5: memref<6144x1024xf32, #tpu.memory_space<hbm>>, %arg6: memref<64x1024xf32, #tpu.memory_space<vmem>>, %arg7: memref<64xi32, #tpu.memory_space<vmem>>, %arg8: memref<64xi32, #tpu.memory_space<vmem>>, %arg9: memref<!tpu.dma_semaphore, #tpu.memory_space<semaphore_mem>>, %arg10: memref<!tpu.dma_semaphore, #tpu.memory_space<semaphore_mem>>) attributes {dimension_semantics = [#tpu.dimension_semantics<core_parallel>, #tpu.dimension_semantics<subcore_parallel>], iteration_bounds = array<i64: 2, 16>, scalar_prefetch = 0 : i64, scratch_operands = 5 : i64, tpu.core_type = #tpu.core_type<sc_vector_subcore>, window_params = [{transform_indices = #map}, {transform_indices = #map}, {transform_indices = #map}, {transform_indices = #map}]} {
    %mul3A = arith.constant 2 : i32
    %mul3A_0 = arith.muli %arg1, %mul3A : i32
    %add3A = arith.addi %mul3A_0, %arg0 : i32
    %mul3A_1 = arith.constant 64 : i32
    %mul3A_2 = arith.muli %add3A, %mul3A_1 : i32
    "tpu.region"() ({
      %run_scoped3A = tpu.sem_alloc : memref<!tpu.dma_semaphore, #tpu.memory_space<semaphore_mem>>
      %dma_start3A_13 = arith.constant 0 : i32
      %dma_start3A_14 = tpu.memref_slice %arg3[%add3A, %dma_start3A_13] : memref<32x64xi32, #tpu.memory_space<hbm>> -> memref<1x64xi32, #tpu.memory_space<hbm>>
      %dma_start3A_15 = tpu.memref_squeeze %dma_start3A_14 : memref<1x64xi32, #tpu.memory_space<hbm>> -> memref<64xi32, #tpu.memory_space<hbm>>
      %dma_start3A_16 = arith.constant 0 : i32
      %dma_start3A_17 = tpu.memref_slice %arg3[%add3A, %dma_start3A_16] : memref<32x64xi32, #tpu.memory_space<hbm>> -> memref<1x64xi32, #tpu.memory_space<hbm>>
      %dma_start3A_18 = tpu.memref_squeeze %dma_start3A_17 : memref<1x64xi32, #tpu.memory_space<hbm>> -> memref<64xi32, #tpu.memory_space<hbm>>
      tpu.enqueue_dma source(%dma_start3A_18 : memref<64xi32, #tpu.memory_space<hbm>>) target(%arg7 : memref<64xi32, #tpu.memory_space<vmem>>) target_semaphore(%run_scoped3A : memref<!tpu.dma_semaphore, #tpu.memory_space<semaphore_mem>>)
      %dma_wait3A_19 = arith.constant 0 : i32
      %dma_wait3A_20 = tpu.memref_slice %arg3[%add3A, %dma_wait3A_19] : memref<32x64xi32, #tpu.memory_space<hbm>> -> memref<1x64xi32, #tpu.memory_space<hbm>>
      %dma_wait3A_21 = tpu.memref_squeeze %dma_wait3A_20 : memref<1x64xi32, #tpu.memory_space<hbm>> -> memref<64xi32, #tpu.memory_space<hbm>>
      %dma_wait3A_22 = arith.constant 0 : i32
      %dma_wait3A_23 = tpu.memref_slice %arg3[%add3A, %dma_wait3A_22] : memref<32x64xi32, #tpu.memory_space<hbm>> -> memref<1x64xi32, #tpu.memory_space<hbm>>
      %dma_wait3A_24 = tpu.memref_squeeze %dma_wait3A_23 : memref<1x64xi32, #tpu.memory_space<hbm>> -> memref<64xi32, #tpu.memory_space<hbm>>
      tpu.wait_dma2 semaphore(%run_scoped3A : memref<!tpu.dma_semaphore, #tpu.memory_space<semaphore_mem>>) src(%dma_wait3A_24 : memref<64xi32, #tpu.memory_space<hbm>>) dst(%arg7 : memref<64xi32, #tpu.memory_space<vmem>>)
      tpu.yield
    }) : () -> ()
    "tpu.region"() ({
      %run_scoped3A = tpu.sem_alloc : memref<!tpu.dma_semaphore, #tpu.memory_space<semaphore_mem>>
      %dma_start3A_13 = arith.constant 0 : i32
      %dma_start3A_14 = tpu.memref_slice %arg4[%add3A, %dma_start3A_13] : memref<32x64xi32, #tpu.memory_space<hbm>> -> memref<1x64xi32, #tpu.memory_space<hbm>>
      %dma_start3A_15 = tpu.memref_squeeze %dma_start3A_14 : memref<1x64xi32, #tpu.memory_space<hbm>> -> memref<64xi32, #tpu.memory_space<hbm>>
      %dma_start3A_16 = arith.constant 0 : i32
      %dma_start3A_17 = tpu.memref_slice %arg4[%add3A, %dma_start3A_16] : memref<32x64xi32, #tpu.memory_space<hbm>> -> memref<1x64xi32, #tpu.memory_space<hbm>>
      %dma_start3A_18 = tpu.memref_squeeze %dma_start3A_17 : memref<1x64xi32, #tpu.memory_space<hbm>> -> memref<64xi32, #tpu.memory_space<hbm>>
      tpu.enqueue_dma source(%dma_start3A_18 : memref<64xi32, #tpu.memory_space<hbm>>) target(%arg8 : memref<64xi32, #tpu.memory_space<vmem>>) target_semaphore(%run_scoped3A : memref<!tpu.dma_semaphore, #tpu.memory_space<semaphore_mem>>)
      %dma_wait3A_19 = arith.constant 0 : i32
      %dma_wait3A_20 = tpu.memref_slice %arg4[%add3A, %dma_wait3A_19] : memref<32x64xi32, #tpu.memory_space<hbm>> -> memref<1x64xi32, #tpu.memory_space<hbm>>
      %dma_wait3A_21 = tpu.memref_squeeze %dma_wait3A_20 : memref<1x64xi32, #tpu.memory_space<hbm>> -> memref<64xi32, #tpu.memory_space<hbm>>
      %dma_wait3A_22 = arith.constant 0 : i32
      %dma_wait3A_23 = tpu.memref_slice %arg4[%add3A, %dma_wait3A_22] : memref<32x64xi32, #tpu.memory_space<hbm>> -> memref<1x64xi32, #tpu.memory_space<hbm>>
      %dma_wait3A_24 = tpu.memref_squeeze %dma_wait3A_23 : memref<1x64xi32, #tpu.memory_space<hbm>> -> memref<64xi32, #tpu.memory_space<hbm>>
      tpu.wait_dma2 semaphore(%run_scoped3A : memref<!tpu.dma_semaphore, #tpu.memory_space<semaphore_mem>>) src(%dma_wait3A_24 : memref<64xi32, #tpu.memory_space<hbm>>) dst(%arg8 : memref<64xi32, #tpu.memory_space<vmem>>)
      tpu.yield
    }) : () -> ()
    "tpu.region"() ({
      %run_scoped3A = tpu.sem_alloc : memref<!tpu.dma_semaphore, #tpu.memory_space<semaphore_mem>>
      %dma_start3A_13 = arith.constant 0 : i32
      %dma_start3A_14 = tpu.memref_slice %arg2[%mul3A_2, %dma_start3A_13] : memref<2048x1024xf32, #tpu.memory_space<hbm>> -> memref<64x1024xf32, #tpu.memory_space<hbm>>
      %dma_start3A_15 = arith.constant 0 : i32
      %dma_start3A_16 = tpu.memref_slice %arg2[%mul3A_2, %dma_start3A_15] : memref<2048x1024xf32, #tpu.memory_space<hbm>> -> memref<64x1024xf32, #tpu.memory_space<hbm>>
      tpu.enqueue_dma source(%dma_start3A_16 : memref<64x1024xf32, #tpu.memory_space<hbm>>) target(%arg6 : memref<64x1024xf32, #tpu.memory_space<vmem>>) target_semaphore(%run_scoped3A : memref<!tpu.dma_semaphore, #tpu.memory_space<semaphore_mem>>)
      %dma_wait3A_17 = arith.constant 0 : i32
      %dma_wait3A_18 = tpu.memref_slice %arg2[%mul3A_2, %dma_wait3A_17] : memref<2048x1024xf32, #tpu.memory_space<hbm>> -> memref<64x1024xf32, #tpu.memory_space<hbm>>
      %dma_wait3A_19 = arith.constant 0 : i32
      %dma_wait3A_20 = tpu.memref_slice %arg2[%mul3A_2, %dma_wait3A_19] : memref<2048x1024xf32, #tpu.memory_space<hbm>> -> memref<64x1024xf32, #tpu.memory_space<hbm>>
      tpu.wait_dma2 semaphore(%run_scoped3A : memref<!tpu.dma_semaphore, #tpu.memory_space<semaphore_mem>>) src(%dma_wait3A_20 : memref<64x1024xf32, #tpu.memory_space<hbm>>) dst(%arg6 : memref<64x1024xf32, #tpu.memory_space<vmem>>)
      tpu.yield
    }) : () -> ()
    %dma_start3A = arith.constant 0 : i32
    %dma_start3A_3 = arith.constant 0 : i32
    %dma_start3A_4 = tpu.memref_slice %arg5[%dma_start3A, %dma_start3A_3] : memref<6144x1024xf32, #tpu.memory_space<hbm>> -> memref<6144x1024xf32, #tpu.memory_space<hbm>>
    tpu.enqueue_indirect_dma source(%arg6 : memref<64x1024xf32, #tpu.memory_space<vmem>>) target(%dma_start3A_4 : memref<6144x1024xf32, #tpu.memory_space<hbm>>) offsets(%arg7 : memref<64xi32, #tpu.memory_space<vmem>>) semaphore(%arg9 : memref<!tpu.dma_semaphore, #tpu.memory_space<semaphore_mem>>)
    %dma_start3A_5 = arith.constant 0 : i32
    %dma_start3A_6 = arith.constant 0 : i32
    %dma_start3A_7 = tpu.memref_slice %arg5[%dma_start3A_5, %dma_start3A_6] : memref<6144x1024xf32, #tpu.memory_space<hbm>> -> memref<6144x1024xf32, #tpu.memory_space<hbm>>
    tpu.enqueue_indirect_dma source(%arg6 : memref<64x1024xf32, #tpu.memory_space<vmem>>) target(%dma_start3A_7 : memref<6144x1024xf32, #tpu.memory_space<hbm>>) offsets(%arg8 : memref<64xi32, #tpu.memory_space<vmem>>) semaphore(%arg10 : memref<!tpu.dma_semaphore, #tpu.memory_space<semaphore_mem>>)
    %dma_wait3A = arith.constant 0 : i32
    %dma_wait3A_8 = arith.constant 0 : i32
    %dma_wait3A_9 = tpu.memref_slice %arg5[%dma_wait3A, %dma_wait3A_8] : memref<6144x1024xf32, #tpu.memory_space<hbm>> -> memref<6144x1024xf32, #tpu.memory_space<hbm>>
    tpu.wait_indirect_dma semaphore(%arg9 : memref<!tpu.dma_semaphore, #tpu.memory_space<semaphore_mem>>) src(%arg6 : memref<64x1024xf32, #tpu.memory_space<vmem>>) dst(%dma_wait3A_9 : memref<6144x1024xf32, #tpu.memory_space<hbm>>)
    %dma_wait3A_10 = arith.constant 0 : i32
    %dma_wait3A_11 = arith.constant 0 : i32
    %dma_wait3A_12 = tpu.memref_slice %arg5[%dma_wait3A_10, %dma_wait3A_11] : memref<6144x1024xf32, #tpu.memory_space<hbm>> -> memref<6144x1024xf32, #tpu.memory_space<hbm>>
    tpu.wait_indirect_dma semaphore(%arg10 : memref<!tpu.dma_semaphore, #tpu.memory_space<semaphore_mem>>) src(%arg6 : memref<64x1024xf32, #tpu.memory_space<vmem>>) dst(%dma_wait3A_12 : memref<6144x1024xf32, #tpu.memory_space<hbm>>)
    return
  }
}

module attributes {stable_mosaic.version = 14 : i64} {
  func.func @_route_body(%arg0: memref<2048x1024xf32, #tpu.memory_space<vmem>>, %arg1: memref<1024x16xf32, #tpu.memory_space<vmem>>, %arg2: memref<2048x1xi32, #tpu.memory_space<vmem>>, %arg3: memref<2048x1xi32, #tpu.memory_space<vmem>>, %arg4: memref<2048x16xf32, #tpu.memory_space<vmem>>, %arg5: memref<2048x16xf32, #tpu.memory_space<vmem>>, %arg6: memref<48x1xi32, #tpu.memory_space<vmem>>, %arg7: memref<48x1xi32, #tpu.memory_space<vmem>>, %arg8: memref<48x1xi32, #tpu.memory_space<vmem>>, %arg9: memref<48x1xi32, #tpu.memory_space<vmem>>, %arg10: memref<48x1xi32, #tpu.memory_space<vmem>>, %arg11: memref<4x1xi32, #tpu.memory_space<vmem>>) attributes {dimension_semantics = [], scalar_prefetch = 0 : i64, scratch_operands = 0 : i64, tpu.core_type = #tpu.core_type<tc>} {
    %get3A = arith.constant 0 : index
    %get3A_0 = arith.constant 0 : index
    %get3A_1 = vector.load %arg0[%get3A, %get3A_0] : memref<2048x1024xf32, #tpu.memory_space<vmem>>, vector<2048x1024xf32>
    %get3A_2 = arith.constant 0 : index
    %get3A_3 = arith.constant 0 : index
    %get3A_4 = vector.load %arg1[%get3A_2, %get3A_3] : memref<1024x16xf32, #tpu.memory_space<vmem>>, vector<1024x16xf32>
    %dot_general3A = arith.constant dense<0.000000e+00> : vector<2048x16xf32>
    %dot_general3A_5 = tpu.matmul %get3A_1, %get3A_4, %dot_general3A {dimension_numbers = #tpu.dot_dimension_numbers<[1], [0], [0], [1], [0, 0, 1, 1], [], []>, transpose_lhs_hint = false} : vector<2048x1024xf32>, vector<1024x16xf32>, vector<2048x16xf32> -> vector<2048x16xf32>
    %reduce_max3A = arith.constant dense<0xFF800000> : vector<2048xf32>
    %reduce_max3A_6 = vector.multi_reduction <maximumf>, %dot_general3A_5, %reduce_max3A [1] : vector<2048x16xf32> to vector<2048xf32>
    %max3A = arith.constant 0xFF800000 : f32
    %max3A_7 = vector.broadcast %max3A : f32 to vector<2048xf32>
    %max3A_8 = arith.maximumf %max3A_7, %reduce_max3A_6 : vector<2048xf32>
    %broadcast_in_dim3A = vector.shape_cast %max3A_8 : vector<2048xf32> to vector<2048x1xf32>
    %sub3A = vector.broadcast %broadcast_in_dim3A : vector<2048x1xf32> to vector<2048x16xf32>
    %sub3A_9 = arith.subf %dot_general3A_5, %sub3A : vector<2048x16xf32>
    %exp3A = math.exp %sub3A_9 : vector<2048x16xf32>
    %reduce_sum3A = arith.constant dense<0.000000e+00> : vector<2048xf32>
    %reduce_sum3A_10 = vector.multi_reduction <add>, %exp3A, %reduce_sum3A [1] : vector<2048x16xf32> to vector<2048xf32>
    %broadcast_in_dim3A_11 = vector.shape_cast %reduce_sum3A_10 : vector<2048xf32> to vector<2048x1xf32>
    %div3A = vector.broadcast %broadcast_in_dim3A_11 : vector<2048x1xf32> to vector<2048x16xf32>
    %div3A_12 = arith.divf %exp3A, %div3A : vector<2048x16xf32>
    %iota3A = tpu.iota {dimensions = array<i32: 1>} : vector<2048x16xi32>
    %jit3A = arith.constant 4 : i32
    %div3A_13 = vector.broadcast %jit3A : i32 to vector<2048x16xi32>
    %div3A_14 = arith.divsi %iota3A, %div3A_13 : vector<2048x16xi32>
    %sign3A = arith.constant 0 : i32
    %sign3A_15 = vector.broadcast %sign3A : i32 to vector<2048x16xi32>
    %sign3A_16 = arith.cmpi sgt, %iota3A, %sign3A_15 : vector<2048x16xi32>
    %sign3A_17 = arith.extui %sign3A_16 : vector<2048x16xi1> to vector<2048x16xi32>
    %sign3A_18 = arith.constant 0 : i32
    %sign3A_19 = vector.broadcast %sign3A_18 : i32 to vector<2048x16xi32>
    %sign3A_20 = arith.cmpi slt, %iota3A, %sign3A_19 : vector<2048x16xi32>
    %sign3A_21 = arith.extui %sign3A_20 : vector<2048x16xi1> to vector<2048x16xi32>
    %sign3A_22 = arith.subi %sign3A_17, %sign3A_21 : vector<2048x16xi32>
    %sign3A_23 = arith.constant 0 : i32
    %sign3A_24 = arith.cmpi sgt, %jit3A, %sign3A_23 : i32
    %sign3A_25 = arith.extui %sign3A_24 : i1 to i32
    %sign3A_26 = arith.constant 0 : i32
    %sign3A_27 = arith.cmpi slt, %jit3A, %sign3A_26 : i32
    %sign3A_28 = arith.extui %sign3A_27 : i1 to i32
    %sign3A_29 = arith.subi %sign3A_25, %sign3A_28 : i32
    %ne3A = vector.broadcast %sign3A_29 : i32 to vector<2048x16xi32>
    %ne3A_30 = arith.cmpi ne, %sign3A_22, %ne3A : vector<2048x16xi32>
    %rem3A = vector.broadcast %jit3A : i32 to vector<2048x16xi32>
    %rem3A_31 = arith.remsi %iota3A, %rem3A : vector<2048x16xi32>
    %ne3A_32 = arith.constant 0 : i32
    %ne3A_33 = vector.broadcast %ne3A_32 : i32 to vector<2048x16xi32>
    %ne3A_34 = arith.cmpi ne, %rem3A_31, %ne3A_33 : vector<2048x16xi32>
    %and3A = arith.andi %ne3A_30, %ne3A_34 : vector<2048x16xi1>
    %sub3A_35 = arith.constant 1 : i32
    %sub3A_36 = vector.broadcast %sub3A_35 : i32 to vector<2048x16xi32>
    %sub3A_37 = arith.subi %div3A_14, %sub3A_36 : vector<2048x16xi32>
    %select_n3A = arith.select %and3A, %sub3A_37, %div3A_14 : vector<2048x16xi1>, vector<2048x16xi32>
    %eq3A = arith.constant 0 : i32
    %eq3A_38 = vector.broadcast %eq3A : i32 to vector<2048x16xi32>
    %eq3A_39 = arith.cmpi eq, %select_n3A, %eq3A_38 : vector<2048x16xi32>
    %jit3A_40 = arith.constant 0xFF800000 : f32
    %broadcast_in_dim3A_41 = vector.broadcast %jit3A_40 : f32 to vector<2048x16xf32>
    %select_n3A_42 = arith.select %eq3A_39, %div3A_12, %broadcast_in_dim3A_41 : vector<2048x16xi1>, vector<2048x16xf32>
    %reduce_max3A_43 = arith.constant dense<0xFF800000> : vector<2048xf32>
    %reduce_max3A_44 = vector.multi_reduction <maximumf>, %select_n3A_42, %reduce_max3A_43 [1] : vector<2048x16xf32> to vector<2048xf32>
    %broadcast_in_dim3A_45 = vector.shape_cast %reduce_max3A_44 : vector<2048xf32> to vector<2048x1xf32>
    %eq3A_46 = arith.constant 1 : i32
    %eq3A_47 = vector.broadcast %eq3A_46 : i32 to vector<2048x16xi32>
    %eq3A_48 = arith.cmpi eq, %select_n3A, %eq3A_47 : vector<2048x16xi32>
    %jit3A_49 = arith.constant 0xFF800000 : f32
    %broadcast_in_dim3A_50 = vector.broadcast %jit3A_49 : f32 to vector<2048x16xf32>
    %select_n3A_51 = arith.select %eq3A_48, %div3A_12, %broadcast_in_dim3A_50 : vector<2048x16xi1>, vector<2048x16xf32>
    %reduce_max3A_52 = arith.constant dense<0xFF800000> : vector<2048xf32>
    %reduce_max3A_53 = vector.multi_reduction <maximumf>, %select_n3A_51, %reduce_max3A_52 [1] : vector<2048x16xf32> to vector<2048xf32>
    %broadcast_in_dim3A_54 = vector.shape_cast %reduce_max3A_53 : vector<2048xf32> to vector<2048x1xf32>
    %eq3A_55 = arith.constant 2 : i32
    %eq3A_56 = vector.broadcast %eq3A_55 : i32 to vector<2048x16xi32>
    %eq3A_57 = arith.cmpi eq, %select_n3A, %eq3A_56 : vector<2048x16xi32>
    %jit3A_58 = arith.constant 0xFF800000 : f32
    %broadcast_in_dim3A_59 = vector.broadcast %jit3A_58 : f32 to vector<2048x16xf32>
    %select_n3A_60 = arith.select %eq3A_57, %div3A_12, %broadcast_in_dim3A_59 : vector<2048x16xi1>, vector<2048x16xf32>
    %reduce_max3A_61 = arith.constant dense<0xFF800000> : vector<2048xf32>
    %reduce_max3A_62 = vector.multi_reduction <maximumf>, %select_n3A_60, %reduce_max3A_61 [1] : vector<2048x16xf32> to vector<2048xf32>
    %broadcast_in_dim3A_63 = vector.shape_cast %reduce_max3A_62 : vector<2048xf32> to vector<2048x1xf32>
    %eq3A_64 = arith.constant 3 : i32
    %eq3A_65 = vector.broadcast %eq3A_64 : i32 to vector<2048x16xi32>
    %eq3A_66 = arith.cmpi eq, %select_n3A, %eq3A_65 : vector<2048x16xi32>
    %jit3A_67 = arith.constant 0xFF800000 : f32
    %broadcast_in_dim3A_68 = vector.broadcast %jit3A_67 : f32 to vector<2048x16xf32>
    %select_n3A_69 = arith.select %eq3A_66, %div3A_12, %broadcast_in_dim3A_68 : vector<2048x16xi1>, vector<2048x16xf32>
    %reduce_max3A_70 = arith.constant dense<0xFF800000> : vector<2048xf32>
    %reduce_max3A_71 = vector.multi_reduction <maximumf>, %select_n3A_69, %reduce_max3A_70 [1] : vector<2048x16xf32> to vector<2048xf32>
    %broadcast_in_dim3A_72 = vector.shape_cast %reduce_max3A_71 : vector<2048xf32> to vector<2048x1xf32>
    %concatenate3A = tpu.concatenate %broadcast_in_dim3A_45, %broadcast_in_dim3A_54, %broadcast_in_dim3A_63, %broadcast_in_dim3A_72 in 1 : vector<2048x1xf32>, vector<2048x1xf32>, vector<2048x1xf32>, vector<2048x1xf32> -> vector<2048x4xf32>
    %iota3A_73 = tpu.iota {dimensions = array<i32: 1>} : vector<2048x4xi32>
    %reduce_max3A_74 = arith.constant dense<0xFF800000> : vector<2048xf32>
    %reduce_max3A_75 = vector.multi_reduction <maximumf>, %concatenate3A, %reduce_max3A_74 [1] : vector<2048x4xf32> to vector<2048xf32>
    %broadcast_in_dim3A_76 = vector.shape_cast %reduce_max3A_75 : vector<2048xf32> to vector<2048x1xf32>
    %eq3A_77 = vector.broadcast %broadcast_in_dim3A_76 : vector<2048x1xf32> to vector<2048x4xf32>
    %eq3A_78 = arith.cmpf oeq, %concatenate3A, %eq3A_77 : vector<2048x4xf32>
    %jit3A_79 = arith.constant 4 : i32
    %broadcast_in_dim3A_80 = vector.broadcast %jit3A_79 : i32 to vector<2048x4xi32>
    %select_n3A_81 = arith.select %eq3A_78, %iota3A_73, %broadcast_in_dim3A_80 : vector<2048x4xi1>, vector<2048x4xi32>
    %reduce_min3A = arith.constant dense<2147483647> : vector<2048xi32>
    %reduce_min3A_82 = vector.multi_reduction <minsi>, %select_n3A_81, %reduce_min3A [1] : vector<2048x4xi32> to vector<2048xi32>
    %broadcast_in_dim3A_83 = vector.shape_cast %reduce_min3A_82 : vector<2048xi32> to vector<2048x1xi32>
    %eq3A_84 = vector.broadcast %broadcast_in_dim3A_83 : vector<2048x1xi32> to vector<2048x4xi32>
    %eq3A_85 = arith.cmpi eq, %iota3A_73, %eq3A_84 : vector<2048x4xi32>
    %jit3A_86 = arith.constant 0xFF800000 : f32
    %broadcast_in_dim3A_87 = vector.broadcast %jit3A_86 : f32 to vector<2048x4xf32>
    %select_n3A_88 = arith.select %eq3A_85, %broadcast_in_dim3A_87, %concatenate3A : vector<2048x4xi1>, vector<2048x4xf32>
    %reduce_max3A_89 = arith.constant dense<0xFF800000> : vector<2048xf32>
    %reduce_max3A_90 = vector.multi_reduction <maximumf>, %select_n3A_88, %reduce_max3A_89 [1] : vector<2048x4xf32> to vector<2048xf32>
    %broadcast_in_dim3A_91 = vector.shape_cast %reduce_max3A_90 : vector<2048xf32> to vector<2048x1xf32>
    %eq3A_92 = vector.broadcast %broadcast_in_dim3A_91 : vector<2048x1xf32> to vector<2048x4xf32>
    %eq3A_93 = arith.cmpf oeq, %select_n3A_88, %eq3A_92 : vector<2048x4xf32>
    %jit3A_94 = arith.constant 4 : i32
    %broadcast_in_dim3A_95 = vector.broadcast %jit3A_94 : i32 to vector<2048x4xi32>
    %select_n3A_96 = arith.select %eq3A_93, %iota3A_73, %broadcast_in_dim3A_95 : vector<2048x4xi1>, vector<2048x4xi32>
    %reduce_min3A_97 = arith.constant dense<2147483647> : vector<2048xi32>
    %reduce_min3A_98 = vector.multi_reduction <minsi>, %select_n3A_96, %reduce_min3A_97 [1] : vector<2048x4xi32> to vector<2048xi32>
    %broadcast_in_dim3A_99 = vector.shape_cast %reduce_min3A_98 : vector<2048xi32> to vector<2048x1xi32>
    %eq3A_100 = vector.broadcast %broadcast_in_dim3A_83 : vector<2048x1xi32> to vector<2048x16xi32>
    %eq3A_101 = arith.cmpi eq, %select_n3A, %eq3A_100 : vector<2048x16xi32>
    %eq3A_102 = vector.broadcast %broadcast_in_dim3A_99 : vector<2048x1xi32> to vector<2048x16xi32>
    %eq3A_103 = arith.cmpi eq, %select_n3A, %eq3A_102 : vector<2048x16xi32>
    %or3A = arith.ori %eq3A_101, %eq3A_103 : vector<2048x16xi1>
    %jit3A_104 = arith.constant 0.000000e+00 : f32
    %broadcast_in_dim3A_105 = vector.broadcast %jit3A_104 : f32 to vector<2048x16xf32>
    %select_n3A_106 = arith.select %or3A, %div3A_12, %broadcast_in_dim3A_105 : vector<2048x16xi1>, vector<2048x16xf32>
    %reduce_max3A_107 = arith.constant dense<0xFF800000> : vector<2048xf32>
    %reduce_max3A_108 = vector.multi_reduction <maximumf>, %select_n3A_106, %reduce_max3A_107 [1] : vector<2048x16xf32> to vector<2048xf32>
    %broadcast_in_dim3A_109 = vector.shape_cast %reduce_max3A_108 : vector<2048xf32> to vector<2048x1xf32>
    %eq3A_110 = vector.broadcast %broadcast_in_dim3A_109 : vector<2048x1xf32> to vector<2048x16xf32>
    %eq3A_111 = arith.cmpf oeq, %select_n3A_106, %eq3A_110 : vector<2048x16xf32>
    %jit3A_112 = arith.constant 16 : i32
    %broadcast_in_dim3A_113 = vector.broadcast %jit3A_112 : i32 to vector<2048x16xi32>
    %select_n3A_114 = arith.select %eq3A_111, %iota3A, %broadcast_in_dim3A_113 : vector<2048x16xi1>, vector<2048x16xi32>
    %reduce_min3A_115 = arith.constant dense<2147483647> : vector<2048xi32>
    %reduce_min3A_116 = vector.multi_reduction <minsi>, %select_n3A_114, %reduce_min3A_115 [1] : vector<2048x16xi32> to vector<2048xi32>
    %broadcast_in_dim3A_117 = vector.shape_cast %reduce_min3A_116 : vector<2048xi32> to vector<2048x1xi32>
    %eq3A_118 = vector.broadcast %broadcast_in_dim3A_117 : vector<2048x1xi32> to vector<2048x16xi32>
    %eq3A_119 = arith.cmpi eq, %iota3A, %eq3A_118 : vector<2048x16xi32>
    %jit3A_120 = arith.constant 0xFF800000 : f32
    %broadcast_in_dim3A_121 = vector.broadcast %jit3A_120 : f32 to vector<2048x16xf32>
    %select_n3A_122 = arith.select %eq3A_119, %broadcast_in_dim3A_121, %select_n3A_106 : vector<2048x16xi1>, vector<2048x16xf32>
    %reduce_max3A_123 = arith.constant dense<0xFF800000> : vector<2048xf32>
    %reduce_max3A_124 = vector.multi_reduction <maximumf>, %select_n3A_122, %reduce_max3A_123 [1] : vector<2048x16xf32> to vector<2048xf32>
    %broadcast_in_dim3A_125 = vector.shape_cast %reduce_max3A_124 : vector<2048xf32> to vector<2048x1xf32>
    %eq3A_126 = vector.broadcast %broadcast_in_dim3A_125 : vector<2048x1xf32> to vector<2048x16xf32>
    %eq3A_127 = arith.cmpf oeq, %select_n3A_122, %eq3A_126 : vector<2048x16xf32>
    %jit3A_128 = arith.constant 16 : i32
    %broadcast_in_dim3A_129 = vector.broadcast %jit3A_128 : i32 to vector<2048x16xi32>
    %select_n3A_130 = arith.select %eq3A_127, %iota3A, %broadcast_in_dim3A_129 : vector<2048x16xi1>, vector<2048x16xi32>
    %reduce_min3A_131 = arith.constant dense<2147483647> : vector<2048xi32>
    %reduce_min3A_132 = vector.multi_reduction <minsi>, %select_n3A_130, %reduce_min3A_131 [1] : vector<2048x16xi32> to vector<2048xi32>
    %broadcast_in_dim3A_133 = vector.shape_cast %reduce_min3A_132 : vector<2048xi32> to vector<2048x1xi32>
    %add3A = arith.addf %broadcast_in_dim3A_109, %broadcast_in_dim3A_125 : vector<2048x1xf32>
    %add3A_134 = arith.constant 9.99999968E-21 : f32
    %add3A_135 = vector.broadcast %add3A_134 : f32 to vector<2048x1xf32>
    %add3A_136 = arith.addf %add3A, %add3A_135 : vector<2048x1xf32>
    %div3A_137 = arith.divf %broadcast_in_dim3A_109, %add3A_136 : vector<2048x1xf32>
    %mul3A = arith.constant 2.500000e+00 : f32
    %mul3A_138 = vector.broadcast %mul3A : f32 to vector<2048x1xf32>
    %mul3A_139 = arith.mulf %div3A_137, %mul3A_138 : vector<2048x1xf32>
    %broadcast_in_dim3A_140 = vector.shape_cast %mul3A_139 : vector<2048x1xf32> to vector<2048x1xf32>
    %broadcast_in_dim3A_141 = vector.broadcast %broadcast_in_dim3A_140 : vector<2048x1xf32> to vector<2048x16xf32>
    %swap3A = arith.constant 0 : index
    %swap3A_142 = arith.constant 0 : index
    %swap3A_143 = vector.load %arg4[%swap3A, %swap3A_142] : memref<2048x16xf32, #tpu.memory_space<vmem>>, vector<2048x16xf32>
    tpu.vector_store %arg4[%swap3A, %swap3A_142], %broadcast_in_dim3A_141 {strides = array<i32>} : memref<2048x16xf32, #tpu.memory_space<vmem>>, vector<2048x16xf32>,
    %div3A_144 = arith.divf %broadcast_in_dim3A_125, %add3A_136 : vector<2048x1xf32>
    %mul3A_145 = arith.constant 2.500000e+00 : f32
    %mul3A_146 = vector.broadcast %mul3A_145 : f32 to vector<2048x1xf32>
    %mul3A_147 = arith.mulf %div3A_144, %mul3A_146 : vector<2048x1xf32>
    %broadcast_in_dim3A_148 = vector.shape_cast %mul3A_147 : vector<2048x1xf32> to vector<2048x1xf32>
    %broadcast_in_dim3A_149 = vector.broadcast %broadcast_in_dim3A_148 : vector<2048x1xf32> to vector<2048x16xf32>
    %swap3A_150 = arith.constant 0 : index
    %swap3A_151 = arith.constant 0 : index
    %swap3A_152 = vector.load %arg5[%swap3A_150, %swap3A_151] : memref<2048x16xf32, #tpu.memory_space<vmem>>, vector<2048x16xf32>
    tpu.vector_store %arg5[%swap3A_150, %swap3A_151], %broadcast_in_dim3A_149 {strides = array<i32>} : memref<2048x16xf32, #tpu.memory_space<vmem>>, vector<2048x16xf32>,
    %eq3A_153 = vector.broadcast %broadcast_in_dim3A_117 : vector<2048x1xi32> to vector<2048x16xi32>
    %eq3A_154 = arith.cmpi eq, %iota3A, %eq3A_153 : vector<2048x16xi32>
    %convert_element_type3A = arith.extui %eq3A_154 : vector<2048x16xi1> to vector<2048x16xi32>
    %convert_element_type3A_155 = arith.sitofp %convert_element_type3A : vector<2048x16xi32> to vector<2048x16xf32>
    %eq3A_156 = vector.broadcast %broadcast_in_dim3A_133 : vector<2048x1xi32> to vector<2048x16xi32>
    %eq3A_157 = arith.cmpi eq, %iota3A, %eq3A_156 : vector<2048x16xi32>
    %convert_element_type3A_158 = arith.extui %eq3A_157 : vector<2048x16xi1> to vector<2048x16xi32>
    %convert_element_type3A_159 = arith.sitofp %convert_element_type3A_158 : vector<2048x16xi32> to vector<2048x16xf32>
    %iota3A_160 = tpu.iota {dimensions = array<i32: 0>} : vector<256x256xi32>
    %iota3A_161 = tpu.iota {dimensions = array<i32: 1>} : vector<256x256xi32>
    %lt3A = arith.cmpi slt, %iota3A_161, %iota3A_160 : vector<256x256xi32>
    %convert_element_type3A_162 = arith.extui %lt3A : vector<256x256xi1> to vector<256x256xi32>
    %convert_element_type3A_163 = arith.sitofp %convert_element_type3A_162 : vector<256x256xi32> to vector<256x256xf32>
    %broadcast_in_dim3A_164 = arith.constant 0.000000e+00 : f32
    %broadcast_in_dim3A_165 = vector.broadcast %broadcast_in_dim3A_164 : f32 to vector<1x16xf32>
    %slice3A = vector.extract_strided_slice %convert_element_type3A_155 {offsets = [0, 0], sizes = [256, 16], strides = [1, 1]} : vector<2048x16xf32> to vector<256x16xf32>
    %dot_general3A_166 = arith.constant dense<0.000000e+00> : vector<256x16xf32>
    %dot_general3A_167 = tpu.matmul %convert_element_type3A_163, %slice3A, %dot_general3A_166 {dimension_numbers = #tpu.dot_dimension_numbers<[1], [0], [0], [1], [0, 0, 1, 1], [], []>, transpose_lhs_hint = false} : vector<256x256xf32>, vector<256x16xf32>, vector<256x16xf32> -> vector<256x16xf32>
    %add3A_168 = vector.broadcast %broadcast_in_dim3A_165 : vector<1x16xf32> to vector<256x16xf32>
    %add3A_169 = arith.addf %dot_general3A_167, %add3A_168 : vector<256x16xf32>
    %reduce_sum3A_170 = arith.constant dense<0.000000e+00> : vector<16xf32>
    %reduce_sum3A_171 = vector.multi_reduction <add>, %slice3A, %reduce_sum3A_170 [0] : vector<256x16xf32> to vector<16xf32>
    %broadcast_in_dim3A_172 = vector.shape_cast %reduce_sum3A_171 : vector<16xf32> to vector<1x16xf32>
    %add3A_173 = arith.addf %broadcast_in_dim3A_165, %broadcast_in_dim3A_172 : vector<1x16xf32>
    %slice3A_174 = vector.extract_strided_slice %convert_element_type3A_155 {offsets = [256, 0], sizes = [256, 16], strides = [1, 1]} : vector<2048x16xf32> to vector<256x16xf32>
    %dot_general3A_175 = arith.constant dense<0.000000e+00> : vector<256x16xf32>
    %dot_general3A_176 = tpu.matmul %convert_element_type3A_163, %slice3A_174, %dot_general3A_175 {dimension_numbers = #tpu.dot_dimension_numbers<[1], [0], [0], [1], [0, 0, 1, 1], [], []>, transpose_lhs_hint = false} : vector<256x256xf32>, vector<256x16xf32>, vector<256x16xf32> -> vector<256x16xf32>
    %add3A_177 = vector.broadcast %add3A_173 : vector<1x16xf32> to vector<256x16xf32>
    %add3A_178 = arith.addf %dot_general3A_176, %add3A_177 : vector<256x16xf32>
    %reduce_sum3A_179 = arith.constant dense<0.000000e+00> : vector<16xf32>
    %reduce_sum3A_180 = vector.multi_reduction <add>, %slice3A_174, %reduce_sum3A_179 [0] : vector<256x16xf32> to vector<16xf32>
    %broadcast_in_dim3A_181 = vector.shape_cast %reduce_sum3A_180 : vector<16xf32> to vector<1x16xf32>
    %add3A_182 = arith.addf %add3A_173, %broadcast_in_dim3A_181 : vector<1x16xf32>
    %slice3A_183 = vector.extract_strided_slice %convert_element_type3A_155 {offsets = [512, 0], sizes = [256, 16], strides = [1, 1]} : vector<2048x16xf32> to vector<256x16xf32>
    %dot_general3A_184 = arith.constant dense<0.000000e+00> : vector<256x16xf32>
    %dot_general3A_185 = tpu.matmul %convert_element_type3A_163, %slice3A_183, %dot_general3A_184 {dimension_numbers = #tpu.dot_dimension_numbers<[1], [0], [0], [1], [0, 0, 1, 1], [], []>, transpose_lhs_hint = false} : vector<256x256xf32>, vector<256x16xf32>, vector<256x16xf32> -> vector<256x16xf32>
    %add3A_186 = vector.broadcast %add3A_182 : vector<1x16xf32> to vector<256x16xf32>
    %add3A_187 = arith.addf %dot_general3A_185, %add3A_186 : vector<256x16xf32>
    %reduce_sum3A_188 = arith.constant dense<0.000000e+00> : vector<16xf32>
    %reduce_sum3A_189 = vector.multi_reduction <add>, %slice3A_183, %reduce_sum3A_188 [0] : vector<256x16xf32> to vector<16xf32>
    %broadcast_in_dim3A_190 = vector.shape_cast %reduce_sum3A_189 : vector<16xf32> to vector<1x16xf32>
    %add3A_191 = arith.addf %add3A_182, %broadcast_in_dim3A_190 : vector<1x16xf32>
    %slice3A_192 = vector.extract_strided_slice %convert_element_type3A_155 {offsets = [768, 0], sizes = [256, 16], strides = [1, 1]} : vector<2048x16xf32> to vector<256x16xf32>
    %dot_general3A_193 = arith.constant dense<0.000000e+00> : vector<256x16xf32>
    %dot_general3A_194 = tpu.matmul %convert_element_type3A_163, %slice3A_192, %dot_general3A_193 {dimension_numbers = #tpu.dot_dimension_numbers<[1], [0], [0], [1], [0, 0, 1, 1], [], []>, transpose_lhs_hint = false} : vector<256x256xf32>, vector<256x16xf32>, vector<256x16xf32> -> vector<256x16xf32>
    %add3A_195 = vector.broadcast %add3A_191 : vector<1x16xf32> to vector<256x16xf32>
    %add3A_196 = arith.addf %dot_general3A_194, %add3A_195 : vector<256x16xf32>
    %reduce_sum3A_197 = arith.constant dense<0.000000e+00> : vector<16xf32>
    %reduce_sum3A_198 = vector.multi_reduction <add>, %slice3A_192, %reduce_sum3A_197 [0] : vector<256x16xf32> to vector<16xf32>
    %broadcast_in_dim3A_199 = vector.shape_cast %reduce_sum3A_198 : vector<16xf32> to vector<1x16xf32>
    %add3A_200 = arith.addf %add3A_191, %broadcast_in_dim3A_199 : vector<1x16xf32>
    %slice3A_201 = vector.extract_strided_slice %convert_element_type3A_155 {offsets = [1024, 0], sizes = [256, 16], strides = [1, 1]} : vector<2048x16xf32> to vector<256x16xf32>
    %dot_general3A_202 = arith.constant dense<0.000000e+00> : vector<256x16xf32>
    %dot_general3A_203 = tpu.matmul %convert_element_type3A_163, %slice3A_201, %dot_general3A_202 {dimension_numbers = #tpu.dot_dimension_numbers<[1], [0], [0], [1], [0, 0, 1, 1], [], []>, transpose_lhs_hint = false} : vector<256x256xf32>, vector<256x16xf32>, vector<256x16xf32> -> vector<256x16xf32>
    %add3A_204 = vector.broadcast %add3A_200 : vector<1x16xf32> to vector<256x16xf32>
    %add3A_205 = arith.addf %dot_general3A_203, %add3A_204 : vector<256x16xf32>
    %reduce_sum3A_206 = arith.constant dense<0.000000e+00> : vector<16xf32>
    %reduce_sum3A_207 = vector.multi_reduction <add>, %slice3A_201, %reduce_sum3A_206 [0] : vector<256x16xf32> to vector<16xf32>
    %broadcast_in_dim3A_208 = vector.shape_cast %reduce_sum3A_207 : vector<16xf32> to vector<1x16xf32>
    %add3A_209 = arith.addf %add3A_200, %broadcast_in_dim3A_208 : vector<1x16xf32>
    %slice3A_210 = vector.extract_strided_slice %convert_element_type3A_155 {offsets = [1280, 0], sizes = [256, 16], strides = [1, 1]} : vector<2048x16xf32> to vector<256x16xf32>
    %dot_general3A_211 = arith.constant dense<0.000000e+00> : vector<256x16xf32>
    %dot_general3A_212 = tpu.matmul %convert_element_type3A_163, %slice3A_210, %dot_general3A_211 {dimension_numbers = #tpu.dot_dimension_numbers<[1], [0], [0], [1], [0, 0, 1, 1], [], []>, transpose_lhs_hint = false} : vector<256x256xf32>, vector<256x16xf32>, vector<256x16xf32> -> vector<256x16xf32>
    %add3A_213 = vector.broadcast %add3A_209 : vector<1x16xf32> to vector<256x16xf32>
    %add3A_214 = arith.addf %dot_general3A_212, %add3A_213 : vector<256x16xf32>
    %reduce_sum3A_215 = arith.constant dense<0.000000e+00> : vector<16xf32>
    %reduce_sum3A_216 = vector.multi_reduction <add>, %slice3A_210, %reduce_sum3A_215 [0] : vector<256x16xf32> to vector<16xf32>
    %broadcast_in_dim3A_217 = vector.shape_cast %reduce_sum3A_216 : vector<16xf32> to vector<1x16xf32>
    %add3A_218 = arith.addf %add3A_209, %broadcast_in_dim3A_217 : vector<1x16xf32>
    %slice3A_219 = vector.extract_strided_slice %convert_element_type3A_155 {offsets = [1536, 0], sizes = [256, 16], strides = [1, 1]} : vector<2048x16xf32> to vector<256x16xf32>
    %dot_general3A_220 = arith.constant dense<0.000000e+00> : vector<256x16xf32>
    %dot_general3A_221 = tpu.matmul %convert_element_type3A_163, %slice3A_219, %dot_general3A_220 {dimension_numbers = #tpu.dot_dimension_numbers<[1], [0], [0], [1], [0, 0, 1, 1], [], []>, transpose_lhs_hint = false} : vector<256x256xf32>, vector<256x16xf32>, vector<256x16xf32> -> vector<256x16xf32>
    %add3A_222 = vector.broadcast %add3A_218 : vector<1x16xf32> to vector<256x16xf32>
    %add3A_223 = arith.addf %dot_general3A_221, %add3A_222 : vector<256x16xf32>
    %reduce_sum3A_224 = arith.constant dense<0.000000e+00> : vector<16xf32>
    %reduce_sum3A_225 = vector.multi_reduction <add>, %slice3A_219, %reduce_sum3A_224 [0] : vector<256x16xf32> to vector<16xf32>
    %broadcast_in_dim3A_226 = vector.shape_cast %reduce_sum3A_225 : vector<16xf32> to vector<1x16xf32>
    %add3A_227 = arith.addf %add3A_218, %broadcast_in_dim3A_226 : vector<1x16xf32>
    %slice3A_228 = vector.extract_strided_slice %convert_element_type3A_155 {offsets = [1792, 0], sizes = [256, 16], strides = [1, 1]} : vector<2048x16xf32> to vector<256x16xf32>
    %dot_general3A_229 = arith.constant dense<0.000000e+00> : vector<256x16xf32>
    %dot_general3A_230 = tpu.matmul %convert_element_type3A_163, %slice3A_228, %dot_general3A_229 {dimension_numbers = #tpu.dot_dimension_numbers<[1], [0], [0], [1], [0, 0, 1, 1], [], []>, transpose_lhs_hint = false} : vector<256x256xf32>, vector<256x16xf32>, vector<256x16xf32> -> vector<256x16xf32>
    %add3A_231 = vector.broadcast %add3A_227 : vector<1x16xf32> to vector<256x16xf32>
    %add3A_232 = arith.addf %dot_general3A_230, %add3A_231 : vector<256x16xf32>
    %reduce_sum3A_233 = arith.constant dense<0.000000e+00> : vector<16xf32>
    %reduce_sum3A_234 = vector.multi_reduction <add>, %slice3A_228, %reduce_sum3A_233 [0] : vector<256x16xf32> to vector<16xf32>
    %broadcast_in_dim3A_235 = vector.shape_cast %reduce_sum3A_234 : vector<16xf32> to vector<1x16xf32>
    %add3A_236 = arith.addf %add3A_227, %broadcast_in_dim3A_235 : vector<1x16xf32>
    %concatenate3A_237 = tpu.concatenate %add3A_169, %add3A_178, %add3A_187, %add3A_196, %add3A_205, %add3A_214, %add3A_223, %add3A_232 in 0 : vector<256x16xf32>, vector<256x16xf32>, vector<256x16xf32>, vector<256x16xf32>, vector<256x16xf32>, vector<256x16xf32>, vector<256x16xf32>, vector<256x16xf32> -> vector<2048x16xf32>
    %broadcast_in_dim3A_238 = arith.constant 0.000000e+00 : f32
    %broadcast_in_dim3A_239 = vector.broadcast %broadcast_in_dim3A_238 : f32 to vector<1x16xf32>
    %slice3A_240 = vector.extract_strided_slice %convert_element_type3A_159 {offsets = [0, 0], sizes = [256, 16], strides = [1, 1]} : vector<2048x16xf32> to vector<256x16xf32>
    %dot_general3A_241 = arith.constant dense<0.000000e+00> : vector<256x16xf32>
    %dot_general3A_242 = tpu.matmul %convert_element_type3A_163, %slice3A_240, %dot_general3A_241 {dimension_numbers = #tpu.dot_dimension_numbers<[1], [0], [0], [1], [0, 0, 1, 1], [], []>, transpose_lhs_hint = false} : vector<256x256xf32>, vector<256x16xf32>, vector<256x16xf32> -> vector<256x16xf32>
    %add3A_243 = vector.broadcast %broadcast_in_dim3A_239 : vector<1x16xf32> to vector<256x16xf32>
    %add3A_244 = arith.addf %dot_general3A_242, %add3A_243 : vector<256x16xf32>
    %reduce_sum3A_245 = arith.constant dense<0.000000e+00> : vector<16xf32>
    %reduce_sum3A_246 = vector.multi_reduction <add>, %slice3A_240, %reduce_sum3A_245 [0] : vector<256x16xf32> to vector<16xf32>
    %broadcast_in_dim3A_247 = vector.shape_cast %reduce_sum3A_246 : vector<16xf32> to vector<1x16xf32>
    %add3A_248 = arith.addf %broadcast_in_dim3A_239, %broadcast_in_dim3A_247 : vector<1x16xf32>
    %slice3A_249 = vector.extract_strided_slice %convert_element_type3A_159 {offsets = [256, 0], sizes = [256, 16], strides = [1, 1]} : vector<2048x16xf32> to vector<256x16xf32>
    %dot_general3A_250 = arith.constant dense<0.000000e+00> : vector<256x16xf32>
    %dot_general3A_251 = tpu.matmul %convert_element_type3A_163, %slice3A_249, %dot_general3A_250 {dimension_numbers = #tpu.dot_dimension_numbers<[1], [0], [0], [1], [0, 0, 1, 1], [], []>, transpose_lhs_hint = false} : vector<256x256xf32>, vector<256x16xf32>, vector<256x16xf32> -> vector<256x16xf32>
    %add3A_252 = vector.broadcast %add3A_248 : vector<1x16xf32> to vector<256x16xf32>
    %add3A_253 = arith.addf %dot_general3A_251, %add3A_252 : vector<256x16xf32>
    %reduce_sum3A_254 = arith.constant dense<0.000000e+00> : vector<16xf32>
    %reduce_sum3A_255 = vector.multi_reduction <add>, %slice3A_249, %reduce_sum3A_254 [0] : vector<256x16xf32> to vector<16xf32>
    %broadcast_in_dim3A_256 = vector.shape_cast %reduce_sum3A_255 : vector<16xf32> to vector<1x16xf32>
    %add3A_257 = arith.addf %add3A_248, %broadcast_in_dim3A_256 : vector<1x16xf32>
    %slice3A_258 = vector.extract_strided_slice %convert_element_type3A_159 {offsets = [512, 0], sizes = [256, 16], strides = [1, 1]} : vector<2048x16xf32> to vector<256x16xf32>
    %dot_general3A_259 = arith.constant dense<0.000000e+00> : vector<256x16xf32>
    %dot_general3A_260 = tpu.matmul %convert_element_type3A_163, %slice3A_258, %dot_general3A_259 {dimension_numbers = #tpu.dot_dimension_numbers<[1], [0], [0], [1], [0, 0, 1, 1], [], []>, transpose_lhs_hint = false} : vector<256x256xf32>, vector<256x16xf32>, vector<256x16xf32> -> vector<256x16xf32>
    %add3A_261 = vector.broadcast %add3A_257 : vector<1x16xf32> to vector<256x16xf32>
    %add3A_262 = arith.addf %dot_general3A_260, %add3A_261 : vector<256x16xf32>
    %reduce_sum3A_263 = arith.constant dense<0.000000e+00> : vector<16xf32>
    %reduce_sum3A_264 = vector.multi_reduction <add>, %slice3A_258, %reduce_sum3A_263 [0] : vector<256x16xf32> to vector<16xf32>
    %broadcast_in_dim3A_265 = vector.shape_cast %reduce_sum3A_264 : vector<16xf32> to vector<1x16xf32>
    %add3A_266 = arith.addf %add3A_257, %broadcast_in_dim3A_265 : vector<1x16xf32>
    %slice3A_267 = vector.extract_strided_slice %convert_element_type3A_159 {offsets = [768, 0], sizes = [256, 16], strides = [1, 1]} : vector<2048x16xf32> to vector<256x16xf32>
    %dot_general3A_268 = arith.constant dense<0.000000e+00> : vector<256x16xf32>
    %dot_general3A_269 = tpu.matmul %convert_element_type3A_163, %slice3A_267, %dot_general3A_268 {dimension_numbers = #tpu.dot_dimension_numbers<[1], [0], [0], [1], [0, 0, 1, 1], [], []>, transpose_lhs_hint = false} : vector<256x256xf32>, vector<256x16xf32>, vector<256x16xf32> -> vector<256x16xf32>
    %add3A_270 = vector.broadcast %add3A_266 : vector<1x16xf32> to vector<256x16xf32>
    %add3A_271 = arith.addf %dot_general3A_269, %add3A_270 : vector<256x16xf32>
    %reduce_sum3A_272 = arith.constant dense<0.000000e+00> : vector<16xf32>
    %reduce_sum3A_273 = vector.multi_reduction <add>, %slice3A_267, %reduce_sum3A_272 [0] : vector<256x16xf32> to vector<16xf32>
    %broadcast_in_dim3A_274 = vector.shape_cast %reduce_sum3A_273 : vector<16xf32> to vector<1x16xf32>
    %add3A_275 = arith.addf %add3A_266, %broadcast_in_dim3A_274 : vector<1x16xf32>
    %slice3A_276 = vector.extract_strided_slice %convert_element_type3A_159 {offsets = [1024, 0], sizes = [256, 16], strides = [1, 1]} : vector<2048x16xf32> to vector<256x16xf32>
    %dot_general3A_277 = arith.constant dense<0.000000e+00> : vector<256x16xf32>
    %dot_general3A_278 = tpu.matmul %convert_element_type3A_163, %slice3A_276, %dot_general3A_277 {dimension_numbers = #tpu.dot_dimension_numbers<[1], [0], [0], [1], [0, 0, 1, 1], [], []>, transpose_lhs_hint = false} : vector<256x256xf32>, vector<256x16xf32>, vector<256x16xf32> -> vector<256x16xf32>
    %add3A_279 = vector.broadcast %add3A_275 : vector<1x16xf32> to vector<256x16xf32>
    %add3A_280 = arith.addf %dot_general3A_278, %add3A_279 : vector<256x16xf32>
    %reduce_sum3A_281 = arith.constant dense<0.000000e+00> : vector<16xf32>
    %reduce_sum3A_282 = vector.multi_reduction <add>, %slice3A_276, %reduce_sum3A_281 [0] : vector<256x16xf32> to vector<16xf32>
    %broadcast_in_dim3A_283 = vector.shape_cast %reduce_sum3A_282 : vector<16xf32> to vector<1x16xf32>
    %add3A_284 = arith.addf %add3A_275, %broadcast_in_dim3A_283 : vector<1x16xf32>
    %slice3A_285 = vector.extract_strided_slice %convert_element_type3A_159 {offsets = [1280, 0], sizes = [256, 16], strides = [1, 1]} : vector<2048x16xf32> to vector<256x16xf32>
    %dot_general3A_286 = arith.constant dense<0.000000e+00> : vector<256x16xf32>
    %dot_general3A_287 = tpu.matmul %convert_element_type3A_163, %slice3A_285, %dot_general3A_286 {dimension_numbers = #tpu.dot_dimension_numbers<[1], [0], [0], [1], [0, 0, 1, 1], [], []>, transpose_lhs_hint = false} : vector<256x256xf32>, vector<256x16xf32>, vector<256x16xf32> -> vector<256x16xf32>
    %add3A_288 = vector.broadcast %add3A_284 : vector<1x16xf32> to vector<256x16xf32>
    %add3A_289 = arith.addf %dot_general3A_287, %add3A_288 : vector<256x16xf32>
    %reduce_sum3A_290 = arith.constant dense<0.000000e+00> : vector<16xf32>
    %reduce_sum3A_291 = vector.multi_reduction <add>, %slice3A_285, %reduce_sum3A_290 [0] : vector<256x16xf32> to vector<16xf32>
    %broadcast_in_dim3A_292 = vector.shape_cast %reduce_sum3A_291 : vector<16xf32> to vector<1x16xf32>
    %add3A_293 = arith.addf %add3A_284, %broadcast_in_dim3A_292 : vector<1x16xf32>
    %slice3A_294 = vector.extract_strided_slice %convert_element_type3A_159 {offsets = [1536, 0], sizes = [256, 16], strides = [1, 1]} : vector<2048x16xf32> to vector<256x16xf32>
    %dot_general3A_295 = arith.constant dense<0.000000e+00> : vector<256x16xf32>
    %dot_general3A_296 = tpu.matmul %convert_element_type3A_163, %slice3A_294, %dot_general3A_295 {dimension_numbers = #tpu.dot_dimension_numbers<[1], [0], [0], [1], [0, 0, 1, 1], [], []>, transpose_lhs_hint = false} : vector<256x256xf32>, vector<256x16xf32>, vector<256x16xf32> -> vector<256x16xf32>
    %add3A_297 = vector.broadcast %add3A_293 : vector<1x16xf32> to vector<256x16xf32>
    %add3A_298 = arith.addf %dot_general3A_296, %add3A_297 : vector<256x16xf32>
    %reduce_sum3A_299 = arith.constant dense<0.000000e+00> : vector<16xf32>
    %reduce_sum3A_300 = vector.multi_reduction <add>, %slice3A_294, %reduce_sum3A_299 [0] : vector<256x16xf32> to vector<16xf32>
    %broadcast_in_dim3A_301 = vector.shape_cast %reduce_sum3A_300 : vector<16xf32> to vector<1x16xf32>
    %add3A_302 = arith.addf %add3A_293, %broadcast_in_dim3A_301 : vector<1x16xf32>
    %slice3A_303 = vector.extract_strided_slice %convert_element_type3A_159 {offsets = [1792, 0], sizes = [256, 16], strides = [1, 1]} : vector<2048x16xf32> to vector<256x16xf32>
    %dot_general3A_304 = arith.constant dense<0.000000e+00> : vector<256x16xf32>
    %dot_general3A_305 = tpu.matmul %convert_element_type3A_163, %slice3A_303, %dot_general3A_304 {dimension_numbers = #tpu.dot_dimension_numbers<[1], [0], [0], [1], [0, 0, 1, 1], [], []>, transpose_lhs_hint = false} : vector<256x256xf32>, vector<256x16xf32>, vector<256x16xf32> -> vector<256x16xf32>
    %add3A_306 = vector.broadcast %add3A_302 : vector<1x16xf32> to vector<256x16xf32>
    %add3A_307 = arith.addf %dot_general3A_305, %add3A_306 : vector<256x16xf32>
    %reduce_sum3A_308 = arith.constant dense<0.000000e+00> : vector<16xf32>
    %reduce_sum3A_309 = vector.multi_reduction <add>, %slice3A_303, %reduce_sum3A_308 [0] : vector<256x16xf32> to vector<16xf32>
    %broadcast_in_dim3A_310 = vector.shape_cast %reduce_sum3A_309 : vector<16xf32> to vector<1x16xf32>
    %add3A_311 = arith.addf %add3A_302, %broadcast_in_dim3A_310 : vector<1x16xf32>
    %concatenate3A_312 = tpu.concatenate %add3A_244, %add3A_253, %add3A_262, %add3A_271, %add3A_280, %add3A_289, %add3A_298, %add3A_307 in 0 : vector<256x16xf32>, vector<256x16xf32>, vector<256x16xf32>, vector<256x16xf32>, vector<256x16xf32>, vector<256x16xf32>, vector<256x16xf32>, vector<256x16xf32> -> vector<2048x16xf32>
    %add3A_313 = arith.addf %add3A_236, %add3A_311 : vector<1x16xf32>
    %div3A_314 = arith.constant 1.280000e+02 : f32
    %div3A_315 = vector.broadcast %div3A_314 : f32 to vector<1x16xf32>
    %div3A_316 = arith.divf %add3A_313, %div3A_315 : vector<1x16xf32>
    %ceil3A = math.ceil %div3A_316 : vector<1x16xf32>
    %mul3A_317 = arith.constant 1.280000e+02 : f32
    %mul3A_318 = vector.broadcast %mul3A_317 : f32 to vector<1x16xf32>
    %mul3A_319 = arith.mulf %ceil3A, %mul3A_318 : vector<1x16xf32>
    %iota3A_320 = tpu.iota {dimensions = array<i32: 0>} : vector<16x16xi32>
    %iota3A_321 = tpu.iota {dimensions = array<i32: 1>} : vector<16x16xi32>
    %lt3A_322 = arith.cmpi slt, %iota3A_320, %iota3A_321 : vector<16x16xi32>
    %convert_element_type3A_323 = arith.extui %lt3A_322 : vector<16x16xi1> to vector<16x16xi32>
    %convert_element_type3A_324 = arith.sitofp %convert_element_type3A_323 : vector<16x16xi32> to vector<16x16xf32>
    %dot_general3A_325 = arith.constant dense<0.000000e+00> : vector<1x16xf32>
    %dot_general3A_326 = tpu.matmul %mul3A_319, %convert_element_type3A_324, %dot_general3A_325 {dimension_numbers = #tpu.dot_dimension_numbers<[1], [0], [0], [1], [0, 0, 1, 1], [], []>, transpose_lhs_hint = false} : vector<1x16xf32>, vector<16x16xf32>, vector<1x16xf32> -> vector<1x16xf32>
    %mul3A_327 = arith.mulf %concatenate3A_237, %convert_element_type3A_155 : vector<2048x16xf32>
    %reduce_sum3A_328 = arith.constant dense<0.000000e+00> : vector<2048xf32>
    %reduce_sum3A_329 = vector.multi_reduction <add>, %mul3A_327, %reduce_sum3A_328 [1] : vector<2048x16xf32> to vector<2048xf32>
    %broadcast_in_dim3A_330 = vector.shape_cast %reduce_sum3A_329 : vector<2048xf32> to vector<2048x1xf32>
    %add3A_331 = vector.broadcast %add3A_236 : vector<1x16xf32> to vector<2048x16xf32>
    %add3A_332 = arith.addf %concatenate3A_312, %add3A_331 : vector<2048x16xf32>
    %mul3A_333 = arith.mulf %add3A_332, %convert_element_type3A_159 : vector<2048x16xf32>
    %reduce_sum3A_334 = arith.constant dense<0.000000e+00> : vector<2048xf32>
    %reduce_sum3A_335 = vector.multi_reduction <add>, %mul3A_333, %reduce_sum3A_334 [1] : vector<2048x16xf32> to vector<2048xf32>
    %broadcast_in_dim3A_336 = vector.shape_cast %reduce_sum3A_335 : vector<2048xf32> to vector<2048x1xf32>
    %mul3A_337 = vector.broadcast %dot_general3A_326 : vector<1x16xf32> to vector<2048x16xf32>
    %mul3A_338 = arith.mulf %mul3A_337, %convert_element_type3A_155 : vector<2048x16xf32>
    %reduce_sum3A_339 = arith.constant dense<0.000000e+00> : vector<2048xf32>
    %reduce_sum3A_340 = vector.multi_reduction <add>, %mul3A_338, %reduce_sum3A_339 [1] : vector<2048x16xf32> to vector<2048xf32>
    %broadcast_in_dim3A_341 = vector.shape_cast %reduce_sum3A_340 : vector<2048xf32> to vector<2048x1xf32>
    %mul3A_342 = vector.broadcast %dot_general3A_326 : vector<1x16xf32> to vector<2048x16xf32>
    %mul3A_343 = arith.mulf %mul3A_342, %convert_element_type3A_159 : vector<2048x16xf32>
    %reduce_sum3A_344 = arith.constant dense<0.000000e+00> : vector<2048xf32>
    %reduce_sum3A_345 = vector.multi_reduction <add>, %mul3A_343, %reduce_sum3A_344 [1] : vector<2048x16xf32> to vector<2048xf32>
    %broadcast_in_dim3A_346 = vector.shape_cast %reduce_sum3A_345 : vector<2048xf32> to vector<2048x1xf32>
    %add3A_347 = arith.addf %broadcast_in_dim3A_341, %broadcast_in_dim3A_330 : vector<2048x1xf32>
    %convert_element_type3A_348 = arith.fptosi %add3A_347 : vector<2048x1xf32> to vector<2048x1xi32>
    %swap3A_349 = arith.constant 0 : index
    %swap3A_350 = arith.constant 0 : index
    %swap3A_351 = vector.load %arg2[%swap3A_349, %swap3A_350] : memref<2048x1xi32, #tpu.memory_space<vmem>>, vector<2048x1xi32>
    tpu.vector_store %arg2[%swap3A_349, %swap3A_350], %convert_element_type3A_348 {strides = array<i32>} : memref<2048x1xi32, #tpu.memory_space<vmem>>, vector<2048x1xi32>,
    %add3A_352 = arith.addf %broadcast_in_dim3A_346, %broadcast_in_dim3A_336 : vector<2048x1xf32>
    %convert_element_type3A_353 = arith.fptosi %add3A_352 : vector<2048x1xf32> to vector<2048x1xi32>
    %swap3A_354 = arith.constant 0 : index
    %swap3A_355 = arith.constant 0 : index
    %swap3A_356 = vector.load %arg3[%swap3A_354, %swap3A_355] : memref<2048x1xi32, #tpu.memory_space<vmem>>, vector<2048x1xi32>
    tpu.vector_store %arg3[%swap3A_354, %swap3A_355], %convert_element_type3A_353 {strides = array<i32>} : memref<2048x1xi32, #tpu.memory_space<vmem>>, vector<2048x1xi32>,
    %iota3A_357 = tpu.iota {dimensions = array<i32: 0>} : vector<48x16xi32>
    %mul3A_358 = arith.constant 128 : i32
    %mul3A_359 = vector.broadcast %mul3A_358 : i32 to vector<48x16xi32>
    %mul3A_360 = arith.muli %iota3A_357, %mul3A_359 : vector<48x16xi32>
    %convert_element_type3A_361 = arith.sitofp %mul3A_360 : vector<48x16xi32> to vector<48x16xf32>
    %broadcast_in_dim3A_362 = vector.shape_cast %dot_general3A_326 : vector<1x16xf32> to vector<1x16xf32>
    %broadcast_in_dim3A_363 = vector.broadcast %broadcast_in_dim3A_362 : vector<1x16xf32> to vector<48x16xf32>
    %le3A = arith.cmpf ole, %broadcast_in_dim3A_363, %convert_element_type3A_361 : vector<48x16xf32>
    %convert_element_type3A_364 = arith.extui %le3A : vector<48x16xi1> to vector<48x16xi32>
    %reduce_sum3A_365 = arith.constant dense<0> : vector<48xi32>
    %reduce_sum3A_366 = vector.multi_reduction <add>, %convert_element_type3A_364, %reduce_sum3A_365 [1] : vector<48x16xi32> to vector<48xi32>
    %broadcast_in_dim3A_367 = vector.shape_cast %reduce_sum3A_366 : vector<48xi32> to vector<48x1xi32>
    %sub3A_368 = arith.constant 1 : i32
    %sub3A_369 = vector.broadcast %sub3A_368 : i32 to vector<48x1xi32>
    %sub3A_370 = arith.subi %broadcast_in_dim3A_367, %sub3A_369 : vector<48x1xi32>
    %swap3A_371 = arith.constant 0 : index
    %swap3A_372 = arith.constant 0 : index
    %swap3A_373 = vector.load %arg6[%swap3A_371, %swap3A_372] : memref<48x1xi32, #tpu.memory_space<vmem>>, vector<48x1xi32>
    tpu.vector_store %arg6[%swap3A_371, %swap3A_372], %sub3A_370 {strides = array<i32>} : memref<48x1xi32, #tpu.memory_space<vmem>>, vector<48x1xi32>,
    %reduce_sum3A_374 = arith.constant dense<0.000000e+00> : vector<1xf32>
    %reduce_sum3A_375 = vector.multi_reduction <add>, %mul3A_319, %reduce_sum3A_374 [1] : vector<1x16xf32> to vector<1xf32>
    %broadcast_in_dim3A_376 = vector.shape_cast %reduce_sum3A_375 : vector<1xf32> to vector<1x1xf32>
    %slice3A_377 = vector.extract_strided_slice %convert_element_type3A_361 {offsets = [0, 0], sizes = [48, 1], strides = [1, 1]} : vector<48x16xf32> to vector<48x1xf32>
    %broadcast_in_dim3A_378 = vector.shape_cast %broadcast_in_dim3A_376 : vector<1x1xf32> to vector<1x1xf32>
    %broadcast_in_dim3A_379 = vector.broadcast %broadcast_in_dim3A_378 : vector<1x1xf32> to vector<48x1xf32>
    %lt3A_380 = arith.cmpf olt, %slice3A_377, %broadcast_in_dim3A_379 : vector<48x1xf32>
    %convert_element_type3A_381 = arith.extui %lt3A_380 : vector<48x1xi1> to vector<48x1xi32>
    %swap3A_382 = arith.constant 0 : index
    %swap3A_383 = arith.constant 0 : index
    %swap3A_384 = vector.load %arg7[%swap3A_382, %swap3A_383] : memref<48x1xi32, #tpu.memory_space<vmem>>, vector<48x1xi32>
    tpu.vector_store %arg7[%swap3A_382, %swap3A_383], %convert_element_type3A_381 {strides = array<i32>} : memref<48x1xi32, #tpu.memory_space<vmem>>, vector<48x1xi32>,
    %gt3A = arith.constant 0.000000e+00 : f32
    %gt3A_385 = vector.broadcast %gt3A : f32 to vector<1x16xf32>
    %gt3A_386 = arith.cmpf ogt, %mul3A_319, %gt3A_385 : vector<1x16xf32>
    %convert_element_type3A_387 = arith.extui %gt3A_386 : vector<1x16xi1> to vector<1x16xi32>
    %convert_element_type3A_388 = arith.sitofp %convert_element_type3A_387 : vector<1x16xi32> to vector<1x16xf32>
    %dot_general3A_389 = arith.constant dense<0.000000e+00> : vector<1x16xf32>
    %dot_general3A_390 = tpu.matmul %convert_element_type3A_388, %convert_element_type3A_324, %dot_general3A_389 {dimension_numbers = #tpu.dot_dimension_numbers<[1], [0], [0], [1], [0, 0, 1, 1], [], []>, transpose_lhs_hint = false} : vector<1x16xf32>, vector<16x16xf32>, vector<1x16xf32> -> vector<1x16xf32>
    %broadcast_in_dim3A_391 = vector.shape_cast %sub3A_370 : vector<48x1xi32> to vector<48x1xi32>
    %broadcast_in_dim3A_392 = vector.broadcast %broadcast_in_dim3A_391 : vector<48x1xi32> to vector<48x16xi32>
    %iota3A_393 = tpu.iota {dimensions = array<i32: 1>} : vector<48x16xi32>
    %eq3A_394 = arith.cmpi eq, %broadcast_in_dim3A_392, %iota3A_393 : vector<48x16xi32>
    %convert_element_type3A_395 = arith.extui %eq3A_394 : vector<48x16xi1> to vector<48x16xi32>
    %convert_element_type3A_396 = arith.sitofp %convert_element_type3A_395 : vector<48x16xi32> to vector<48x16xf32>
    %broadcast_in_dim3A_397 = vector.shape_cast %dot_general3A_390 : vector<1x16xf32> to vector<1x16xf32>
    %broadcast_in_dim3A_398 = vector.broadcast %broadcast_in_dim3A_397 : vector<1x16xf32> to vector<48x16xf32>
    %mul3A_399 = arith.mulf %convert_element_type3A_396, %broadcast_in_dim3A_398 : vector<48x16xf32>
    %reduce_sum3A_400 = arith.constant dense<0.000000e+00> : vector<48xf32>
    %reduce_sum3A_401 = vector.multi_reduction <add>, %mul3A_399, %reduce_sum3A_400 [1] : vector<48x16xf32> to vector<48xf32>
    %broadcast_in_dim3A_402 = vector.shape_cast %reduce_sum3A_401 : vector<48xf32> to vector<48x1xf32>
    %convert_element_type3A_403 = arith.fptosi %broadcast_in_dim3A_402 : vector<48x1xf32> to vector<48x1xi32>
    %jit3A_404 = arith.constant 4 : i32
    %div3A_405 = vector.broadcast %jit3A_404 : i32 to vector<48x1xi32>
    %div3A_406 = arith.divsi %convert_element_type3A_403, %div3A_405 : vector<48x1xi32>
    %sign3A_407 = arith.constant 0 : i32
    %sign3A_408 = vector.broadcast %sign3A_407 : i32 to vector<48x1xi32>
    %sign3A_409 = arith.cmpi sgt, %convert_element_type3A_403, %sign3A_408 : vector<48x1xi32>
    %sign3A_410 = arith.extui %sign3A_409 : vector<48x1xi1> to vector<48x1xi32>
    %sign3A_411 = arith.constant 0 : i32
    %sign3A_412 = vector.broadcast %sign3A_411 : i32 to vector<48x1xi32>
    %sign3A_413 = arith.cmpi slt, %convert_element_type3A_403, %sign3A_412 : vector<48x1xi32>
    %sign3A_414 = arith.extui %sign3A_413 : vector<48x1xi1> to vector<48x1xi32>
    %sign3A_415 = arith.subi %sign3A_410, %sign3A_414 : vector<48x1xi32>
    %sign3A_416 = arith.constant 0 : i32
    %sign3A_417 = arith.cmpi sgt, %jit3A_404, %sign3A_416 : i32
    %sign3A_418 = arith.extui %sign3A_417 : i1 to i32
    %sign3A_419 = arith.constant 0 : i32
    %sign3A_420 = arith.cmpi slt, %jit3A_404, %sign3A_419 : i32
    %sign3A_421 = arith.extui %sign3A_420 : i1 to i32
    %sign3A_422 = arith.subi %sign3A_418, %sign3A_421 : i32
    %ne3A_423 = vector.broadcast %sign3A_422 : i32 to vector<48x1xi32>
    %ne3A_424 = arith.cmpi ne, %sign3A_415, %ne3A_423 : vector<48x1xi32>
    %rem3A_425 = vector.broadcast %jit3A_404 : i32 to vector<48x1xi32>
    %rem3A_426 = arith.remsi %convert_element_type3A_403, %rem3A_425 : vector<48x1xi32>
    %ne3A_427 = arith.constant 0 : i32
    %ne3A_428 = vector.broadcast %ne3A_427 : i32 to vector<48x1xi32>
    %ne3A_429 = arith.cmpi ne, %rem3A_426, %ne3A_428 : vector<48x1xi32>
    %and3A_430 = arith.andi %ne3A_424, %ne3A_429 : vector<48x1xi1>
    %sub3A_431 = arith.constant 1 : i32
    %sub3A_432 = vector.broadcast %sub3A_431 : i32 to vector<48x1xi32>
    %sub3A_433 = arith.subi %div3A_406, %sub3A_432 : vector<48x1xi32>
    %select_n3A_434 = arith.select %and3A_430, %sub3A_433, %div3A_406 : vector<48x1xi1>, vector<48x1xi32>
    %mul3A_435 = arith.constant 4 : i32
    %mul3A_436 = vector.broadcast %mul3A_435 : i32 to vector<48x1xi32>
    %mul3A_437 = arith.muli %select_n3A_434, %mul3A_436 : vector<48x1xi32>
    %sub3A_438 = arith.subi %convert_element_type3A_403, %mul3A_437 : vector<48x1xi32>
    %mul3A_439 = arith.muli %sub3A_438, %convert_element_type3A_381 : vector<48x1xi32>
    %swap3A_440 = arith.constant 0 : index
    %swap3A_441 = arith.constant 0 : index
    %swap3A_442 = vector.load %arg9[%swap3A_440, %swap3A_441] : memref<48x1xi32, #tpu.memory_space<vmem>>, vector<48x1xi32>
    tpu.vector_store %arg9[%swap3A_440, %swap3A_441], %mul3A_439 {strides = array<i32>} : memref<48x1xi32, #tpu.memory_space<vmem>>, vector<48x1xi32>,
    %broadcast_in_dim3A_443 = vector.shape_cast %dot_general3A_326 : vector<1x16xf32> to vector<1x16xf32>
    %broadcast_in_dim3A_444 = vector.broadcast %broadcast_in_dim3A_443 : vector<1x16xf32> to vector<48x16xf32>
    %mul3A_445 = arith.mulf %convert_element_type3A_396, %broadcast_in_dim3A_444 : vector<48x16xf32>
    %reduce_sum3A_446 = arith.constant dense<0.000000e+00> : vector<48xf32>
    %reduce_sum3A_447 = vector.multi_reduction <add>, %mul3A_445, %reduce_sum3A_446 [1] : vector<48x16xf32> to vector<48xf32>
    %broadcast_in_dim3A_448 = vector.shape_cast %reduce_sum3A_447 : vector<48xf32> to vector<48x1xf32>
    %slice3A_449 = vector.extract_strided_slice %convert_element_type3A_361 {offsets = [0, 0], sizes = [48, 1], strides = [1, 1]} : vector<48x16xf32> to vector<48x1xf32>
    %eq3A_450 = arith.cmpf oeq, %broadcast_in_dim3A_448, %slice3A_449 : vector<48x1xf32>
    %convert_element_type3A_451 = arith.extui %eq3A_450 : vector<48x1xi1> to vector<48x1xi32>
    %mul3A_452 = arith.muli %convert_element_type3A_451, %convert_element_type3A_381 : vector<48x1xi32>
    %swap3A_453 = arith.constant 0 : index
    %swap3A_454 = arith.constant 0 : index
    %swap3A_455 = vector.load %arg8[%swap3A_453, %swap3A_454] : memref<48x1xi32, #tpu.memory_space<vmem>>, vector<48x1xi32>
    tpu.vector_store %arg8[%swap3A_453, %swap3A_454], %mul3A_452 {strides = array<i32>} : memref<48x1xi32, #tpu.memory_space<vmem>>, vector<48x1xi32>,
    %add3A_456 = arith.constant 3 : i32
    %add3A_457 = vector.broadcast %add3A_456 : i32 to vector<48x1xi32>
    %add3A_458 = arith.addi %convert_element_type3A_403, %add3A_457 : vector<48x1xi32>
    %convert_element_type3A_459 = arith.sitofp %add3A_458 : vector<48x1xi32> to vector<48x1xf32>
    %broadcast_in_dim3A_460 = vector.shape_cast %convert_element_type3A_459 : vector<48x1xf32> to vector<48x1xf32>
    %broadcast_in_dim3A_461 = vector.broadcast %broadcast_in_dim3A_460 : vector<48x1xf32> to vector<48x16xf32>
    %broadcast_in_dim3A_462 = vector.shape_cast %dot_general3A_390 : vector<1x16xf32> to vector<1x16xf32>
    %broadcast_in_dim3A_463 = vector.broadcast %broadcast_in_dim3A_462 : vector<1x16xf32> to vector<48x16xf32>
    %eq3A_464 = arith.cmpf oeq, %broadcast_in_dim3A_463, %broadcast_in_dim3A_461 : vector<48x16xf32>
    %broadcast_in_dim3A_465 = vector.shape_cast %convert_element_type3A_388 : vector<1x16xf32> to vector<1x16xf32>
    %broadcast_in_dim3A_466 = vector.broadcast %broadcast_in_dim3A_465 : vector<1x16xf32> to vector<48x16xf32>
    %convert_element_type3A_467 = arith.extui %eq3A_464 : vector<48x16xi1> to vector<48x16xi32>
    %convert_element_type3A_468 = arith.sitofp %convert_element_type3A_467 : vector<48x16xi32> to vector<48x16xf32>
    %mul3A_469 = arith.mulf %convert_element_type3A_468, %broadcast_in_dim3A_466 : vector<48x16xf32>
    %iota3A_470 = tpu.iota {dimensions = array<i32: 1>} : vector<48x16xi32>
    %convert_element_type3A_471 = arith.sitofp %iota3A_470 : vector<48x16xi32> to vector<48x16xf32>
    %reduce_sum3A_472 = arith.constant dense<0.000000e+00> : vector<48xf32>
    %reduce_sum3A_473 = vector.multi_reduction <add>, %mul3A_469, %reduce_sum3A_472 [1] : vector<48x16xf32> to vector<48xf32>
    %broadcast_in_dim3A_474 = vector.shape_cast %reduce_sum3A_473 : vector<48xf32> to vector<48x1xf32>
    %mul3A_475 = arith.mulf %convert_element_type3A_471, %mul3A_469 : vector<48x16xf32>
    %reduce_sum3A_476 = arith.constant dense<0.000000e+00> : vector<48xf32>
    %reduce_sum3A_477 = vector.multi_reduction <add>, %mul3A_475, %reduce_sum3A_476 [1] : vector<48x16xf32> to vector<48xf32>
    %broadcast_in_dim3A_478 = vector.shape_cast %reduce_sum3A_477 : vector<48xf32> to vector<48x1xf32>
    %sub3A_479 = arith.constant 1.000000e+00 : f32
    %sub3A_480 = vector.broadcast %sub3A_479 : f32 to vector<48x1xf32>
    %sub3A_481 = arith.subf %sub3A_480, %broadcast_in_dim3A_474 : vector<48x1xf32>
    %sub3A_482 = arith.subf %broadcast_in_dim3A_478, %sub3A_481 : vector<48x1xf32>
    %convert_element_type3A_483 = arith.fptosi %sub3A_482 : vector<48x1xf32> to vector<48x1xi32>
    %swap3A_484 = arith.constant 0 : index
    %swap3A_485 = arith.constant 0 : index
    %swap3A_486 = vector.load %arg10[%swap3A_484, %swap3A_485] : memref<48x1xi32, #tpu.memory_space<vmem>>, vector<48x1xi32>
    tpu.vector_store %arg10[%swap3A_484, %swap3A_485], %convert_element_type3A_483 {strides = array<i32>} : memref<48x1xi32, #tpu.memory_space<vmem>>, vector<48x1xi32>,
    %iota3A_487 = tpu.iota {dimensions = array<i32: 0>} : vector<4x1xi32>
    %convert_element_type3A_488 = arith.sitofp %iota3A_487 : vector<4x1xi32> to vector<4x1xf32>
    %broadcast_in_dim3A_489 = vector.shape_cast %convert_element_type3A_488 : vector<4x1xf32> to vector<4x1xf32>
    %broadcast_in_dim3A_490 = vector.broadcast %broadcast_in_dim3A_489 : vector<4x1xf32> to vector<4x16xf32>
    %broadcast_in_dim3A_491 = vector.shape_cast %dot_general3A_390 : vector<1x16xf32> to vector<1x16xf32>
    %broadcast_in_dim3A_492 = vector.broadcast %broadcast_in_dim3A_491 : vector<1x16xf32> to vector<4x16xf32>
    %eq3A_493 = arith.cmpf oeq, %broadcast_in_dim3A_492, %broadcast_in_dim3A_490 : vector<4x16xf32>
    %broadcast_in_dim3A_494 = vector.shape_cast %convert_element_type3A_388 : vector<1x16xf32> to vector<1x16xf32>
    %broadcast_in_dim3A_495 = vector.broadcast %broadcast_in_dim3A_494 : vector<1x16xf32> to vector<4x16xf32>
    %convert_element_type3A_496 = arith.extui %eq3A_493 : vector<4x16xi1> to vector<4x16xi32>
    %convert_element_type3A_497 = arith.sitofp %convert_element_type3A_496 : vector<4x16xi32> to vector<4x16xf32>
    %mul3A_498 = arith.mulf %convert_element_type3A_497, %broadcast_in_dim3A_495 : vector<4x16xf32>
    %iota3A_499 = tpu.iota {dimensions = array<i32: 1>} : vector<4x16xi32>
    %convert_element_type3A_500 = arith.sitofp %iota3A_499 : vector<4x16xi32> to vector<4x16xf32>
    %reduce_sum3A_501 = arith.constant dense<0.000000e+00> : vector<4xf32>
    %reduce_sum3A_502 = vector.multi_reduction <add>, %mul3A_498, %reduce_sum3A_501 [1] : vector<4x16xf32> to vector<4xf32>
    %broadcast_in_dim3A_503 = vector.shape_cast %reduce_sum3A_502 : vector<4xf32> to vector<4x1xf32>
    %mul3A_504 = arith.mulf %convert_element_type3A_500, %mul3A_498 : vector<4x16xf32>
    %reduce_sum3A_505 = arith.constant dense<0.000000e+00> : vector<4xf32>
    %reduce_sum3A_506 = vector.multi_reduction <add>, %mul3A_504, %reduce_sum3A_505 [1] : vector<4x16xf32> to vector<4xf32>
    %broadcast_in_dim3A_507 = vector.shape_cast %reduce_sum3A_506 : vector<4xf32> to vector<4x1xf32>
    %sub3A_508 = arith.constant 1.000000e+00 : f32
    %sub3A_509 = vector.broadcast %sub3A_508 : f32 to vector<4x1xf32>
    %sub3A_510 = arith.subf %sub3A_509, %broadcast_in_dim3A_503 : vector<4x1xf32>
    %sub3A_511 = arith.subf %broadcast_in_dim3A_507, %sub3A_510 : vector<4x1xf32>
    %convert_element_type3A_512 = arith.fptosi %sub3A_511 : vector<4x1xf32> to vector<4x1xi32>
    %swap3A_513 = arith.constant 0 : index
    %swap3A_514 = arith.constant 0 : index
    %swap3A_515 = vector.load %arg11[%swap3A_513, %swap3A_514] : memref<4x1xi32, #tpu.memory_space<vmem>>, vector<4x1xi32>
    tpu.vector_store %arg11[%swap3A_513, %swap3A_514], %convert_element_type3A_512 {strides = array<i32>} : memref<4x1xi32, #tpu.memory_space<vmem>>, vector<4x1xi32>,
    return
  }
}

module attributes {stable_mosaic.version = 14 : i64} {
  func.func @_experts_body(%arg0: i32, %arg1: memref<48x1xi32, #tpu.memory_space<smem>>, %arg2: memref<48x1xi32, #tpu.memory_space<smem>>, %arg3: memref<48x1xi32, #tpu.memory_space<smem>>, %arg4: memref<48x1xi32, #tpu.memory_space<smem>>, %arg5: memref<48x1xi32, #tpu.memory_space<smem>>, %arg6: memref<4x1xi32, #tpu.memory_space<smem>>, %arg7: memref<128x1024xf32, #tpu.memory_space<vmem>>, %arg8: memref<16x1024x512xf32, #tpu.memory_space<any>>, %arg9: memref<16x1024x512xf32, #tpu.memory_space<any>>, %arg10: memref<16x512x1024xf32, #tpu.memory_space<any>>, %arg11: memref<128x1024xf32, #tpu.memory_space<vmem>>, %arg12: memref<4x1024x512xf32, #tpu.memory_space<vmem>>, %arg13: memref<4x1024x512xf32, #tpu.memory_space<vmem>>, %arg14: memref<4x512x1024xf32, #tpu.memory_space<vmem>>, %arg15: memref<4x!tpu.dma_semaphore, #tpu.memory_space<semaphore_mem>>, %arg16: memref<4x!tpu.dma_semaphore, #tpu.memory_space<semaphore_mem>>, %arg17: memref<4x!tpu.dma_semaphore, #tpu.memory_space<semaphore_mem>>) attributes {dimension_semantics = [#tpu.dimension_semantics<arbitrary>], iteration_bounds = array<i64: 48>, scalar_prefetch = 6 : i64, scratch_operands = 6 : i64, tpu.core_type = #tpu.core_type<tc>, window_params = [{transform_indices = @transform_0, window_bounds = array<i64: 128, 1024>}, {}, {}, {}, {transform_indices = @transform_4, window_bounds = array<i64: 128, 1024>}]} {
    %get3A = arith.index_cast %arg0 : i32 to index
    %get3A_0 = arith.constant 0 : index
    %get3A_1 = memref.load %arg2[%get3A, %get3A_0] : memref<48x1xi32, #tpu.memory_space<smem>>
    %eq3A = arith.constant 1 : i32
    %eq3A_2 = arith.cmpi eq, %get3A_1, %eq3A : i32
    %eq3A_3 = arith.constant 0 : i32
    %eq3A_4 = arith.cmpi eq, %arg0, %eq3A_3 : i32
    %convert_element_type3A = arith.extui %eq3A_4 : i1 to i32
    %cond3A = arith.constant 0 : i32
    %cond3A_5 = arith.cmpi ne, %convert_element_type3A, %cond3A : i32
    scf.if %cond3A_5 {
      %get3A_17 = arith.constant 0 : index
      %get3A_18 = arith.constant 0 : index
      %get3A_19 = memref.load %arg6[%get3A_17, %get3A_18] : memref<4x1xi32, #tpu.memory_space<smem>>
      %ge3A = arith.constant 0 : i32
      %ge3A_20 = arith.cmpi sge, %get3A_19, %ge3A : i32
      %convert_element_type3A_21 = arith.extui %ge3A_20 : i1 to i32
      %cond3A_22 = arith.constant 0 : i32
      %cond3A_23 = arith.cmpi ne, %convert_element_type3A_21, %cond3A_22 : i32
      scf.if %cond3A_23 {
        %get3A_48 = arith.constant 0 : index
        %get3A_49 = arith.constant 0 : index
        %get3A_50 = memref.load %arg6[%get3A_48, %get3A_49] : memref<4x1xi32, #tpu.memory_space<smem>>
        %dma_start3A = arith.constant 0 : i32
        %dma_start3A_51 = arith.constant 0 : i32
        %dma_start3A_52 = tpu.memref_slice %arg15[%dma_start3A_51] : memref<4x!tpu.dma_semaphore, #tpu.memory_space<semaphore_mem>> -> memref<1x!tpu.dma_semaphore, #tpu.memory_space<semaphore_mem>>
        %dma_start3A_53 = tpu.memref_squeeze %dma_start3A_52 : memref<1x!tpu.dma_semaphore, #tpu.memory_space<semaphore_mem>> -> memref<!tpu.dma_semaphore, #tpu.memory_space<semaphore_mem>>
        %dma_start3A_54 = arith.constant 0 : i32
        %dma_start3A_55 = arith.constant 0 : i32
        %dma_start3A_56 = tpu.memref_slice %arg12[%dma_start3A, %dma_start3A_54, %dma_start3A_55] : memref<4x1024x512xf32, #tpu.memory_space<vmem>> -> memref<1x1024x512xf32, #tpu.memory_space<vmem>>
        %dma_start3A_57 = tpu.memref_squeeze %dma_start3A_56 : memref<1x1024x512xf32, #tpu.memory_space<vmem>> -> memref<1024x512xf32, #tpu.memory_space<vmem>>
        %dma_start3A_58 = arith.constant 0 : i32
        %dma_start3A_59 = arith.constant 0 : i32
        %dma_start3A_60 = tpu.memref_slice %arg8[%get3A_50, %dma_start3A_58, %dma_start3A_59] : memref<16x1024x512xf32, #tpu.memory_space<any>> -> memref<1x1024x512xf32, #tpu.memory_space<any>>
        %dma_start3A_61 = tpu.memref_squeeze %dma_start3A_60 : memref<1x1024x512xf32, #tpu.memory_space<any>> -> memref<1024x512xf32, #tpu.memory_space<any>>
        tpu.enqueue_dma source(%dma_start3A_61 : memref<1024x512xf32, #tpu.memory_space<any>>) target(%dma_start3A_57 : memref<1024x512xf32, #tpu.memory_space<vmem>>) target_semaphore(%dma_start3A_53 : memref<!tpu.dma_semaphore, #tpu.memory_space<semaphore_mem>>)
        %dma_start3A_62 = arith.constant 0 : i32
        %dma_start3A_63 = arith.constant 0 : i32
        %dma_start3A_64 = tpu.memref_slice %arg16[%dma_start3A_63] : memref<4x!tpu.dma_semaphore, #tpu.memory_space<semaphore_mem>> -> memref<1x!tpu.dma_semaphore, #tpu.memory_space<semaphore_mem>>
        %dma_start3A_65 = tpu.memref_squeeze %dma_start3A_64 : memref<1x!tpu.dma_semaphore, #tpu.memory_space<semaphore_mem>> -> memref<!tpu.dma_semaphore, #tpu.memory_space<semaphore_mem>>
        %dma_start3A_66 = arith.constant 0 : i32
        %dma_start3A_67 = arith.constant 0 : i32
        %dma_start3A_68 = tpu.memref_slice %arg13[%dma_start3A_62, %dma_start3A_66, %dma_start3A_67] : memref<4x1024x512xf32, #tpu.memory_space<vmem>> -> memref<1x1024x512xf32, #tpu.memory_space<vmem>>
        %dma_start3A_69 = tpu.memref_squeeze %dma_start3A_68 : memref<1x1024x512xf32, #tpu.memory_space<vmem>> -> memref<1024x512xf32, #tpu.memory_space<vmem>>
        %dma_start3A_70 = arith.constant 0 : i32
        %dma_start3A_71 = arith.constant 0 : i32
        %dma_start3A_72 = tpu.memref_slice %arg9[%get3A_50, %dma_start3A_70, %dma_start3A_71] : memref<16x1024x512xf32, #tpu.memory_space<any>> -> memref<1x1024x512xf32, #tpu.memory_space<any>>
        %dma_start3A_73 = tpu.memref_squeeze %dma_start3A_72 : memref<1x1024x512xf32, #tpu.memory_space<any>> -> memref<1024x512xf32, #tpu.memory_space<any>>
        tpu.enqueue_dma source(%dma_start3A_73 : memref<1024x512xf32, #tpu.memory_space<any>>) target(%dma_start3A_69 : memref<1024x512xf32, #tpu.memory_space<vmem>>) target_semaphore(%dma_start3A_65 : memref<!tpu.dma_semaphore, #tpu.memory_space<semaphore_mem>>)
        %dma_start3A_74 = arith.constant 0 : i32
        %dma_start3A_75 = arith.constant 0 : i32
        %dma_start3A_76 = tpu.memref_slice %arg17[%dma_start3A_75] : memref<4x!tpu.dma_semaphore, #tpu.memory_space<semaphore_mem>> -> memref<1x!tpu.dma_semaphore, #tpu.memory_space<semaphore_mem>>
        %dma_start3A_77 = tpu.memref_squeeze %dma_start3A_76 : memref<1x!tpu.dma_semaphore, #tpu.memory_space<semaphore_mem>> -> memref<!tpu.dma_semaphore, #tpu.memory_space<semaphore_mem>>
        %dma_start3A_78 = arith.constant 0 : i32
        %dma_start3A_79 = arith.constant 0 : i32
        %dma_start3A_80 = tpu.memref_slice %arg14[%dma_start3A_74, %dma_start3A_78, %dma_start3A_79] : memref<4x512x1024xf32, #tpu.memory_space<vmem>> -> memref<1x512x1024xf32, #tpu.memory_space<vmem>>
        %dma_start3A_81 = tpu.memref_squeeze %dma_start3A_80 : memref<1x512x1024xf32, #tpu.memory_space<vmem>> -> memref<512x1024xf32, #tpu.memory_space<vmem>>
        %dma_start3A_82 = arith.constant 0 : i32
        %dma_start3A_83 = arith.constant 0 : i32
        %dma_start3A_84 = tpu.memref_slice %arg10[%get3A_50, %dma_start3A_82, %dma_start3A_83] : memref<16x512x1024xf32, #tpu.memory_space<any>> -> memref<1x512x1024xf32, #tpu.memory_space<any>>
        %dma_start3A_85 = tpu.memref_squeeze %dma_start3A_84 : memref<1x512x1024xf32, #tpu.memory_space<any>> -> memref<512x1024xf32, #tpu.memory_space<any>>
        tpu.enqueue_dma source(%dma_start3A_85 : memref<512x1024xf32, #tpu.memory_space<any>>) target(%dma_start3A_81 : memref<512x1024xf32, #tpu.memory_space<vmem>>) target_semaphore(%dma_start3A_77 : memref<!tpu.dma_semaphore, #tpu.memory_space<semaphore_mem>>)
      } else {
      }
      %get3A_24 = arith.constant 1 : index
      %get3A_25 = arith.constant 0 : index
      %get3A_26 = memref.load %arg6[%get3A_24, %get3A_25] : memref<4x1xi32, #tpu.memory_space<smem>>
      %ge3A_27 = arith.constant 0 : i32
      %ge3A_28 = arith.cmpi sge, %get3A_26, %ge3A_27 : i32
      %convert_element_type3A_29 = arith.extui %ge3A_28 : i1 to i32
      %cond3A_30 = arith.constant 0 : i32
      %cond3A_31 = arith.cmpi ne, %convert_element_type3A_29, %cond3A_30 : i32
      scf.if %cond3A_31 {
        %get3A_48 = arith.constant 1 : index
        %get3A_49 = arith.constant 0 : index
        %get3A_50 = memref.load %arg6[%get3A_48, %get3A_49] : memref<4x1xi32, #tpu.memory_space<smem>>
        %dma_start3A = arith.constant 1 : i32
        %dma_start3A_51 = arith.constant 1 : i32
        %dma_start3A_52 = tpu.memref_slice %arg15[%dma_start3A_51] : memref<4x!tpu.dma_semaphore, #tpu.memory_space<semaphore_mem>> -> memref<1x!tpu.dma_semaphore, #tpu.memory_space<semaphore_mem>>
        %dma_start3A_53 = tpu.memref_squeeze %dma_start3A_52 : memref<1x!tpu.dma_semaphore, #tpu.memory_space<semaphore_mem>> -> memref<!tpu.dma_semaphore, #tpu.memory_space<semaphore_mem>>
        %dma_start3A_54 = arith.constant 0 : i32
        %dma_start3A_55 = arith.constant 0 : i32
        %dma_start3A_56 = tpu.memref_slice %arg12[%dma_start3A, %dma_start3A_54, %dma_start3A_55] : memref<4x1024x512xf32, #tpu.memory_space<vmem>> -> memref<1x1024x512xf32, #tpu.memory_space<vmem>>
        %dma_start3A_57 = tpu.memref_squeeze %dma_start3A_56 : memref<1x1024x512xf32, #tpu.memory_space<vmem>> -> memref<1024x512xf32, #tpu.memory_space<vmem>>
        %dma_start3A_58 = arith.constant 0 : i32
        %dma_start3A_59 = arith.constant 0 : i32
        %dma_start3A_60 = tpu.memref_slice %arg8[%get3A_50, %dma_start3A_58, %dma_start3A_59] : memref<16x1024x512xf32, #tpu.memory_space<any>> -> memref<1x1024x512xf32, #tpu.memory_space<any>>
        %dma_start3A_61 = tpu.memref_squeeze %dma_start3A_60 : memref<1x1024x512xf32, #tpu.memory_space<any>> -> memref<1024x512xf32, #tpu.memory_space<any>>
        tpu.enqueue_dma source(%dma_start3A_61 : memref<1024x512xf32, #tpu.memory_space<any>>) target(%dma_start3A_57 : memref<1024x512xf32, #tpu.memory_space<vmem>>) target_semaphore(%dma_start3A_53 : memref<!tpu.dma_semaphore, #tpu.memory_space<semaphore_mem>>)
        %dma_start3A_62 = arith.constant 1 : i32
        %dma_start3A_63 = arith.constant 1 : i32
        %dma_start3A_64 = tpu.memref_slice %arg16[%dma_start3A_63] : memref<4x!tpu.dma_semaphore, #tpu.memory_space<semaphore_mem>> -> memref<1x!tpu.dma_semaphore, #tpu.memory_space<semaphore_mem>>
        %dma_start3A_65 = tpu.memref_squeeze %dma_start3A_64 : memref<1x!tpu.dma_semaphore, #tpu.memory_space<semaphore_mem>> -> memref<!tpu.dma_semaphore, #tpu.memory_space<semaphore_mem>>
        %dma_start3A_66 = arith.constant 0 : i32
        %dma_start3A_67 = arith.constant 0 : i32
        %dma_start3A_68 = tpu.memref_slice %arg13[%dma_start3A_62, %dma_start3A_66, %dma_start3A_67] : memref<4x1024x512xf32, #tpu.memory_space<vmem>> -> memref<1x1024x512xf32, #tpu.memory_space<vmem>>
        %dma_start3A_69 = tpu.memref_squeeze %dma_start3A_68 : memref<1x1024x512xf32, #tpu.memory_space<vmem>> -> memref<1024x512xf32, #tpu.memory_space<vmem>>
        %dma_start3A_70 = arith.constant 0 : i32
        %dma_start3A_71 = arith.constant 0 : i32
        %dma_start3A_72 = tpu.memref_slice %arg9[%get3A_50, %dma_start3A_70, %dma_start3A_71] : memref<16x1024x512xf32, #tpu.memory_space<any>> -> memref<1x1024x512xf32, #tpu.memory_space<any>>
        %dma_start3A_73 = tpu.memref_squeeze %dma_start3A_72 : memref<1x1024x512xf32, #tpu.memory_space<any>> -> memref<1024x512xf32, #tpu.memory_space<any>>
        tpu.enqueue_dma source(%dma_start3A_73 : memref<1024x512xf32, #tpu.memory_space<any>>) target(%dma_start3A_69 : memref<1024x512xf32, #tpu.memory_space<vmem>>) target_semaphore(%dma_start3A_65 : memref<!tpu.dma_semaphore, #tpu.memory_space<semaphore_mem>>)
        %dma_start3A_74 = arith.constant 1 : i32
        %dma_start3A_75 = arith.constant 1 : i32
        %dma_start3A_76 = tpu.memref_slice %arg17[%dma_start3A_75] : memref<4x!tpu.dma_semaphore, #tpu.memory_space<semaphore_mem>> -> memref<1x!tpu.dma_semaphore, #tpu.memory_space<semaphore_mem>>
        %dma_start3A_77 = tpu.memref_squeeze %dma_start3A_76 : memref<1x!tpu.dma_semaphore, #tpu.memory_space<semaphore_mem>> -> memref<!tpu.dma_semaphore, #tpu.memory_space<semaphore_mem>>
        %dma_start3A_78 = arith.constant 0 : i32
        %dma_start3A_79 = arith.constant 0 : i32
        %dma_start3A_80 = tpu.memref_slice %arg14[%dma_start3A_74, %dma_start3A_78, %dma_start3A_79] : memref<4x512x1024xf32, #tpu.memory_space<vmem>> -> memref<1x512x1024xf32, #tpu.memory_space<vmem>>
        %dma_start3A_81 = tpu.memref_squeeze %dma_start3A_80 : memref<1x512x1024xf32, #tpu.memory_space<vmem>> -> memref<512x1024xf32, #tpu.memory_space<vmem>>
        %dma_start3A_82 = arith.constant 0 : i32
        %dma_start3A_83 = arith.constant 0 : i32
        %dma_start3A_84 = tpu.memref_slice %arg10[%get3A_50, %dma_start3A_82, %dma_start3A_83] : memref<16x512x1024xf32, #tpu.memory_space<any>> -> memref<1x512x1024xf32, #tpu.memory_space<any>>
        %dma_start3A_85 = tpu.memref_squeeze %dma_start3A_84 : memref<1x512x1024xf32, #tpu.memory_space<any>> -> memref<512x1024xf32, #tpu.memory_space<any>>
        tpu.enqueue_dma source(%dma_start3A_85 : memref<512x1024xf32, #tpu.memory_space<any>>) target(%dma_start3A_81 : memref<512x1024xf32, #tpu.memory_space<vmem>>) target_semaphore(%dma_start3A_77 : memref<!tpu.dma_semaphore, #tpu.memory_space<semaphore_mem>>)
      } else {
      }
      %get3A_32 = arith.constant 2 : index
      %get3A_33 = arith.constant 0 : index
      %get3A_34 = memref.load %arg6[%get3A_32, %get3A_33] : memref<4x1xi32, #tpu.memory_space<smem>>
      %ge3A_35 = arith.constant 0 : i32
      %ge3A_36 = arith.cmpi sge, %get3A_34, %ge3A_35 : i32
      %convert_element_type3A_37 = arith.extui %ge3A_36 : i1 to i32
      %cond3A_38 = arith.constant 0 : i32
      %cond3A_39 = arith.cmpi ne, %convert_element_type3A_37, %cond3A_38 : i32
      scf.if %cond3A_39 {
        %get3A_48 = arith.constant 2 : index
        %get3A_49 = arith.constant 0 : index
        %get3A_50 = memref.load %arg6[%get3A_48, %get3A_49] : memref<4x1xi32, #tpu.memory_space<smem>>
        %dma_start3A = arith.constant 2 : i32
        %dma_start3A_51 = arith.constant 2 : i32
        %dma_start3A_52 = tpu.memref_slice %arg15[%dma_start3A_51] : memref<4x!tpu.dma_semaphore, #tpu.memory_space<semaphore_mem>> -> memref<1x!tpu.dma_semaphore, #tpu.memory_space<semaphore_mem>>
        %dma_start3A_53 = tpu.memref_squeeze %dma_start3A_52 : memref<1x!tpu.dma_semaphore, #tpu.memory_space<semaphore_mem>> -> memref<!tpu.dma_semaphore, #tpu.memory_space<semaphore_mem>>
        %dma_start3A_54 = arith.constant 0 : i32
        %dma_start3A_55 = arith.constant 0 : i32
        %dma_start3A_56 = tpu.memref_slice %arg12[%dma_start3A, %dma_start3A_54, %dma_start3A_55] : memref<4x1024x512xf32, #tpu.memory_space<vmem>> -> memref<1x1024x512xf32, #tpu.memory_space<vmem>>
        %dma_start3A_57 = tpu.memref_squeeze %dma_start3A_56 : memref<1x1024x512xf32, #tpu.memory_space<vmem>> -> memref<1024x512xf32, #tpu.memory_space<vmem>>
        %dma_start3A_58 = arith.constant 0 : i32
        %dma_start3A_59 = arith.constant 0 : i32
        %dma_start3A_60 = tpu.memref_slice %arg8[%get3A_50, %dma_start3A_58, %dma_start3A_59] : memref<16x1024x512xf32, #tpu.memory_space<any>> -> memref<1x1024x512xf32, #tpu.memory_space<any>>
        %dma_start3A_61 = tpu.memref_squeeze %dma_start3A_60 : memref<1x1024x512xf32, #tpu.memory_space<any>> -> memref<1024x512xf32, #tpu.memory_space<any>>
        tpu.enqueue_dma source(%dma_start3A_61 : memref<1024x512xf32, #tpu.memory_space<any>>) target(%dma_start3A_57 : memref<1024x512xf32, #tpu.memory_space<vmem>>) target_semaphore(%dma_start3A_53 : memref<!tpu.dma_semaphore, #tpu.memory_space<semaphore_mem>>)
        %dma_start3A_62 = arith.constant 2 : i32
        %dma_start3A_63 = arith.constant 2 : i32
        %dma_start3A_64 = tpu.memref_slice %arg16[%dma_start3A_63] : memref<4x!tpu.dma_semaphore, #tpu.memory_space<semaphore_mem>> -> memref<1x!tpu.dma_semaphore, #tpu.memory_space<semaphore_mem>>
        %dma_start3A_65 = tpu.memref_squeeze %dma_start3A_64 : memref<1x!tpu.dma_semaphore, #tpu.memory_space<semaphore_mem>> -> memref<!tpu.dma_semaphore, #tpu.memory_space<semaphore_mem>>
        %dma_start3A_66 = arith.constant 0 : i32
        %dma_start3A_67 = arith.constant 0 : i32
        %dma_start3A_68 = tpu.memref_slice %arg13[%dma_start3A_62, %dma_start3A_66, %dma_start3A_67] : memref<4x1024x512xf32, #tpu.memory_space<vmem>> -> memref<1x1024x512xf32, #tpu.memory_space<vmem>>
        %dma_start3A_69 = tpu.memref_squeeze %dma_start3A_68 : memref<1x1024x512xf32, #tpu.memory_space<vmem>> -> memref<1024x512xf32, #tpu.memory_space<vmem>>
        %dma_start3A_70 = arith.constant 0 : i32
        %dma_start3A_71 = arith.constant 0 : i32
        %dma_start3A_72 = tpu.memref_slice %arg9[%get3A_50, %dma_start3A_70, %dma_start3A_71] : memref<16x1024x512xf32, #tpu.memory_space<any>> -> memref<1x1024x512xf32, #tpu.memory_space<any>>
        %dma_start3A_73 = tpu.memref_squeeze %dma_start3A_72 : memref<1x1024x512xf32, #tpu.memory_space<any>> -> memref<1024x512xf32, #tpu.memory_space<any>>
        tpu.enqueue_dma source(%dma_start3A_73 : memref<1024x512xf32, #tpu.memory_space<any>>) target(%dma_start3A_69 : memref<1024x512xf32, #tpu.memory_space<vmem>>) target_semaphore(%dma_start3A_65 : memref<!tpu.dma_semaphore, #tpu.memory_space<semaphore_mem>>)
        %dma_start3A_74 = arith.constant 2 : i32
        %dma_start3A_75 = arith.constant 2 : i32
        %dma_start3A_76 = tpu.memref_slice %arg17[%dma_start3A_75] : memref<4x!tpu.dma_semaphore, #tpu.memory_space<semaphore_mem>> -> memref<1x!tpu.dma_semaphore, #tpu.memory_space<semaphore_mem>>
        %dma_start3A_77 = tpu.memref_squeeze %dma_start3A_76 : memref<1x!tpu.dma_semaphore, #tpu.memory_space<semaphore_mem>> -> memref<!tpu.dma_semaphore, #tpu.memory_space<semaphore_mem>>
        %dma_start3A_78 = arith.constant 0 : i32
        %dma_start3A_79 = arith.constant 0 : i32
        %dma_start3A_80 = tpu.memref_slice %arg14[%dma_start3A_74, %dma_start3A_78, %dma_start3A_79] : memref<4x512x1024xf32, #tpu.memory_space<vmem>> -> memref<1x512x1024xf32, #tpu.memory_space<vmem>>
        %dma_start3A_81 = tpu.memref_squeeze %dma_start3A_80 : memref<1x512x1024xf32, #tpu.memory_space<vmem>> -> memref<512x1024xf32, #tpu.memory_space<vmem>>
        %dma_start3A_82 = arith.constant 0 : i32
        %dma_start3A_83 = arith.constant 0 : i32
        %dma_start3A_84 = tpu.memref_slice %arg10[%get3A_50, %dma_start3A_82, %dma_start3A_83] : memref<16x512x1024xf32, #tpu.memory_space<any>> -> memref<1x512x1024xf32, #tpu.memory_space<any>>
        %dma_start3A_85 = tpu.memref_squeeze %dma_start3A_84 : memref<1x512x1024xf32, #tpu.memory_space<any>> -> memref<512x1024xf32, #tpu.memory_space<any>>
        tpu.enqueue_dma source(%dma_start3A_85 : memref<512x1024xf32, #tpu.memory_space<any>>) target(%dma_start3A_81 : memref<512x1024xf32, #tpu.memory_space<vmem>>) target_semaphore(%dma_start3A_77 : memref<!tpu.dma_semaphore, #tpu.memory_space<semaphore_mem>>)
      } else {
      }
      %get3A_40 = arith.constant 3 : index
      %get3A_41 = arith.constant 0 : index
      %get3A_42 = memref.load %arg6[%get3A_40, %get3A_41] : memref<4x1xi32, #tpu.memory_space<smem>>
      %ge3A_43 = arith.constant 0 : i32
      %ge3A_44 = arith.cmpi sge, %get3A_42, %ge3A_43 : i32
      %convert_element_type3A_45 = arith.extui %ge3A_44 : i1 to i32
      %cond3A_46 = arith.constant 0 : i32
      %cond3A_47 = arith.cmpi ne, %convert_element_type3A_45, %cond3A_46 : i32
      scf.if %cond3A_47 {
        %get3A_48 = arith.constant 3 : index
        %get3A_49 = arith.constant 0 : index
        %get3A_50 = memref.load %arg6[%get3A_48, %get3A_49] : memref<4x1xi32, #tpu.memory_space<smem>>
        %dma_start3A = arith.constant 3 : i32
        %dma_start3A_51 = arith.constant 3 : i32
        %dma_start3A_52 = tpu.memref_slice %arg15[%dma_start3A_51] : memref<4x!tpu.dma_semaphore, #tpu.memory_space<semaphore_mem>> -> memref<1x!tpu.dma_semaphore, #tpu.memory_space<semaphore_mem>>
        %dma_start3A_53 = tpu.memref_squeeze %dma_start3A_52 : memref<1x!tpu.dma_semaphore, #tpu.memory_space<semaphore_mem>> -> memref<!tpu.dma_semaphore, #tpu.memory_space<semaphore_mem>>
        %dma_start3A_54 = arith.constant 0 : i32
        %dma_start3A_55 = arith.constant 0 : i32
        %dma_start3A_56 = tpu.memref_slice %arg12[%dma_start3A, %dma_start3A_54, %dma_start3A_55] : memref<4x1024x512xf32, #tpu.memory_space<vmem>> -> memref<1x1024x512xf32, #tpu.memory_space<vmem>>
        %dma_start3A_57 = tpu.memref_squeeze %dma_start3A_56 : memref<1x1024x512xf32, #tpu.memory_space<vmem>> -> memref<1024x512xf32, #tpu.memory_space<vmem>>
        %dma_start3A_58 = arith.constant 0 : i32
        %dma_start3A_59 = arith.constant 0 : i32
        %dma_start3A_60 = tpu.memref_slice %arg8[%get3A_50, %dma_start3A_58, %dma_start3A_59] : memref<16x1024x512xf32, #tpu.memory_space<any>> -> memref<1x1024x512xf32, #tpu.memory_space<any>>
        %dma_start3A_61 = tpu.memref_squeeze %dma_start3A_60 : memref<1x1024x512xf32, #tpu.memory_space<any>> -> memref<1024x512xf32, #tpu.memory_space<any>>
        tpu.enqueue_dma source(%dma_start3A_61 : memref<1024x512xf32, #tpu.memory_space<any>>) target(%dma_start3A_57 : memref<1024x512xf32, #tpu.memory_space<vmem>>) target_semaphore(%dma_start3A_53 : memref<!tpu.dma_semaphore, #tpu.memory_space<semaphore_mem>>)
        %dma_start3A_62 = arith.constant 3 : i32
        %dma_start3A_63 = arith.constant 3 : i32
        %dma_start3A_64 = tpu.memref_slice %arg16[%dma_start3A_63] : memref<4x!tpu.dma_semaphore, #tpu.memory_space<semaphore_mem>> -> memref<1x!tpu.dma_semaphore, #tpu.memory_space<semaphore_mem>>
        %dma_start3A_65 = tpu.memref_squeeze %dma_start3A_64 : memref<1x!tpu.dma_semaphore, #tpu.memory_space<semaphore_mem>> -> memref<!tpu.dma_semaphore, #tpu.memory_space<semaphore_mem>>
        %dma_start3A_66 = arith.constant 0 : i32
        %dma_start3A_67 = arith.constant 0 : i32
        %dma_start3A_68 = tpu.memref_slice %arg13[%dma_start3A_62, %dma_start3A_66, %dma_start3A_67] : memref<4x1024x512xf32, #tpu.memory_space<vmem>> -> memref<1x1024x512xf32, #tpu.memory_space<vmem>>
        %dma_start3A_69 = tpu.memref_squeeze %dma_start3A_68 : memref<1x1024x512xf32, #tpu.memory_space<vmem>> -> memref<1024x512xf32, #tpu.memory_space<vmem>>
        %dma_start3A_70 = arith.constant 0 : i32
        %dma_start3A_71 = arith.constant 0 : i32
        %dma_start3A_72 = tpu.memref_slice %arg9[%get3A_50, %dma_start3A_70, %dma_start3A_71] : memref<16x1024x512xf32, #tpu.memory_space<any>> -> memref<1x1024x512xf32, #tpu.memory_space<any>>
        %dma_start3A_73 = tpu.memref_squeeze %dma_start3A_72 : memref<1x1024x512xf32, #tpu.memory_space<any>> -> memref<1024x512xf32, #tpu.memory_space<any>>
        tpu.enqueue_dma source(%dma_start3A_73 : memref<1024x512xf32, #tpu.memory_space<any>>) target(%dma_start3A_69 : memref<1024x512xf32, #tpu.memory_space<vmem>>) target_semaphore(%dma_start3A_65 : memref<!tpu.dma_semaphore, #tpu.memory_space<semaphore_mem>>)
        %dma_start3A_74 = arith.constant 3 : i32
        %dma_start3A_75 = arith.constant 3 : i32
        %dma_start3A_76 = tpu.memref_slice %arg17[%dma_start3A_75] : memref<4x!tpu.dma_semaphore, #tpu.memory_space<semaphore_mem>> -> memref<1x!tpu.dma_semaphore, #tpu.memory_space<semaphore_mem>>
        %dma_start3A_77 = tpu.memref_squeeze %dma_start3A_76 : memref<1x!tpu.dma_semaphore, #tpu.memory_space<semaphore_mem>> -> memref<!tpu.dma_semaphore, #tpu.memory_space<semaphore_mem>>
        %dma_start3A_78 = arith.constant 0 : i32
        %dma_start3A_79 = arith.constant 0 : i32
        %dma_start3A_80 = tpu.memref_slice %arg14[%dma_start3A_74, %dma_start3A_78, %dma_start3A_79] : memref<4x512x1024xf32, #tpu.memory_space<vmem>> -> memref<1x512x1024xf32, #tpu.memory_space<vmem>>
        %dma_start3A_81 = tpu.memref_squeeze %dma_start3A_80 : memref<1x512x1024xf32, #tpu.memory_space<vmem>> -> memref<512x1024xf32, #tpu.memory_space<vmem>>
        %dma_start3A_82 = arith.constant 0 : i32
        %dma_start3A_83 = arith.constant 0 : i32
        %dma_start3A_84 = tpu.memref_slice %arg10[%get3A_50, %dma_start3A_82, %dma_start3A_83] : memref<16x512x1024xf32, #tpu.memory_space<any>> -> memref<1x512x1024xf32, #tpu.memory_space<any>>
        %dma_start3A_85 = tpu.memref_squeeze %dma_start3A_84 : memref<1x512x1024xf32, #tpu.memory_space<any>> -> memref<512x1024xf32, #tpu.memory_space<any>>
        tpu.enqueue_dma source(%dma_start3A_85 : memref<512x1024xf32, #tpu.memory_space<any>>) target(%dma_start3A_81 : memref<512x1024xf32, #tpu.memory_space<vmem>>) target_semaphore(%dma_start3A_77 : memref<!tpu.dma_semaphore, #tpu.memory_space<semaphore_mem>>)
      } else {
      }
    } else {
    }
    %get3A_6 = arith.index_cast %arg0 : i32 to index
    %get3A_7 = arith.constant 0 : index
    %get3A_8 = memref.load %arg3[%get3A_6, %get3A_7] : memref<48x1xi32, #tpu.memory_space<smem>>
    %eq3A_9 = arith.constant 1 : i32
    %eq3A_10 = arith.cmpi eq, %get3A_8, %eq3A_9 : i32
    %and3A = arith.andi %eq3A_2, %eq3A_10 : i1
    %convert_element_type3A_11 = arith.extui %and3A : i1 to i32
    %cond3A_12 = arith.constant 0 : i32
    %cond3A_13 = arith.cmpi ne, %convert_element_type3A_11, %cond3A_12 : i32
    scf.if %cond3A_13 {
      %get3A_17 = arith.index_cast %arg0 : i32 to index
      %get3A_18 = arith.constant 0 : index
      %get3A_19 = memref.load %arg4[%get3A_17, %get3A_18] : memref<48x1xi32, #tpu.memory_space<smem>>
      %get3A_20 = arith.index_cast %arg0 : i32 to index
      %get3A_21 = arith.constant 0 : index
      %get3A_22 = memref.load %arg1[%get3A_20, %get3A_21] : memref<48x1xi32, #tpu.memory_space<smem>>
      %dma_wait3A = tpu.memref_slice %arg15[%get3A_19] : memref<4x!tpu.dma_semaphore, #tpu.memory_space<semaphore_mem>> -> memref<1x!tpu.dma_semaphore, #tpu.memory_space<semaphore_mem>>
      %dma_wait3A_23 = tpu.memref_squeeze %dma_wait3A : memref<1x!tpu.dma_semaphore, #tpu.memory_space<semaphore_mem>> -> memref<!tpu.dma_semaphore, #tpu.memory_space<semaphore_mem>>
      %dma_wait3A_24 = arith.constant 0 : i32
      %dma_wait3A_25 = arith.constant 0 : i32
      %dma_wait3A_26 = tpu.memref_slice %arg12[%get3A_19, %dma_wait3A_24, %dma_wait3A_25] : memref<4x1024x512xf32, #tpu.memory_space<vmem>> -> memref<1x1024x512xf32, #tpu.memory_space<vmem>>
      %dma_wait3A_27 = tpu.memref_squeeze %dma_wait3A_26 : memref<1x1024x512xf32, #tpu.memory_space<vmem>> -> memref<1024x512xf32, #tpu.memory_space<vmem>>
      %dma_wait3A_28 = arith.constant 0 : i32
      %dma_wait3A_29 = arith.constant 0 : i32
      %dma_wait3A_30 = tpu.memref_slice %arg8[%get3A_22, %dma_wait3A_28, %dma_wait3A_29] : memref<16x1024x512xf32, #tpu.memory_space<any>> -> memref<1x1024x512xf32, #tpu.memory_space<any>>
      %dma_wait3A_31 = tpu.memref_squeeze %dma_wait3A_30 : memref<1x1024x512xf32, #tpu.memory_space<any>> -> memref<1024x512xf32, #tpu.memory_space<any>>
      tpu.wait_dma2 semaphore(%dma_wait3A_23 : memref<!tpu.dma_semaphore, #tpu.memory_space<semaphore_mem>>) src(%dma_wait3A_31 : memref<1024x512xf32, #tpu.memory_space<any>>) dst(%dma_wait3A_27 : memref<1024x512xf32, #tpu.memory_space<vmem>>)
      %dma_wait3A_32 = tpu.memref_slice %arg16[%get3A_19] : memref<4x!tpu.dma_semaphore, #tpu.memory_space<semaphore_mem>> -> memref<1x!tpu.dma_semaphore, #tpu.memory_space<semaphore_mem>>
      %dma_wait3A_33 = tpu.memref_squeeze %dma_wait3A_32 : memref<1x!tpu.dma_semaphore, #tpu.memory_space<semaphore_mem>> -> memref<!tpu.dma_semaphore, #tpu.memory_space<semaphore_mem>>
      %dma_wait3A_34 = arith.constant 0 : i32
      %dma_wait3A_35 = arith.constant 0 : i32
      %dma_wait3A_36 = tpu.memref_slice %arg13[%get3A_19, %dma_wait3A_34, %dma_wait3A_35] : memref<4x1024x512xf32, #tpu.memory_space<vmem>> -> memref<1x1024x512xf32, #tpu.memory_space<vmem>>
      %dma_wait3A_37 = tpu.memref_squeeze %dma_wait3A_36 : memref<1x1024x512xf32, #tpu.memory_space<vmem>> -> memref<1024x512xf32, #tpu.memory_space<vmem>>
      %dma_wait3A_38 = arith.constant 0 : i32
      %dma_wait3A_39 = arith.constant 0 : i32
      %dma_wait3A_40 = tpu.memref_slice %arg9[%get3A_22, %dma_wait3A_38, %dma_wait3A_39] : memref<16x1024x512xf32, #tpu.memory_space<any>> -> memref<1x1024x512xf32, #tpu.memory_space<any>>
      %dma_wait3A_41 = tpu.memref_squeeze %dma_wait3A_40 : memref<1x1024x512xf32, #tpu.memory_space<any>> -> memref<1024x512xf32, #tpu.memory_space<any>>
      tpu.wait_dma2 semaphore(%dma_wait3A_33 : memref<!tpu.dma_semaphore, #tpu.memory_space<semaphore_mem>>) src(%dma_wait3A_41 : memref<1024x512xf32, #tpu.memory_space<any>>) dst(%dma_wait3A_37 : memref<1024x512xf32, #tpu.memory_space<vmem>>)
      %dma_wait3A_42 = tpu.memref_slice %arg17[%get3A_19] : memref<4x!tpu.dma_semaphore, #tpu.memory_space<semaphore_mem>> -> memref<1x!tpu.dma_semaphore, #tpu.memory_space<semaphore_mem>>
      %dma_wait3A_43 = tpu.memref_squeeze %dma_wait3A_42 : memref<1x!tpu.dma_semaphore, #tpu.memory_space<semaphore_mem>> -> memref<!tpu.dma_semaphore, #tpu.memory_space<semaphore_mem>>
      %dma_wait3A_44 = arith.constant 0 : i32
      %dma_wait3A_45 = arith.constant 0 : i32
      %dma_wait3A_46 = tpu.memref_slice %arg14[%get3A_19, %dma_wait3A_44, %dma_wait3A_45] : memref<4x512x1024xf32, #tpu.memory_space<vmem>> -> memref<1x512x1024xf32, #tpu.memory_space<vmem>>
      %dma_wait3A_47 = tpu.memref_squeeze %dma_wait3A_46 : memref<1x512x1024xf32, #tpu.memory_space<vmem>> -> memref<512x1024xf32, #tpu.memory_space<vmem>>
      %dma_wait3A_48 = arith.constant 0 : i32
      %dma_wait3A_49 = arith.constant 0 : i32
      %dma_wait3A_50 = tpu.memref_slice %arg10[%get3A_22, %dma_wait3A_48, %dma_wait3A_49] : memref<16x512x1024xf32, #tpu.memory_space<any>> -> memref<1x512x1024xf32, #tpu.memory_space<any>>
      %dma_wait3A_51 = tpu.memref_squeeze %dma_wait3A_50 : memref<1x512x1024xf32, #tpu.memory_space<any>> -> memref<512x1024xf32, #tpu.memory_space<any>>
      tpu.wait_dma2 semaphore(%dma_wait3A_43 : memref<!tpu.dma_semaphore, #tpu.memory_space<semaphore_mem>>) src(%dma_wait3A_51 : memref<512x1024xf32, #tpu.memory_space<any>>) dst(%dma_wait3A_47 : memref<512x1024xf32, #tpu.memory_space<vmem>>)
      %get3A_52 = arith.index_cast %arg0 : i32 to index
      %get3A_53 = arith.constant 0 : index
      %get3A_54 = memref.load %arg5[%get3A_52, %get3A_53] : memref<48x1xi32, #tpu.memory_space<smem>>
      %ge3A = arith.constant 0 : i32
      %ge3A_55 = arith.cmpi sge, %get3A_54, %ge3A : i32
      %gt3A = arith.constant 0 : i32
      %gt3A_56 = arith.cmpi sgt, %arg0, %gt3A : i32
      %and3A_57 = arith.andi %ge3A_55, %gt3A_56 : i1
      %convert_element_type3A_58 = arith.extui %and3A_57 : i1 to i32
      %cond3A_59 = arith.constant 0 : i32
      %cond3A_60 = arith.cmpi ne, %convert_element_type3A_58, %cond3A_59 : i32
      scf.if %cond3A_60 {
        %add3A = arith.constant 3 : i32
        %add3A_61 = arith.addi %get3A_19, %add3A : i32
        %add3A_62 = arith.constant 3 : i32
        %add3A_63 = arith.addi %get3A_19, %add3A_62 : i32
        %jit3A = arith.constant 4 : i32
        %div3A = arith.divsi %add3A_63, %jit3A : i32
        %sign3A = arith.constant 0 : i32
        %sign3A_64 = arith.cmpi sgt, %add3A_63, %sign3A : i32
        %sign3A_65 = arith.extui %sign3A_64 : i1 to i32
        %sign3A_66 = arith.constant 0 : i32
        %sign3A_67 = arith.cmpi slt, %add3A_63, %sign3A_66 : i32
        %sign3A_68 = arith.extui %sign3A_67 : i1 to i32
        %sign3A_69 = arith.subi %sign3A_65, %sign3A_68 : i32
        %sign3A_70 = arith.constant 0 : i32
        %sign3A_71 = arith.cmpi sgt, %jit3A, %sign3A_70 : i32
        %sign3A_72 = arith.extui %sign3A_71 : i1 to i32
        %sign3A_73 = arith.constant 0 : i32
        %sign3A_74 = arith.cmpi slt, %jit3A, %sign3A_73 : i32
        %sign3A_75 = arith.extui %sign3A_74 : i1 to i32
        %sign3A_76 = arith.subi %sign3A_72, %sign3A_75 : i32
        %ne3A = arith.cmpi ne, %sign3A_69, %sign3A_76 : i32
        %rem3A = arith.remsi %add3A_63, %jit3A : i32
        %ne3A_77 = arith.constant 0 : i32
        %ne3A_78 = arith.cmpi ne, %rem3A, %ne3A_77 : i32
        %and3A_79 = arith.andi %ne3A, %ne3A_78 : i1
        %sub3A = arith.constant 1 : i32
        %sub3A_80 = arith.subi %div3A, %sub3A : i32
        %select_n3A = arith.select %and3A_79, %sub3A_80, %div3A : i32
        %mul3A = arith.constant 4 : i32
        %mul3A_81 = arith.muli %select_n3A, %mul3A : i32
        %sub3A_82 = arith.subi %add3A_61, %mul3A_81 : i32
        %get3A_83 = arith.index_cast %arg0 : i32 to index
        %get3A_84 = arith.constant 0 : index
        %get3A_85 = memref.load %arg5[%get3A_83, %get3A_84] : memref<48x1xi32, #tpu.memory_space<smem>>
        %dma_start3A = tpu.memref_slice %arg15[%sub3A_82] : memref<4x!tpu.dma_semaphore, #tpu.memory_space<semaphore_mem>> -> memref<1x!tpu.dma_semaphore, #tpu.memory_space<semaphore_mem>>
        %dma_start3A_86 = tpu.memref_squeeze %dma_start3A : memref<1x!tpu.dma_semaphore, #tpu.memory_space<semaphore_mem>> -> memref<!tpu.dma_semaphore, #tpu.memory_space<semaphore_mem>>
        %dma_start3A_87 = arith.constant 0 : i32
        %dma_start3A_88 = arith.constant 0 : i32
        %dma_start3A_89 = tpu.memref_slice %arg12[%sub3A_82, %dma_start3A_87, %dma_start3A_88] : memref<4x1024x512xf32, #tpu.memory_space<vmem>> -> memref<1x1024x512xf32, #tpu.memory_space<vmem>>
        %dma_start3A_90 = tpu.memref_squeeze %dma_start3A_89 : memref<1x1024x512xf32, #tpu.memory_space<vmem>> -> memref<1024x512xf32, #tpu.memory_space<vmem>>
        %dma_start3A_91 = arith.constant 0 : i32
        %dma_start3A_92 = arith.constant 0 : i32
        %dma_start3A_93 = tpu.memref_slice %arg8[%get3A_85, %dma_start3A_91, %dma_start3A_92] : memref<16x1024x512xf32, #tpu.memory_space<any>> -> memref<1x1024x512xf32, #tpu.memory_space<any>>
        %dma_start3A_94 = tpu.memref_squeeze %dma_start3A_93 : memref<1x1024x512xf32, #tpu.memory_space<any>> -> memref<1024x512xf32, #tpu.memory_space<any>>
        tpu.enqueue_dma source(%dma_start3A_94 : memref<1024x512xf32, #tpu.memory_space<any>>) target(%dma_start3A_90 : memref<1024x512xf32, #tpu.memory_space<vmem>>) target_semaphore(%dma_start3A_86 : memref<!tpu.dma_semaphore, #tpu.memory_space<semaphore_mem>>)
        %dma_start3A_95 = tpu.memref_slice %arg16[%sub3A_82] : memref<4x!tpu.dma_semaphore, #tpu.memory_space<semaphore_mem>> -> memref<1x!tpu.dma_semaphore, #tpu.memory_space<semaphore_mem>>
        %dma_start3A_96 = tpu.memref_squeeze %dma_start3A_95 : memref<1x!tpu.dma_semaphore, #tpu.memory_space<semaphore_mem>> -> memref<!tpu.dma_semaphore, #tpu.memory_space<semaphore_mem>>
        %dma_start3A_97 = arith.constant 0 : i32
        %dma_start3A_98 = arith.constant 0 : i32
        %dma_start3A_99 = tpu.memref_slice %arg13[%sub3A_82, %dma_start3A_97, %dma_start3A_98] : memref<4x1024x512xf32, #tpu.memory_space<vmem>> -> memref<1x1024x512xf32, #tpu.memory_space<vmem>>
        %dma_start3A_100 = tpu.memref_squeeze %dma_start3A_99 : memref<1x1024x512xf32, #tpu.memory_space<vmem>> -> memref<1024x512xf32, #tpu.memory_space<vmem>>
        %dma_start3A_101 = arith.constant 0 : i32
        %dma_start3A_102 = arith.constant 0 : i32
        %dma_start3A_103 = tpu.memref_slice %arg9[%get3A_85, %dma_start3A_101, %dma_start3A_102] : memref<16x1024x512xf32, #tpu.memory_space<any>> -> memref<1x1024x512xf32, #tpu.memory_space<any>>
        %dma_start3A_104 = tpu.memref_squeeze %dma_start3A_103 : memref<1x1024x512xf32, #tpu.memory_space<any>> -> memref<1024x512xf32, #tpu.memory_space<any>>
        tpu.enqueue_dma source(%dma_start3A_104 : memref<1024x512xf32, #tpu.memory_space<any>>) target(%dma_start3A_100 : memref<1024x512xf32, #tpu.memory_space<vmem>>) target_semaphore(%dma_start3A_96 : memref<!tpu.dma_semaphore, #tpu.memory_space<semaphore_mem>>)
        %dma_start3A_105 = tpu.memref_slice %arg17[%sub3A_82] : memref<4x!tpu.dma_semaphore, #tpu.memory_space<semaphore_mem>> -> memref<1x!tpu.dma_semaphore, #tpu.memory_space<semaphore_mem>>
        %dma_start3A_106 = tpu.memref_squeeze %dma_start3A_105 : memref<1x!tpu.dma_semaphore, #tpu.memory_space<semaphore_mem>> -> memref<!tpu.dma_semaphore, #tpu.memory_space<semaphore_mem>>
        %dma_start3A_107 = arith.constant 0 : i32
        %dma_start3A_108 = arith.constant 0 : i32
        %dma_start3A_109 = tpu.memref_slice %arg14[%sub3A_82, %dma_start3A_107, %dma_start3A_108] : memref<4x512x1024xf32, #tpu.memory_space<vmem>> -> memref<1x512x1024xf32, #tpu.memory_space<vmem>>
        %dma_start3A_110 = tpu.memref_squeeze %dma_start3A_109 : memref<1x512x1024xf32, #tpu.memory_space<vmem>> -> memref<512x1024xf32, #tpu.memory_space<vmem>>
        %dma_start3A_111 = arith.constant 0 : i32
        %dma_start3A_112 = arith.constant 0 : i32
        %dma_start3A_113 = tpu.memref_slice %arg10[%get3A_85, %dma_start3A_111, %dma_start3A_112] : memref<16x512x1024xf32, #tpu.memory_space<any>> -> memref<1x512x1024xf32, #tpu.memory_space<any>>
        %dma_start3A_114 = tpu.memref_squeeze %dma_start3A_113 : memref<1x512x1024xf32, #tpu.memory_space<any>> -> memref<512x1024xf32, #tpu.memory_space<any>>
        tpu.enqueue_dma source(%dma_start3A_114 : memref<512x1024xf32, #tpu.memory_space<any>>) target(%dma_start3A_110 : memref<512x1024xf32, #tpu.memory_space<vmem>>) target_semaphore(%dma_start3A_106 : memref<!tpu.dma_semaphore, #tpu.memory_space<semaphore_mem>>)
      } else {
      }
    } else {
    }
    %convert_element_type3A_14 = arith.extui %eq3A_2 : i1 to i32
    %cond3A_15 = arith.constant 0 : i32
    %cond3A_16 = arith.cmpi ne, %convert_element_type3A_14, %cond3A_15 : i32
    scf.if %cond3A_16 {
      %get3A_17 = arith.index_cast %arg0 : i32 to index
      %get3A_18 = arith.constant 0 : index
      %get3A_19 = memref.load %arg4[%get3A_17, %get3A_18] : memref<48x1xi32, #tpu.memory_space<smem>>
      %get3A_20 = arith.constant 0 : index
      %get3A_21 = arith.constant 0 : index
      %get3A_22 = vector.load %arg7[%get3A_20, %get3A_21] : memref<128x1024xf32, #tpu.memory_space<vmem>>, vector<128x1024xf32>
      %convert_element_type3A_23 = arith.truncf %get3A_22 : vector<128x1024xf32> to vector<128x1024xbf16>
      %get3A_24 = arith.index_cast %get3A_19 : i32 to index
      %get3A_25 = arith.constant 0 : index
      %get3A_26 = arith.constant 0 : index
      %get3A_27 = vector.load %arg12[%get3A_24, %get3A_25, %get3A_26] : memref<4x1024x512xf32, #tpu.memory_space<vmem>>, vector<1x1024x512xf32>
      %get3A_28 = vector.shape_cast %get3A_27 : vector<1x1024x512xf32> to vector<1024x512xf32>
      %convert_element_type3A_29 = arith.truncf %get3A_28 : vector<1024x512xf32> to vector<1024x512xbf16>
      %dot_general3A = arith.constant dense<0.000000e+00> : vector<128x512xf32>
      %dot_general3A_30 = tpu.matmul %convert_element_type3A_23, %convert_element_type3A_29, %dot_general3A {dimension_numbers = #tpu.dot_dimension_numbers<[1], [0], [0], [1], [0, 0, 1, 1], [], []>, transpose_lhs_hint = false} : vector<128x1024xbf16>, vector<1024x512xbf16>, vector<128x512xf32> -> vector<128x512xf32>
      %get3A_31 = arith.index_cast %get3A_19 : i32 to index
      %get3A_32 = arith.constant 0 : index
      %get3A_33 = arith.constant 0 : index
      %get3A_34 = vector.load %arg13[%get3A_31, %get3A_32, %get3A_33] : memref<4x1024x512xf32, #tpu.memory_space<vmem>>, vector<1x1024x512xf32>
      %get3A_35 = vector.shape_cast %get3A_34 : vector<1x1024x512xf32> to vector<1024x512xf32>
      %convert_element_type3A_36 = arith.truncf %get3A_35 : vector<1024x512xf32> to vector<1024x512xbf16>
      %dot_general3A_37 = arith.constant dense<0.000000e+00> : vector<128x512xf32>
      %dot_general3A_38 = tpu.matmul %convert_element_type3A_23, %convert_element_type3A_36, %dot_general3A_37 {dimension_numbers = #tpu.dot_dimension_numbers<[1], [0], [0], [1], [0, 0, 1, 1], [], []>, transpose_lhs_hint = false} : vector<128x1024xbf16>, vector<1024x512xbf16>, vector<128x512xf32> -> vector<128x512xf32>
      %logistic3A = arith.negf %dot_general3A_30 : vector<128x512xf32>
      %logistic3A_39 = math.exp %logistic3A : vector<128x512xf32>
      %logistic3A_40 = arith.constant 1.000000e+00 : f32
      %logistic3A_41 = vector.broadcast %logistic3A_40 : f32 to vector<128x512xf32>
      %logistic3A_42 = arith.addf %logistic3A_41, %logistic3A_39 : vector<128x512xf32>
      %logistic3A_43 = arith.divf %logistic3A_41, %logistic3A_42 : vector<128x512xf32>
      %mul3A = arith.mulf %dot_general3A_30, %logistic3A_43 : vector<128x512xf32>
      %mul3A_44 = arith.mulf %mul3A, %dot_general3A_38 : vector<128x512xf32>
      %convert_element_type3A_45 = arith.truncf %mul3A_44 : vector<128x512xf32> to vector<128x512xbf16>
      %get3A_46 = arith.index_cast %get3A_19 : i32 to index
      %get3A_47 = arith.constant 0 : index
      %get3A_48 = arith.constant 0 : index
      %get3A_49 = vector.load %arg14[%get3A_46, %get3A_47, %get3A_48] : memref<4x512x1024xf32, #tpu.memory_space<vmem>>, vector<1x512x1024xf32>
      %get3A_50 = vector.shape_cast %get3A_49 : vector<1x512x1024xf32> to vector<512x1024xf32>
      %convert_element_type3A_51 = arith.truncf %get3A_50 : vector<512x1024xf32> to vector<512x1024xbf16>
      %dot_general3A_52 = arith.constant dense<0.000000e+00> : vector<128x1024xf32>
      %dot_general3A_53 = tpu.matmul %convert_element_type3A_45, %convert_element_type3A_51, %dot_general3A_52 {dimension_numbers = #tpu.dot_dimension_numbers<[1], [0], [0], [1], [0, 0, 1, 1], [], []>, transpose_lhs_hint = false} : vector<128x512xbf16>, vector<512x1024xbf16>, vector<128x1024xf32> -> vector<128x1024xf32>
      %swap3A = arith.constant 0 : index
      %swap3A_54 = arith.constant 0 : index
      %swap3A_55 = vector.load %arg11[%swap3A, %swap3A_54] : memref<128x1024xf32, #tpu.memory_space<vmem>>, vector<128x1024xf32>
      tpu.vector_store %arg11[%swap3A, %swap3A_54], %dot_general3A_53 {strides = array<i32>} : memref<128x1024xf32, #tpu.memory_space<vmem>>, vector<128x1024xf32>,
    } else {
    }
    return
  }
  func.func @transform_0(%arg0: i32, %arg1: memref<48x1xi32, #tpu.memory_space<smem>>, %arg2: memref<48x1xi32, #tpu.memory_space<smem>>, %arg3: memref<48x1xi32, #tpu.memory_space<smem>>, %arg4: memref<48x1xi32, #tpu.memory_space<smem>>, %arg5: memref<48x1xi32, #tpu.memory_space<smem>>, %arg6: memref<4x1xi32, #tpu.memory_space<smem>>) -> (i32, i32) {
    %c0_i32 = arith.constant 0 : i32
    %c0_i32_0 = arith.constant 0 : i32
    return %arg0, %c0_i32 : i32, i32
  }
  func.func @transform_4(%arg0: i32, %arg1: memref<48x1xi32, #tpu.memory_space<smem>>, %arg2: memref<48x1xi32, #tpu.memory_space<smem>>, %arg3: memref<48x1xi32, #tpu.memory_space<smem>>, %arg4: memref<48x1xi32, #tpu.memory_space<smem>>, %arg5: memref<48x1xi32, #tpu.memory_space<smem>>, %arg6: memref<4x1xi32, #tpu.memory_space<smem>>) -> (i32, i32) {
    %c0_i32 = arith.constant 0 : i32
    %c0_i32_0 = arith.constant 0 : i32
    return %arg0, %c0_i32 : i32, i32
  }
}

module attributes {stable_mosaic.version = 14 : i64} {
  func.func @_shared_body(%arg0: i32, %arg1: memref<512x1024xf32, #tpu.memory_space<vmem>>, %arg2: memref<1024x1024xf32, #tpu.memory_space<vmem>>, %arg3: memref<1024x1024xf32, #tpu.memory_space<vmem>>, %arg4: memref<1024x1024xf32, #tpu.memory_space<vmem>>, %arg5: memref<512x1024xf32, #tpu.memory_space<vmem>>) attributes {dimension_semantics = [#tpu.dimension_semantics<arbitrary>], iteration_bounds = array<i64: 4>, scalar_prefetch = 0 : i64, scratch_operands = 0 : i64, tpu.core_type = #tpu.core_type<tc>, window_params = [{transform_indices = @transform_0, window_bounds = array<i64: 512, 1024>}, {pipeline_mode = #tpu.pipeline_mode<synchronous>, transform_indices = @transform_1, window_bounds = array<i64: 1024, 1024>}, {pipeline_mode = #tpu.pipeline_mode<synchronous>, transform_indices = @transform_2, window_bounds = array<i64: 1024, 1024>}, {pipeline_mode = #tpu.pipeline_mode<synchronous>, transform_indices = @transform_3, window_bounds = array<i64: 1024, 1024>}, {transform_indices = @transform_4, window_bounds = array<i64: 512, 1024>}]} {
    %get3A = arith.constant 0 : index
    %get3A_0 = arith.constant 0 : index
    %get3A_1 = vector.load %arg1[%get3A, %get3A_0] : memref<512x1024xf32, #tpu.memory_space<vmem>>, vector<512x1024xf32>
    %convert_element_type3A = arith.truncf %get3A_1 : vector<512x1024xf32> to vector<512x1024xbf16>
    %get3A_2 = arith.constant 0 : index
    %get3A_3 = arith.constant 0 : index
    %get3A_4 = vector.load %arg2[%get3A_2, %get3A_3] : memref<1024x1024xf32, #tpu.memory_space<vmem>>, vector<1024x1024xf32>
    %convert_element_type3A_5 = arith.truncf %get3A_4 : vector<1024x1024xf32> to vector<1024x1024xbf16>
    %dot_general3A = arith.constant dense<0.000000e+00> : vector<512x1024xf32>
    %dot_general3A_6 = tpu.matmul %convert_element_type3A, %convert_element_type3A_5, %dot_general3A {dimension_numbers = #tpu.dot_dimension_numbers<[1], [0], [0], [1], [0, 0, 1, 1], [], []>, transpose_lhs_hint = false} : vector<512x1024xbf16>, vector<1024x1024xbf16>, vector<512x1024xf32> -> vector<512x1024xf32>
    %get3A_7 = arith.constant 0 : index
    %get3A_8 = arith.constant 0 : index
    %get3A_9 = vector.load %arg3[%get3A_7, %get3A_8] : memref<1024x1024xf32, #tpu.memory_space<vmem>>, vector<1024x1024xf32>
    %convert_element_type3A_10 = arith.truncf %get3A_9 : vector<1024x1024xf32> to vector<1024x1024xbf16>
    %dot_general3A_11 = arith.constant dense<0.000000e+00> : vector<512x1024xf32>
    %dot_general3A_12 = tpu.matmul %convert_element_type3A, %convert_element_type3A_10, %dot_general3A_11 {dimension_numbers = #tpu.dot_dimension_numbers<[1], [0], [0], [1], [0, 0, 1, 1], [], []>, transpose_lhs_hint = false} : vector<512x1024xbf16>, vector<1024x1024xbf16>, vector<512x1024xf32> -> vector<512x1024xf32>
    %logistic3A = arith.negf %dot_general3A_6 : vector<512x1024xf32>
    %logistic3A_13 = math.exp %logistic3A : vector<512x1024xf32>
    %logistic3A_14 = arith.constant 1.000000e+00 : f32
    %logistic3A_15 = vector.broadcast %logistic3A_14 : f32 to vector<512x1024xf32>
    %logistic3A_16 = arith.addf %logistic3A_15, %logistic3A_13 : vector<512x1024xf32>
    %logistic3A_17 = arith.divf %logistic3A_15, %logistic3A_16 : vector<512x1024xf32>
    %mul3A = arith.mulf %dot_general3A_6, %logistic3A_17 : vector<512x1024xf32>
    %mul3A_18 = arith.mulf %mul3A, %dot_general3A_12 : vector<512x1024xf32>
    %convert_element_type3A_19 = arith.truncf %mul3A_18 : vector<512x1024xf32> to vector<512x1024xbf16>
    %get3A_20 = arith.constant 0 : index
    %get3A_21 = arith.constant 0 : index
    %get3A_22 = vector.load %arg4[%get3A_20, %get3A_21] : memref<1024x1024xf32, #tpu.memory_space<vmem>>, vector<1024x1024xf32>
    %convert_element_type3A_23 = arith.truncf %get3A_22 : vector<1024x1024xf32> to vector<1024x1024xbf16>
    %dot_general3A_24 = arith.constant dense<0.000000e+00> : vector<512x1024xf32>
    %dot_general3A_25 = tpu.matmul %convert_element_type3A_19, %convert_element_type3A_23, %dot_general3A_24 {dimension_numbers = #tpu.dot_dimension_numbers<[1], [0], [0], [1], [0, 0, 1, 1], [], []>, transpose_lhs_hint = false} : vector<512x1024xbf16>, vector<1024x1024xbf16>, vector<512x1024xf32> -> vector<512x1024xf32>
    %swap3A = arith.constant 0 : index
    %swap3A_26 = arith.constant 0 : index
    %swap3A_27 = vector.load %arg5[%swap3A, %swap3A_26] : memref<512x1024xf32, #tpu.memory_space<vmem>>, vector<512x1024xf32>
    tpu.vector_store %arg5[%swap3A, %swap3A_26], %dot_general3A_25 {strides = array<i32>} : memref<512x1024xf32, #tpu.memory_space<vmem>>, vector<512x1024xf32>,
    return
  }
  func.func @transform_0(%arg0: i32) -> (i32, i32) {
    %c0_i32 = arith.constant 0 : i32
    %c0_i32_0 = arith.constant 0 : i32
    return %arg0, %c0_i32 : i32, i32
  }
  func.func @transform_1(%arg0: i32) -> (i32, i32) {
    %c0_i32 = arith.constant 0 : i32
    %c0_i32_0 = arith.constant 0 : i32
    %c0_i32_1 = arith.constant 0 : i32
    return %c0_i32, %c0_i32_0 : i32, i32
  }
  func.func @transform_2(%arg0: i32) -> (i32, i32) {
    %c0_i32 = arith.constant 0 : i32
    %c0_i32_0 = arith.constant 0 : i32
    %c0_i32_1 = arith.constant 0 : i32
    return %c0_i32, %c0_i32_0 : i32, i32
  }
  func.func @transform_3(%arg0: i32) -> (i32, i32) {
    %c0_i32 = arith.constant 0 : i32
    %c0_i32_0 = arith.constant 0 : i32
    %c0_i32_1 = arith.constant 0 : i32
    return %c0_i32, %c0_i32_0 : i32, i32
  }
  func.func @transform_4(%arg0: i32) -> (i32, i32) {
    %c0_i32 = arith.constant 0 : i32
    %c0_i32_0 = arith.constant 0 : i32
    return %arg0, %c0_i32 : i32, i32
  }
}

</mosaic_0001>

<sc_bundles>
// kernel: kernel.10.cloned.1.call-start
scs
__scs_entry_jumppad:
0x0: {  	(pc) =	sbr.rel $0x88, $3  }
0x1: {  	(tag) =	ssettag $0x0;
	lr =	simm.s32 $0x1  }
0x2: {  	[smem:$0x3F99] =	sst lr;
	_ =	strace $0xD0000000  }
0x3: {  	_ = 	snop  }
0x4: {  	_ = 	snop  }
0x5: {  	_ = 	snop  }
0x6: {  	_ = 	snop  }
0x7: {  	_ = 	snop  }
__scs_overlays_trampoline_lowered:
0x8: {  	[smem:$0x3FA8] =	sst s0  }
0x9: {  	[smem:$0x3FA9] =	sst s1  }
0xa: {  	[smem:$0x3FAA] =	sst s2  }
0xb: {  	[smem:$0x3FAB] =	sst s3  }
0xc: {  	[smem:$0x3FAC] =	sst s4  }
0xd: {  	[smem:$0x3FAD] =	sst s5  }
0xe: {  	[smem:$0x3FAE] =	sst s6  }
0xf: {  	[smem:$0x3FAF] =	sst s7  }
0x10: {  	[smem:$0x3FB0] =	sst s8  }
0x11: {  	[smem:$0x3FB1] =	sst s9;
	s0 =	simm.s32 @!p0 $0x0  }
0x12: {  	s1 =	sld [smem:$0x3F97];
	s0 =	simm.s32 @p0 $0x1  }
0x13: {  	[smem:$0x3FB2] =	sst s0;
	s0 =	simm.s32 @!p1 $0x0  }
0x14: {  	s2 =	sld [smem:$0x3F96];
	s0 =	simm.s32 @p1 $0x1  }
0x15: {  	[smem:$0x3FB3] =	sst s0;
	s0 =	simm.s32 @!p2 $0x0  }
0x16: {  	s3 =	sld [smem:$0x3FDB];
	s0 =	simm.s32 @p2 $0x1  }
0x17: {  	s4 =	simm.s32 $0x1BF5;
	[smem:$0x3FB5] =	sst s0  }
0x18: {  	s0 =	sld [smem:$0x3F98];
	_ =	swait.ge [sflag:s4], $0x0  }
0x19: {  	s7 =	sld [smem:$0x3F99]  }
0x1a: {  	s8 =	sadd.s32 $0xFFFFE003, lr  }
0x1b: {  	s9 =	sadd.s32 $0xFFFFFEF7, lr;
	s5 =	simm.s32 $0xFFFFFFFF;
	p2 =	slt.u32 s8, $0xFFFFF086  }
0x1c: {  	p1 =	slt.u32 s9, $0xF7A;
	s5 =	simm.s32 @!p2 $0x0  }
0x1d: {  	s5 =	simm.s32 @p1 $0x1;
	p0 =	seq.s32 s7, s2  }
0x1e: {  	s7 =	smul.u32 @!p0 $0xF7A, s2;
	p2 =	seq.s32 @!p0 s5, $0x0  }
0x1f: {  	s9 =	smul.u32 $0xF7A, s1;
	s8 =	simm.s32 @!p0 $0x1BF5;
	p2 =	por !p2, p0  }
0x20: {  	[sflag:s8] =	ssyncset.s32 @!p0 $0xFFFFF086;
	s6 =	sadd.s32 @!p0 s3, s7;
	s7 =	simm.s32 @!p0 $0x108  }
0x21: {  	s3 =	sadd.s32 s3, s9;
	s6 =	sadd.s32 @!p0 $0x88, s6;
	s7 =	simm.s32 @p2 $0x1082  }
0x22: {  	[simem:s7], [sflag:s8] =	dma.local @!p0 [hbm:s6], $0xF7A  }
0x23: {  	s9 =	sor.u32 $0xD0000000, s2;
	s6 =	simm.s32 $0x108;
	_ =	swait.ge @!p0 [sflag:s8], $0x0  }
0x24: {  	s3 =	sadd.s32 $0x88, s3;
	s6 =	simm.s32 @!p1 $0x1082;
	[sflag:s4] =	ssyncset.s32 $0xFFFFF086  }
0x25: {  	[simem:s6], [sflag:s4] =	dma.local [hbm:s3], $0xF7A  }
0x26: {  	[smem:$0x3F99] =	sst s1;
	(tag) =	ssettag s2;
	_ =	strace s9  }
0x27: {  	s1 =	sld [smem:$0x3FA9]  }
0x28: {  	s2 =	sld [smem:$0x3FAA]  }
0x29: {  	s4 =	sld [smem:$0x3FAC]  }
0x2a: {  	p0 =	seq.s32 s5, $0x0;
	s5 =	sld [smem:$0x3FAD]  }
0x2b: {  	s6 =	sld [smem:$0x3FAE]  }
0x2c: {  	s7 =	sld [smem:$0x3FAF]  }
0x2d: {  	s3 =	simm.s32 $0x108;
	s8 =	sld [smem:$0x3FB0]  }
0x2e: {  	s3 =	simm.s32 @!p0 $0x1082;
	s9 =	sld [smem:$0x3FB1]  }
0x2f: {  	lr =	sadd.s32 s0, s3;
	s0 =	sld [smem:$0x3FA8]  }
0x30: {  	s3 =	sld [smem:$0x3FAB]  }
0x31: {  	[smem:$0x3FB4] =	sst s10  }
0x32: {  	s10 =	sld [smem:$0x3FB2];
	_ =	sdelay $0x3  }
0x33: {  	p0 =	seq.s32 s10, $0x1;
	s10 =	sld [smem:$0x3FB4];
	_ =	sdelay $0x3  }
0x34: {  	[smem:$0x3FB4] =	sst s10  }
0x35: {  	s10 =	sld [smem:$0x3FB3];
	_ =	sdelay $0x3  }
0x36: {  	p1 =	seq.s32 s10, $0x1;
	s10 =	sld [smem:$0x3FB4];
	_ =	sdelay $0x3  }
0x37: {  	[smem:$0x3FB4] =	sst s10  }
0x38: {  	s10 =	sld [smem:$0x3FB5]  }
0x39: {  	_ = 	snop;
	(pc) =	sbr.ind lr, $3  }
0x3a: {  	_ = 	snop  }
0x3b: {  	_ = 	snop  }
0x3c: {  	p2 =	seq.s32 s10, $0x1;
	s10 =	sld [smem:$0x3FB4]  }
0x3d: {  	_ =	shalt  }
0x3e: {  	_ =	shalt  }
0x3f: {  	_ =	shalt  }
0x40: {  	_ =	shalt  }
0x41: {  	_ =	shalt  }
0x42: {  	_ =	shalt  }
0x43: {  	_ =	shalt  }
0x44: {  	_ =	shalt  }
0x45: {  	_ =	shalt  }
0x46: {  	_ =	shalt  }
0x47: {  	_ =	shalt  }
0x48: {  	_ =	shalt  }
0x49: {  	_ =	shalt  }
0x4a: {  	_ =	shalt  }
0x4b: {  	_ =	shalt  }
0x4c: {  	_ =	shalt  }
0x4d: {  	_ =	shalt  }
0x4e: {  	_ =	shalt  }
0x4f: {  	_ =	shalt  }
0x50: {  	_ =	shalt  }
0x51: {  	_ =	shalt  }
0x52: {  	_ =	shalt  }
0x53: {  	_ =	shalt  }
0x54: {  	_ =	shalt  }
0x55: {  	_ =	shalt  }
0x56: {  	_ =	shalt  }
0x57: {  	_ =	shalt  }
0x58: {  	_ =	shalt  }
0x59: {  	_ =	shalt  }
0x5a: {  	_ =	shalt  }
0x5b: {  	_ =	shalt  }
0x5c: {  	_ =	shalt  }
0x5d: {  	_ =	shalt  }
0x5e: {  	_ =	shalt  }
0x5f: {  	_ =	shalt  }
0x60: {  	_ =	shalt  }
0x61: {  	_ =	shalt  }
0x62: {  	_ =	shalt  }
0x63: {  	_ =	shalt  }
0x64: {  	_ =	shalt  }
0x65: {  	_ =	shalt  }
0x66: {  	_ =	shalt  }
0x67: {  	_ =	shalt  }
0x68: {  	_ =	shalt  }
0x69: {  	_ =	shalt  }
0x6a: {  	_ =	shalt  }
0x6b: {  	_ =	shalt  }
0x6c: {  	_ =	shalt  }
0x6d: {  	_ =	shalt  }
0x6e: {  	_ =	shalt  }
0x6f: {  	_ =	shalt  }
0x70: {  	_ =	shalt  }
0x71: {  	_ =	shalt  }
0x72: {  	_ =	shalt  }
0x73: {  	_ =	shalt  }
0x74: {  	_ =	shalt  }
0x75: {  	_ =	shalt  }
0x76: {  	_ =	shalt  }
0x77: {  	_ =	shalt  }
0x78: {  	_ =	shalt  }
0x79: {  	_ =	shalt  }
0x7a: {  	_ =	shalt  }
0x7b: {  	_ =	shalt  }
0x7c: {  	_ =	shalt  }
0x7d: {  	_ =	shalt  }
0x7e: {  	_ =	shalt  }
0x7f: {  	_ =	shalt  }
0x80: {  	_ =	shalt  }
0x81: {  	_ =	shalt  }
0x82: {  	_ =	shalt  }
0x83: {  	_ =	shalt  }
0x84: {  	_ =	shalt  }
0x85: {  	_ =	shalt  }
0x86: {  	_ =	shalt  }
0x87: {  	_ =	shalt  }
.Lfunc_end0:
.L_simem_size_0:
called_computation.1_lowered:
.L_overlay_start_0:
0x88: {  	s2 =	sld [smem:$0x3FD9]  }
0x89: {  	s3 =	sld [smem:$0x3FFE];
	_ =	sdelay $0x1  }
0x8a: {  	s1 =	srdreg.scid  }
0x8b: {  	s0 =	sand.u32 $0x1, s1  }
0x8c: {  	s17 =	sshll.u32 s0, $0xA;
	s2 =	sadd.s32 s3, s2  }
0x8d: {  	s2 =	sadd.s32 s2, s17  }
0x8e: {  	[smem:$0x3FC0] =	sst s2  }
0x8f: {  	_ = 	snop  }
0x90: {  	s2 =	sld [smem:$0x3FD0];
	(tm) =	ssettm $0x1  }
0x91: {  	s18 =	sld [smem:$0x3FFB];
	_ =	sdelay $0x3  }
0x92: {  	_ =	strace s18  }
0x93: {  	s3 =	sld [smem:$0x3FFC];
	_ =	sdelay $0x3  }
0x94: {  	_ =	strace s3  }
0x95: {  	s3 =	sld [smem:$0x3FFD];
	_ =	sdelay $0x3  }
0x96: {  	_ =	strace s3  }
0x97: {  	_ =	strace $0x8FFFFFFF  }
0x98: {  	s19 =	sld [smem:$0x3FDB];
	_ =	sdelay $0x1  }
0x99: {  	s4 =	simm.s32 $_scs_section_size  }
0x9a: {  	s5 =	simm.s32 $_size__tile_overlayer_lowered;
	s6 =	simm.s32 $_tile_overlayer_lowered  }
0x9b: {  	s22 =	simm.s32 $0x1BFF;
	s21 =	sshll.u32 s6, $0x1;
	s3 =	sadd.s32 s4, s19  }
0x9c: {  	s7 =	simm.s32 $0x0;
	s20 =	sshll.u32 s5, $0x1;
	s5 =	sadd.s32 s21, s3  }
0x9d: {  	[timem:s7], [sflag:s22] =	dma.local [hbm:s5], s20  }
0x9e: {  	_ =	swait.ge [sflag:s22], s20  }
0x9f: {  	s4 =	ssub.s32 $0x0, s20;
	[sflag:s22] =	ssyncset.done $0x0  }
0xa0: {  	[sflag:s22] =	ssyncadd.s32 s4;
	_ =	sdelay $0x1  }
0xa1: {  	s23 =	simm.s32 $0x1B8B  }
0xa2: {  	_ =	swait.ge [sflag:s23], $0x1  }
0xa3: {  	[sflag:s23] =	ssyncset.done $0x0  }
0xa4: {  	s25 =	simm.s32 $0x1B8E;
	s24 =	sld [smem:$0x3FFE];
	[sflag:s23] =	ssyncadd.s32 $0xFFFFFFFF  }
0xa5: {  	s26 =	simm.s32 $execute0_lowered;
	[smem:$0x3FD2] =	sst s25  }
0xa6: {  	s5 =	sshll.u32 s26, $0x1;
	_ =	strace $0x80000049;
	[dreg:$0x1] =	wrdreg $0xFFFFFFFF  }
0xa7: {  	s28 =	simm.s32 $_size_execute0_lowered;
	s3 =	sadd.s32 s3, s5;
	[dreg:$0x0] =	wrdreg $0x0  }
0xa8: {  	s5 =	sshll.u32 s28, $0x1;
	[dreg:$0x2] =	wrdreg s3  }
0xa9: {  	[dreg:$0x3] =	wrdreg s5  }
0xaa: {  	[dreg:$0x4] =	wrdreg $0xC0  }
0xab: {  	_ =	task [dreg:s7], $0x5FFFF  }
0xac: {  	[dreg:$0x1] =	wrdreg $0xFFFFFFFF  }
0xad: {  	[dreg:$0x0] =	wrdreg $0x60  }
0xae: {  	[dreg:$0x2] =	wrdreg s24  }
0xaf: {  	[dreg:$0x3] =	wrdreg s2  }
0xb0: {  	[dreg:$0x4] =	wrdreg $0x9  }
0xb1: {  	_ =	task.clear_ibuf [dreg:s7], $0x5FFFF;
	_ =	strace $0x90000049  }
0xb2: {  	s29 =	simm.s32 $0x9;
	_ =	strace $0x8000004B  }
0xb3: {  	_ =	swait.ge [sflag:s29], $0x1  }
0xb4: {  	[sflag:s29] =	ssyncadd.s32 $0xFFFFFFFF  }
0xb5: {  	_ =	strace $0x9000004B  }
0xb6: {  	_ =	sfence  }
0xb7: {  	s30 =	sld [smem:$0x0];
	_ =	sdelay $0x2  }
0xb8: {  	s31 =	sshll.u32 s1, $0xD;
	s1 =	sshrl.u32 s1, $0x2  }
0xb9: {  	s3 =	sand.u32 $0x4000, s31;
	s1 =	sadd.s32 s1, s30  }
0xba: {  	s0 =	sor.u32 s3, s0;
	s1 =	sshll.u32 s1, $0x11  }
0xbb: {  	s0 =	sor.u32 s1, s0  }
0xbc: {  	s0 =	sadd.s32 $0x8F2B, s0  }
0xbd: {  	[sflag:s0] =	ssyncadd.remote.s32 $0x1  }
0xbe: {  	_ =	sfence.sel $0xFFFF  }
0xbf: {  	[dreg:$0x0] =	wrdreg $0xFFFFFFFF;
	(pc) =	sbr.abs _section_cstart, $3  }
0xc0: {  	[dreg:$0x1] =	wrdreg $0xFFFFFFFF  }
0xc1: {  	_ =	task.clear_ibuf [dreg:s7], $0x2FFFF;
	_ =	strace $0x9FFFFFFF  }
0xc2: {  	(tm) =	ssettm $0x7FFFFFFF  }
0xc3: {  	_ =	shalt  }
tec
execute0_lowered:
.L_overlay_start_1:
0x0: {  	(tag) =	ssettag $0x1  }
0x1: {  	s0 =	rddreg [dreg:$0x0]  }
0x2: {  	s1 =	rddreg [dreg:$0x1]  }
0x3: {  	s2 =	simm.s32 $0x0;
	s3 =	srdreg.scid;
	s5 =	stileid.u32  }
0x4: {  	s30 =	simm.s32 $0x4400;
	s16 =	simm.s32 $0x15400;
	s31 =	simm.s32 $0x15C00  }
0x5: {  	s17 =	simm.s32 $0x16400;
	s18 =	simm.s32 $0x17400;
	s12 =	simm.s32 $0x8  }
0x6: {  	[smem:$0x7FF] =	sst s2;
	s4 =	sand.u32 $0x1, s3;
	s5 =	sshll.u32 s5, $0x1  }
0x7: {  	s3 =	sadd.s32 $0x112000, s0;
	s6 =	sadd.s32 $0xD2000, s0;
	s10 =	sadd.s32 $0x112300, s0  }
0x8: {  	_ =	strace $0x8000004A;
	s5 =	sor.u32 s4, s5;
	s4 =	ssub.s32 $0x2, s4  }
0x9: {  	s7 =	sshll.u32 s5, $0x6;
	s8 =	sshll.u32 s5, $0xA;
	s5 =	sshll.u32 s5, $0xD  }
0xa: {  	s9 =	sshrl.u32 s4, $0x1;
	s7 =	sadd.s32 s7, s0;
	s21 =	sadd.s32 s6, s5  }
0xb: {  	s8 =	sadd.s32 s8, s0;
	s24 =	sadd.s32 s1, s5;
	[dreg:$0x7] =	wrdreg s21  }
0xc: {  	s4 =	ssub.s32 s4, s9;
	s19 =	sadd.s32 $0xD1000, s7;
	[dreg:$0x9] =	wrdreg s24  }
0xd: {  	s9 =	sadd.s32 $0x112200, s0;
	s7 =	sadd.s32 $0xD1800, s7;
	[dreg:$0x3] =	wrdreg s19  }
0xe: {  	s22 =	sor.u32 $0x800, s5;
	s20 =	sadd.s32 $0xE00, s8;
	[dreg:$0x4] =	wrdreg s7  }
0xf: {  	s25 =	sor.u32 $0x1000, s5;
	s8 =	sadd.s32 $0x8E00, s8;
	[dreg:$0x5] =	wrdreg s20  }
0x10: {  	s26 =	sor.u32 $0x1800, s5;
	s23 =	sadd.s32 s6, s22;
	[dreg:$0x6] =	wrdreg s8  }
0x11: {  	s11 =	sadd.s32 s6, s25;
	s5 =	sadd.s32 s6, s26;
	[dreg:$0x8] =	wrdreg s23  }
0x12: {  	s28 =	sadd.s32 s1, s25;
	s29 =	smax.u32 s4, $0x1;
	[dreg:$0xa] =	wrdreg s11  }
0x13: {  	s21 =	simm.s32 $0x1;
	s4 =	simm.s32 $0x4;
	[dreg:$0xc] =	wrdreg s5  }
0x14: {  	s6 =	simm.s32 $0x6;
	s24 =	simm.s32 $0x0;
	[dreg:$0xd] =	wrdreg s28  }
0x15: {  	s7 =	sadd.s32 $0x112100, s0;
	s0 =	sadd.s32 s1, s22;
	[dreg:$0xf] =	wrdreg s29  }
0x16: {  	s20 =	simm.s32 $0x9;
	s11 =	simm.s32 $0xC400;
	s19 =	simm.s32 $0x18400  }
0x17: {  	v2 =	vlaneseq.u32;
	s22 =	simm.s32 $0x2;
	s23 =	simm.s32 $0x3;
	s5 =	simm.s32 $0x5  }
0x18: {  	vm0 =	vmmov $0xffff;
	v1 =	vshrl.u32 v2, $0x3;
	s8 =	simm.s32 $0x7;
	[dreg:$0xb] =	wrdreg s0;
	s0 =	sadd.s32 s1, s26  }
0x19: {  	v0 =	vand.u32 $0x7, v2;
	v2 =	vor.u32 $0x8, v2;
	v1 =	vmul.u32 $0x8, v1;
	s1 =	simm.s32 $0x17C00;
	[dreg:$0xe] =	wrdreg s0;
	s0 =	simm.s32 $0x16C00  }
.LBB2_1:
0x1a: {  	s13 =	rddreg [dreg:$0x3]  }
0x1b: {  	[tilespmem:s2], [sflag:$0x9] =	stream.linear.gather [hbm4b:s13+s2], $0x200, $0x38;
	[tilespmem:$0x1C400] =	vst v63  }
0x1c: {  	_ =	swait.ge [sflag:s20], $0x200  }
0x1d: {  	[sflag:s20] =	ssyncset.done $0x0  }
0x1e: {  	s14 =	simm.s32 $0x200;
	s26 =	rddreg [dreg:$0x4];
	[sflag:s20] =	ssyncadd.s32 $0xFFFFFE00  }
0x1f: {  	[tilespmem:s14], [sflag:$0x9] =	stream.linear.gather [hbm4b:s26+s2], $0x200, $0x38;
	[tilespmem:$0x1C400] =	vst v63  }
0x20: {  	_ =	swait.ge [sflag:s20], $0x200  }
0x21: {  	[sflag:s20] =	ssyncset.done $0x0  }
0x22: {  	s29 =	simm.s32 $0x400;
	s28 =	rddreg [dreg:$0x5];
	[sflag:s20] =	ssyncadd.s32 $0xFFFFFE00  }
0x23: {  	[tilespmem:s29], [sflag:$0x9] =	stream.linear.gather [hbm4b:s28+s2], $0x2000, $0x38;
	[tilespmem:$0x1C400] =	vst v63  }
0x24: {  	_ =	swait.ge [sflag:s20], $0x2000  }
0x25: {  	[sflag:s20] =	ssyncset.done $0x0  }
0x26: {  	s25 =	simm.s32 $0x2400;
	s15 =	rddreg [dreg:$0x6];
	[sflag:s20] =	ssyncadd.s32 $0xFFFFE000  }
0x27: {  	[tilespmem:s25], [sflag:$0x9] =	stream.linear.gather [hbm4b:s15+s2], $0x2000, $0x38;
	[tilespmem:$0x1C400] =	vst v63  }
0x28: {  	_ =	swait.ge [sflag:s20], $0x2000  }
0x29: {  	[sflag:s20] =	ssyncset.done $0x0  }
0x2a: {  	[sflag:s20] =	ssyncadd.s32 $0xFFFFE000  }
0x2b: {  	v3 =	vld [tilespmem:$0x0];
	_ =	sdelay $0x4  }
0x2c: {  	v4 =	vshll.u32 v3, $0x3  }
0x2d: {  	v3 =	vand.u32 $0x7, v3;
	v4 =	vand.u32 $0xFFFFFFC0, v4  }
0x2e: {  	v3 =	vor.u32 v3, v4  }
0x2f: {  	v4 =	vperm.xlane v3, v0;
	_ =	sdelay $0x1  }
0x30: {  	v4 =	vadd.s32 v1, v4;
	_ =	sdelay $0x4  }
0x31: {  	[tilespmem:s30], [sflag:$0x1] =	stream.indirect_vreg.gather [hbm4b:s3+s2], $0x80, v4, vm0, $0xb8;
	[tilespmem:$0x1C400] =	vst v63  }
0x32: {  	s26 =	simm.s32 $0x4C00;
	v3 =	vperm.xlane v3, v2  }
0x33: {  	[tilespmem:s26], [sflag:$0x1] =	stream.indirect_vreg.gather [hbm4b:s7+s2], $0x80, v4, vm0, $0xb8;
	[tilespmem:$0x1C400] =	vst v63  }
0x34: {  	s28 =	simm.s32 $0x5400;
	v3 =	vadd.s32 v1, v3  }
0x35: {  	[tilespmem:s28], [sflag:$0x1] =	stream.indirect_vreg.gather [hbm4b:s9+s2], $0x80, v4, vm0, $0xb8;
	[tilespmem:$0x1C400] =	vst v63  }
0x36: {  	s29 =	simm.s32 $0x5C00  }
0x37: {  	[tilespmem:s29], [sflag:$0x1] =	stream.indirect_vreg.gather [hbm4b:s10+s2], $0x80, v4, vm0, $0xb8;
	[tilespmem:$0x1C400] =	vst v63  }
0x38: {  	s14 =	simm.s32 $0x6400  }
0x39: {  	[tilespmem:s14], [sflag:$0x1] =	stream.indirect_vreg.gather [hbm4b:s3+s2], $0x80, v3, vm0, $0xb8;
	[tilespmem:$0x1C400] =	vst v63  }
0x3a: {  	s15 =	simm.s32 $0x6C00  }
0x3b: {  	[tilespmem:s15], [sflag:$0x1] =	stream.indirect_vreg.gather [hbm4b:s7+s2], $0x80, v3, vm0, $0xb8;
	[tilespmem:$0x1C400] =	vst v63  }
0x3c: {  	s25 =	simm.s32 $0x7400  }
0x3d: {  	[tilespmem:s25], [sflag:$0x1] =	stream.indirect_vreg.gather [hbm4b:s9+s2], $0x80, v3, vm0, $0xb8;
	[tilespmem:$0x1C400] =	vst v63  }
0x3e: {  	s26 =	simm.s32 $0x7C00  }
0x3f: {  	[tilespmem:s26], [sflag:$0x1] =	stream.indirect_vreg.gather [hbm4b:s10+s2], $0x80, v3, vm0, $0xb8;
	[tilespmem:$0x1C400] =	vst v63  }
0x40: {  	v3 =	vld [tilespmem:$0x200];
	_ =	sdelay $0x4  }
0x41: {  	v61 =	vshll.u32 v3, $0x3  }
0x42: {  	v3 =	vand.u32 $0x7, v3;
	v4 =	vand.u32 $0xFFFFFFC0, v61  }
0x43: {  	v3 =	vor.u32 v3, v4  }
0x44: {  	v4 =	vperm.xlane v3, v0;
	_ =	sdelay $0x1  }
0x45: {  	v4 =	vadd.s32 v1, v4;
	_ =	sdelay $0x3  }
0x46: {  	s28 =	simm.s32 $0x8400  }
0x47: {  	[tilespmem:s28], [sflag:$0x2] =	stream.indirect_vreg.gather [hbm4b:s3+s2], $0x80, v4, vm0, $0xb8;
	[tilespmem:$0x1C400] =	vst v63  }
0x48: {  	s29 =	simm.s32 $0x8C00;
	v3 =	vperm.xlane v3, v2  }
0x49: {  	[tilespmem:s29], [sflag:$0x2] =	stream.indirect_vreg.gather [hbm4b:s7+s2], $0x80, v4, vm0, $0xb8;
	[tilespmem:$0x1C400] =	vst v63  }
0x4a: {  	s14 =	simm.s32 $0x9400;
	v3 =	vadd.s32 v1, v3  }
0x4b: {  	[tilespmem:s14], [sflag:$0x2] =	stream.indirect_vreg.gather [hbm4b:s9+s2], $0x80, v4, vm0, $0xb8;
	[tilespmem:$0x1C400] =	vst v63  }
0x4c: {  	s15 =	simm.s32 $0x9C00  }
0x4d: {  	[tilespmem:s15], [sflag:$0x2] =	stream.indirect_vreg.gather [hbm4b:s10+s2], $0x80, v4, vm0, $0xb8;
	[tilespmem:$0x1C400] =	vst v63  }
0x4e: {  	s25 =	simm.s32 $0xA400  }
0x4f: {  	[tilespmem:s25], [sflag:$0x2] =	stream.indirect_vreg.gather [hbm4b:s3+s2], $0x80, v3, vm0, $0xb8;
	[tilespmem:$0x1C400] =	vst v63  }
0x50: {  	s26 =	simm.s32 $0xAC00  }
0x51: {  	[tilespmem:s26], [sflag:$0x2] =	stream.indirect_vreg.gather [hbm4b:s7+s2], $0x80, v3, vm0, $0xb8;
	[tilespmem:$0x1C400] =	vst v63  }
0x52: {  	s28 =	simm.s32 $0xB400  }
0x53: {  	[tilespmem:s28], [sflag:$0x2] =	stream.indirect_vreg.gather [hbm4b:s9+s2], $0x80, v3, vm0, $0xb8;
	[tilespmem:$0x1C400] =	vst v63  }
0x54: {  	s29 =	simm.s32 $0xBC00  }
0x55: {  	[tilespmem:s29], [sflag:$0x2] =	stream.indirect_vreg.gather [hbm4b:s10+s2], $0x80, v3, vm0, $0xb8;
	[tilespmem:$0x1C400] =	vst v63  }
0x56: {  	s14 =	rddreg [dreg:$0x7]  }
0x57: {  	[tilespmem:s11], [sflag:$0x3] =	stream.linear.gather [hbm4b:s14+s2], $0x4000, $0x38;
	[tilespmem:$0x1C400] =	vst v63  }
0x58: {  	v3 =	vld [tilespmem:$0x80];
	_ =	sdelay $0x4  }
0x59: {  	v62 =	vshll.u32 v3, $0x3  }
0x5a: {  	v3 =	vand.u32 $0x7, v3;
	v4 =	vand.u32 $0xFFFFFFC0, v62  }
0x5b: {  	v3 =	vor.u32 v3, v4  }
0x5c: {  	v4 =	vperm.xlane v3, v0;
	_ =	sdelay $0x1  }
0x5d: {  	v4 =	vadd.s32 v1, v4;
	_ =	sdelay $0x3  }
0x5e: {  	s15 =	simm.s32 $0x10400  }
0x5f: {  	[tilespmem:s15], [sflag:$0x5] =	stream.indirect_vreg.gather [hbm4b:s3+s2], $0x80, v4, vm0, $0xb8;
	[tilespmem:$0x1C400] =	vst v63  }
0x60: {  	s25 =	simm.s32 $0x10C00;
	v3 =	vperm.xlane v3, v2  }
0x61: {  	[tilespmem:s25], [sflag:$0x5] =	stream.indirect_vreg.gather [hbm4b:s7+s2], $0x80, v4, vm0, $0xb8;
	[tilespmem:$0x1C400] =	vst v63  }
0x62: {  	s26 =	simm.s32 $0x11400;
	v3 =	vadd.s32 v1, v3  }
0x63: {  	[tilespmem:s26], [sflag:$0x5] =	stream.indirect_vreg.gather [hbm4b:s9+s2], $0x80, v4, vm0, $0xb8;
	[tilespmem:$0x1C400] =	vst v63  }
0x64: {  	s28 =	simm.s32 $0x11C00  }
0x65: {  	[tilespmem:s28], [sflag:$0x5] =	stream.indirect_vreg.gather [hbm4b:s10+s2], $0x80, v4, vm0, $0xb8;
	[tilespmem:$0x1C400] =	vst v63  }
0x66: {  	s29 =	simm.s32 $0x12400  }
0x67: {  	[tilespmem:s29], [sflag:$0x5] =	stream.indirect_vreg.gather [hbm4b:s3+s2], $0x80, v3, vm0, $0xb8;
	[tilespmem:$0x1C400] =	vst v63  }
0x68: {  	s14 =	simm.s32 $0x12C00  }
0x69: {  	[tilespmem:s14], [sflag:$0x5] =	stream.indirect_vreg.gather [hbm4b:s7+s2], $0x80, v3, vm0, $0xb8;
	[tilespmem:$0x1C400] =	vst v63  }
0x6a: {  	s15 =	simm.s32 $0x13400  }
0x6b: {  	[tilespmem:s15], [sflag:$0x5] =	stream.indirect_vreg.gather [hbm4b:s9+s2], $0x80, v3, vm0, $0xb8;
	[tilespmem:$0x1C400] =	vst v63  }
0x6c: {  	s25 =	simm.s32 $0x13C00  }
0x6d: {  	[tilespmem:s25], [sflag:$0x5] =	stream.indirect_vreg.gather [hbm4b:s10+s2], $0x80, v3, vm0, $0xb8;
	[tilespmem:$0x1C400] =	vst v63  }
0x6e: {  	v3 =	vld [tilespmem:$0x280];
	_ =	sdelay $0x4  }
0x6f: {  	v63 =	vshll.u32 v3, $0x3  }
0x70: {  	v3 =	vand.u32 $0x7, v3;
	v4 =	vand.u32 $0xFFFFFFC0, v63  }
0x71: {  	v3 =	vor.u32 v3, v4  }
0x72: {  	v4 =	vperm.xlane v3, v0;
	_ =	sdelay $0x1  }
0x73: {  	v4 =	vadd.s32 v1, v4;
	_ =	sdelay $0x3  }
0x74: {  	s26 =	simm.s32 $0x14400  }
0x75: {  	[tilespmem:s26], [sflag:$0x6] =	stream.indirect_vreg.gather [hbm4b:s3+s2], $0x80, v4, vm0, $0xb8;
	[tilespmem:$0x1C400] =	vst v63  }
0x76: {  	s28 =	simm.s32 $0x14C00;
	v3 =	vperm.xlane v3, v2  }
0x77: {  	[tilespmem:s28], [sflag:$0x6] =	stream.indirect_vreg.gather [hbm4b:s7+s2], $0x80, v4, vm0, $0xb8;
	[tilespmem:$0x1C400] =	vst v63  }
0x78: {  	v3 =	vadd.s32 v1, v3  }
0x79: {  	[tilespmem:s16], [sflag:$0x6] =	stream.indirect_vreg.gather [hbm4b:s9+s2], $0x80, v4, vm0, $0xb8;
	[tilespmem:$0x1C400] =	vst v63  }
0x7a: {  	_ = 	snop  }
0x7b: {  	[tilespmem:s31], [sflag:$0x6] =	stream.indirect_vreg.gather [hbm4b:s10+s2], $0x80, v4, vm0, $0xb8;
	[tilespmem:$0x1C400] =	vst v63  }
0x7c: {  	_ = 	snop  }
0x7d: {  	[tilespmem:s17], [sflag:$0x6] =	stream.indirect_vreg.gather [hbm4b:s3+s2], $0x80, v3, vm0, $0xb8;
	[tilespmem:$0x1C400] =	vst v63  }
0x7e: {  	_ = 	snop  }
0x7f: {  	[tilespmem:s0], [sflag:$0x6] =	stream.indirect_vreg.gather [hbm4b:s7+s2], $0x80, v3, vm0, $0xb8;
	[tilespmem:$0x1C400] =	vst v63  }
0x80: {  	_ = 	snop  }
0x81: {  	[tilespmem:s18], [sflag:$0x6] =	stream.indirect_vreg.gather [hbm4b:s9+s2], $0x80, v3, vm0, $0xb8;
	[tilespmem:$0x1C400] =	vst v63  }
0x82: {  	_ = 	snop  }
0x83: {  	[tilespmem:s1], [sflag:$0x6] =	stream.indirect_vreg.gather [hbm4b:s10+s2], $0x80, v3, vm0, $0xb8;
	[tilespmem:$0x1C400] =	vst v63  }
0x84: {  	s29 =	rddreg [dreg:$0x8]  }
0x85: {  	[tilespmem:s19], [sflag:$0x7] =	stream.linear.gather [hbm4b:s29+s2], $0x4000, $0x38;
	[tilespmem:$0x1C400] =	vst v63  }
0x86: {  	_ =	swait.ge [sflag:s21], $0x4000  }
0x87: {  	[sflag:s21] =	ssyncset.done $0x0  }
0x88: {  	[sflag:s21] =	ssyncadd.s32 $0xFFFFC000  }
0x89: {  	_ =	swait.ge [sflag:s22], $0x4000  }
0x8a: {  	[sflag:s22] =	ssyncset.done $0x0  }
0x8b: {  	[sflag:s22] =	ssyncadd.s32 $0xFFFFC000  }
0x8c: {  	_ =	swait.ge [sflag:s23], $0x4000  }
0x8d: {  	[sflag:s23] =	ssyncset.done $0x0  }
0x8e: {  	s13 =	simm.s32 $0x0;
	[sflag:s23] =	ssyncadd.s32 $0xFFFFC000  }
.LBB2_2:
0x8f: {  	s14 =	sshll.u32 s13, $0x7;
	s15 =	sshll.u32 s13, $0xA  }
0x90: {  	s26 =	simm.s32 $0x0;
	s15 =	sand.u32 $0x2000, s15;
	s25 =	sand.u32 $0x380, s14  }
0x91: {  	s29 =	sand.u32 $0x40, s26;
	s25 =	sor.u32 s15, s25  }
0x92: {  	v3 =	vld [tilespmem:s14+$0x400];
	s26 =	sand.u32 $0x1C00, s26;
	s15 =	sor.u32 s29, s25  }
0x93: {  	v4 =	vld [tilespmem:s14+$0x2400];
	s26 =	sor.u32 s26, s15  }
0x94: {  	v5 =	vld [tilespmem:s26+$0x4400]  }
0x95: {  	v6 =	vld [tilespmem:s26+$0x8400]  }
0x96: {  	v7 =	vld [tilespmem:s26+$0x4410]  }
0x97: {  	v8 =	vld [tilespmem:s26+$0x8410]  }
0x98: {  	v9 =	vld [tilespmem:s26+$0x4420]  }
0x99: {  	v10 =	vld [tilespmem:s26+$0x8420]  }
0x9a: {  	v11 =	vld [tilespmem:s26+$0x4430]  }
0x9b: {  	v12 =	vld [tilespmem:s26+$0x8430]  }
0x9c: {  	s15 =	simm.s32 $0x40;
	v13 =	vld [tilespmem:s26+$0xC400]  }
0x9d: {  	s28 =	simm.s32 $0x200;
	s14 =	sand.u32 $0x40, s15;
	v14 =	vld [tilespmem:s26+$0xC410];
	v5 =	vmul.f32 v5, v3;
	v6 =	vmul.f32 v6, v4  }
0x9e: {  	s29 =	sand.u32 $0x1C00, s28;
	v15 =	vld [tilespmem:s26+$0xC420];
	s14 =	sor.u32 s14, s25;
	v7 =	vmul.f32 v7, v3;
	v8 =	vmul.f32 v8, v4  }
0x9f: {  	v16 =	vld [tilespmem:s26+$0xC430];
	s14 =	sor.u32 s29, s14;
	v9 =	vmul.f32 v9, v3;
	v10 =	vmul.f32 v10, v4;
	v17 =	vadd.f32 v6, v5  }
0xa0: {  	v11 =	vmul.f32 v11, v3;
	v12 =	vmul.f32 v12, v4;
	v5 =	vld [tilespmem:s14+$0x4400];
	v18 =	vadd.f32 v8, v7  }
0xa1: {  	v6 =	vld [tilespmem:s14+$0x8400];
	v10 =	vadd.f32 v10, v9;
	v13 =	vadd.f32 v17, v13  }
0xa2: {  	v7 =	vld [tilespmem:s14+$0x4410];
	v11 =	vadd.f32 v12, v11;
	v14 =	vadd.f32 v18, v14  }
0xa3: {  	v8 =	vld [tilespmem:s14+$0x8410];
	v10 =	vadd.f32 v10, v15;
	[tilespmem:s26+$0xC400] =	vst v13  }
0xa4: {  	s15 =	simm.s32 $0x80;
	v11 =	vadd.f32 v11, v16;
	v9 =	vld [tilespmem:s14+$0x4420];
	[tilespmem:s26+$0xC410] =	vst v14  }
.LBB2_3:
0xa5: {  	p0 =	sne.s32 s15, $0x3C0;
	v12 =	vld [tilespmem:s14+$0x8420];
	[tilespmem:s26+$0xC420] =	vst v10  }
0xa6: {  	v10 =	vld [tilespmem:s14+$0x4430];
	[tilespmem:s26+$0xC430] =	vst v11;
	s26 =	smov.u32 s14  }
0xa7: {  	v11 =	vld [tilespmem:s26+$0x8430]  }
0xa8: {  	v13 =	vld [tilespmem:s26+$0xC400]  }
0xa9: {  	v5 =	vmul.f32 v5, v3;
	s28 =	sadd.s32 $0x200, s28;
	s14 =	sand.u32 $0x40, s15;
	v6 =	vmul.f32 v6, v4;
	v14 =	vld [tilespmem:s26+$0xC410]  }
0xaa: {  	s29 =	sand.u32 $0x1C00, s28;
	s14 =	sor.u32 s14, s25;
	v7 =	vmul.f32 v7, v3;
	v8 =	vmul.f32 v8, v4;
	v15 =	vld [tilespmem:s26+$0xC420]  }
0xab: {  	s14 =	sor.u32 s29, s14;
	v16 =	vadd.f32 v6, v5;
	v9 =	vmul.f32 v9, v3;
	v12 =	vmul.f32 v12, v4;
	v17 =	vld [tilespmem:s26+$0xC430]  }
.Ltmp0:
0xac: {  	v8 =	vadd.f32 v8, v7;
	v10 =	vmul.f32 v10, v3;
	v5 =	vld [tilespmem:s14+$0x4400];
	v11 =	vmul.f32 v11, v4;
	(pc) =	sbr.rel @p0 .LBB2_3-.Ltmp0, $4  }
0xad: {  	v9 =	vadd.f32 v12, v9;
	v6 =	vld [tilespmem:s14+$0x8400];
	v13 =	vadd.f32 v16, v13  }
0xae: {  	v7 =	vld [tilespmem:s14+$0x4410];
	v12 =	vadd.f32 v8, v14;
	v11 =	vadd.f32 v11, v10  }
0xaf: {  	v8 =	vld [tilespmem:s14+$0x8410];
	[tilespmem:s26+$0xC400] =	vst v13;
	v10 =	vadd.f32 v9, v15  }
0xb0: {  	s15 =	sadd.s32 $0x40, s15;
	v9 =	vld [tilespmem:s14+$0x4420];
	[tilespmem:s26+$0xC410] =	vst v12;
	v11 =	vadd.f32 v11, v17  }
0xb1: {  	v12 =	vld [tilespmem:s14+$0x8420];
	[tilespmem:s26+$0xC420] =	vst v10  }
0xb2: {  	v10 =	vld [tilespmem:s14+$0x4430];
	[tilespmem:s26+$0xC430] =	vst v11  }
0xb3: {  	v11 =	vld [tilespmem:s14+$0x8430]  }
0xb4: {  	v13 =	vld [tilespmem:s14+$0xC400]  }
0xb5: {  	v5 =	vmul.f32 v5, v3;
	v6 =	vmul.f32 v6, v4;
	v14 =	vld [tilespmem:s14+$0xC410]  }
0xb6: {  	v7 =	vmul.f32 v7, v3;
	v15 =	vld [tilespmem:s14+$0xC420];
	v8 =	vmul.f32 v8, v4  }
0xb7: {  	v61 =	vld [tilespmem:s14+$0xC430];
	v5 =	vadd.f32 v6, v5;
	v59 =	vmul.f32 v9, v3;
	v60 =	vmul.f32 v12, v4  }
0xb8: {  	s13 =	sadd.s32 $0x1, s13;
	v7 =	vadd.f32 v8, v7;
	v3 =	vmul.f32 v10, v3;
	v62 =	vmul.f32 v11, v4  }
0xb9: {  	p0 =	sne.s32 s13, $0x10;
	v5 =	vadd.f32 v5, v13;
	v6 =	vadd.f32 v60, v59  }
.Ltmp1:
0xba: {  	v7 =	vadd.f32 v7, v14;
	v3 =	vadd.f32 v62, v3;
	(pc) =	sbr.rel @p0 .LBB2_2-.Ltmp1, $4  }
0xbb: {  	[tilespmem:s14+$0xC400] =	vst v5;
	v63 =	vadd.f32 v6, v15  }
0xbc: {  	[tilespmem:s14+$0xC410] =	vst v7;
	v3 =	vadd.f32 v3, v61  }
0xbd: {  	[tilespmem:s14+$0xC420] =	vst v63  }
0xbe: {  	[tilespmem:s14+$0xC430] =	vst v3  }
0xbf: {  	s13 =	simm.s32 $0x0;
	s14 =	rddreg [dreg:$0x9]  }
0xc0: {  	[hbm4b:s14+s13] =	stream.linear.scatter [tilespmem:s11], [sflag:$0x4], $0x4000, $0x38;
	[tilespmem:$0x1C400] =	vst v63  }
0xc1: {  	_ =	swait.ge [sflag:s4], $0x4000  }
0xc2: {  	[sflag:s4] =	ssyncset.done $0x0  }
0xc3: {  	[sflag:s4] =	ssyncadd.s32 $0xFFFFC000  }
0xc4: {  	v3 =	vld [tilespmem:$0x100];
	_ =	sdelay $0x4  }
0xc5: {  	v4 =	vshll.u32 v3, $0x3  }
0xc6: {  	v3 =	vand.u32 $0x7, v3;
	v4 =	vand.u32 $0xFFFFFFC0, v4  }
0xc7: {  	v3 =	vor.u32 v3, v4  }
0xc8: {  	v4 =	vperm.xlane v3, v0;
	_ =	sdelay $0x1  }
0xc9: {  	v4 =	vadd.s32 v1, v4;
	_ =	sdelay $0x4  }
0xca: {  	[tilespmem:s30], [sflag:$0x1] =	stream.indirect_vreg.gather [hbm4b:s3+s13], $0x80, v4, vm0, $0xb8;
	[tilespmem:$0x1C400] =	vst v63  }
0xcb: {  	s26 =	simm.s32 $0x4C00;
	v3 =	vperm.xlane v3, v2  }
0xcc: {  	[tilespmem:s26], [sflag:$0x1] =	stream.indirect_vreg.gather [hbm4b:s7+s13], $0x80, v4, vm0, $0xb8;
	[tilespmem:$0x1C400] =	vst v63  }
0xcd: {  	s28 =	simm.s32 $0x5400;
	v3 =	vadd.s32 v1, v3  }
0xce: {  	[tilespmem:s28], [sflag:$0x1] =	stream.indirect_vreg.gather [hbm4b:s9+s13], $0x80, v4, vm0, $0xb8;
	[tilespmem:$0x1C400] =	vst v63  }
0xcf: {  	s29 =	simm.s32 $0x5C00  }
0xd0: {  	[tilespmem:s29], [sflag:$0x1] =	stream.indirect_vreg.gather [hbm4b:s10+s13], $0x80, v4, vm0, $0xb8;
	[tilespmem:$0x1C400] =	vst v63  }
0xd1: {  	s30 =	simm.s32 $0x6400  }
0xd2: {  	[tilespmem:s30], [sflag:$0x1] =	stream.indirect_vreg.gather [hbm4b:s3+s13], $0x80, v3, vm0, $0xb8;
	[tilespmem:$0x1C400] =	vst v63  }
0xd3: {  	s15 =	simm.s32 $0x6C00  }
0xd4: {  	[tilespmem:s15], [sflag:$0x1] =	stream.indirect_vreg.gather [hbm4b:s7+s13], $0x80, v3, vm0, $0xb8;
	[tilespmem:$0x1C400] =	vst v63  }
0xd5: {  	s25 =	simm.s32 $0x7400  }
0xd6: {  	[tilespmem:s25], [sflag:$0x1] =	stream.indirect_vreg.gather [hbm4b:s9+s13], $0x80, v3, vm0, $0xb8;
	[tilespmem:$0x1C400] =	vst v63  }
0xd7: {  	s26 =	simm.s32 $0x7C00  }
0xd8: {  	[tilespmem:s26], [sflag:$0x1] =	stream.indirect_vreg.gather [hbm4b:s10+s13], $0x80, v3, vm0, $0xb8;
	[tilespmem:$0x1C400] =	vst v63  }
0xd9: {  	v3 =	vld [tilespmem:$0x300];
	_ =	sdelay $0x4  }
0xda: {  	v63 =	vshll.u32 v3, $0x3  }
0xdb: {  	v3 =	vand.u32 $0x7, v3;
	v4 =	vand.u32 $0xFFFFFFC0, v63  }
0xdc: {  	v3 =	vor.u32 v3, v4  }
0xdd: {  	v4 =	vperm.xlane v3, v0;
	_ =	sdelay $0x1  }
0xde: {  	v4 =	vadd.s32 v1, v4;
	_ =	sdelay $0x3  }
0xdf: {  	s28 =	simm.s32 $0x8400  }
0xe0: {  	[tilespmem:s28], [sflag:$0x2] =	stream.indirect_vreg.gather [hbm4b:s3+s13], $0x80, v4, vm0, $0xb8;
	[tilespmem:$0x1C400] =	vst v63  }
0xe1: {  	s29 =	simm.s32 $0x8C00;
	v3 =	vperm.xlane v3, v2  }
0xe2: {  	[tilespmem:s29], [sflag:$0x2] =	stream.indirect_vreg.gather [hbm4b:s7+s13], $0x80, v4, vm0, $0xb8;
	[tilespmem:$0x1C400] =	vst v63  }
0xe3: {  	s30 =	simm.s32 $0x9400;
	v3 =	vadd.s32 v1, v3  }
0xe4: {  	[tilespmem:s30], [sflag:$0x2] =	stream.indirect_vreg.gather [hbm4b:s9+s13], $0x80, v4, vm0, $0xb8;
	[tilespmem:$0x1C400] =	vst v63  }
0xe5: {  	s15 =	simm.s32 $0x9C00  }
0xe6: {  	[tilespmem:s15], [sflag:$0x2] =	stream.indirect_vreg.gather [hbm4b:s10+s13], $0x80, v4, vm0, $0xb8;
	[tilespmem:$0x1C400] =	vst v63  }
0xe7: {  	s25 =	simm.s32 $0xA400  }
0xe8: {  	[tilespmem:s25], [sflag:$0x2] =	stream.indirect_vreg.gather [hbm4b:s3+s13], $0x80, v3, vm0, $0xb8;
	[tilespmem:$0x1C400] =	vst v63  }
0xe9: {  	s26 =	simm.s32 $0xAC00  }
0xea: {  	[tilespmem:s26], [sflag:$0x2] =	stream.indirect_vreg.gather [hbm4b:s7+s13], $0x80, v3, vm0, $0xb8;
	[tilespmem:$0x1C400] =	vst v63  }
0xeb: {  	s28 =	simm.s32 $0xB400  }
0xec: {  	[tilespmem:s28], [sflag:$0x2] =	stream.indirect_vreg.gather [hbm4b:s9+s13], $0x80, v3, vm0, $0xb8;
	[tilespmem:$0x1C400] =	vst v63  }
0xed: {  	s29 =	simm.s32 $0xBC00  }
0xee: {  	[tilespmem:s29], [sflag:$0x2] =	stream.indirect_vreg.gather [hbm4b:s10+s13], $0x80, v3, vm0, $0xb8;
	[tilespmem:$0x1C400] =	vst v63  }
0xef: {  	s30 =	rddreg [dreg:$0xa]  }
0xf0: {  	[tilespmem:s11], [sflag:$0x3] =	stream.linear.gather [hbm4b:s30+s13], $0x4000, $0x38;
	[tilespmem:$0x1C400] =	vst v63  }
0xf1: {  	_ =	swait.ge [sflag:s5], $0x4000  }
0xf2: {  	[sflag:s5] =	ssyncset.done $0x0  }
0xf3: {  	[sflag:s5] =	ssyncadd.s32 $0xFFFFC000  }
0xf4: {  	_ =	swait.ge [sflag:s6], $0x4000  }
0xf5: {  	[sflag:s6] =	ssyncset.done $0x0  }
0xf6: {  	[sflag:s6] =	ssyncadd.s32 $0xFFFFC000  }
0xf7: {  	_ =	swait.ge [sflag:s8], $0x4000  }
0xf8: {  	[sflag:s8] =	ssyncset.done $0x0  }
0xf9: {  	s25 =	simm.s32 $0x0;
	[sflag:s8] =	ssyncadd.s32 $0xFFFFC000  }
.LBB2_6:
0xfa: {  	s14 =	sshll.u32 s25, $0x7;
	s15 =	sshll.u32 s25, $0xA  }
0xfb: {  	s15 =	sand.u32 $0x2000, s15;
	s26 =	sand.u32 $0x380, s14  }
0xfc: {  	s30 =	sand.u32 $0x40, s13;
	s26 =	sor.u32 s15, s26  }
0xfd: {  	s28 =	sand.u32 $0x1C00, s13;
	v3 =	vld [tilespmem:s14+$0xC00];
	s15 =	sor.u32 s30, s26  }
0xfe: {  	v4 =	vld [tilespmem:s14+$0x2C00];
	s14 =	sor.u32 s28, s15  }
0xff: {  	v5 =	vld [tilespmem:s14+$0x10400]  }
0x100: {  	v6 =	vld [tilespmem:s14+$0x14400]  }
0x101: {  	v7 =	vld [tilespmem:s14+$0x10410]  }
0x102: {  	v8 =	vld [tilespmem:s14+$0x14410]  }
0x103: {  	v9 =	vld [tilespmem:s14+$0x10420]  }
0x104: {  	v10 =	vld [tilespmem:s14+$0x14420]  }
0x105: {  	v11 =	vld [tilespmem:s14+$0x10430]  }
0x106: {  	v12 =	vld [tilespmem:s14+$0x14430]  }
0x107: {  	s30 =	simm.s32 $0x40;
	v13 =	vld [tilespmem:s14+$0x18400]  }
0x108: {  	s28 =	sand.u32 $0x40, s30;
	s15 =	simm.s32 $0x200;
	v14 =	vld [tilespmem:s14+$0x18410];
	v5 =	vmul.f32 v5, v3;
	v6 =	vmul.f32 v6, v4  }
0x109: {  	s29 =	sand.u32 $0x1C00, s15;
	s28 =	sor.u32 s28, s26;
	v15 =	vld [tilespmem:s14+$0x18420];
	v7 =	vmul.f32 v7, v3;
	v8 =	vmul.f32 v8, v4  }
0x10a: {  	v16 =	vld [tilespmem:s14+$0x18430];
	s28 =	sor.u32 s29, s28;
	v9 =	vmul.f32 v9, v3;
	v10 =	vmul.f32 v10, v4;
	v17 =	vadd.f32 v6, v5  }
0x10b: {  	v11 =	vmul.f32 v11, v3;
	v12 =	vmul.f32 v12, v4;
	v5 =	vld [tilespmem:s28+$0x10400];
	v18 =	vadd.f32 v8, v7  }
0x10c: {  	v6 =	vld [tilespmem:s28+$0x14400];
	v10 =	vadd.f32 v10, v9;
	v13 =	vadd.f32 v17, v13  }
0x10d: {  	v7 =	vld [tilespmem:s28+$0x10410];
	v11 =	vadd.f32 v12, v11;
	v14 =	vadd.f32 v18, v14  }
0x10e: {  	v8 =	vld [tilespmem:s28+$0x14410];
	v10 =	vadd.f32 v10, v15;
	[tilespmem:s14+$0x18400] =	vst v13  }
0x10f: {  	s29 =	simm.s32 $0x80;
	v11 =	vadd.f32 v11, v16;
	v9 =	vld [tilespmem:s28+$0x10420];
	[tilespmem:s14+$0x18410] =	vst v14  }
.LBB2_7:
0x110: {  	p0 =	sne.s32 s29, $0x3C0;
	v12 =	vld [tilespmem:s28+$0x14420];
	[tilespmem:s14+$0x18420] =	vst v10  }
0x111: {  	v10 =	vld [tilespmem:s28+$0x10430];
	[tilespmem:s14+$0x18430] =	vst v11;
	s14 =	smov.u32 s28  }
0x112: {  	v11 =	vld [tilespmem:s14+$0x14430]  }
0x113: {  	v13 =	vld [tilespmem:s14+$0x18400]  }
0x114: {  	v5 =	vmul.f32 v5, v3;
	s15 =	sadd.s32 $0x200, s15;
	s28 =	sand.u32 $0x40, s29;
	v6 =	vmul.f32 v6, v4;
	v14 =	vld [tilespmem:s14+$0x18410]  }
0x115: {  	s30 =	sand.u32 $0x1C00, s15;
	s28 =	sor.u32 s28, s26;
	v7 =	vmul.f32 v7, v3;
	v8 =	vmul.f32 v8, v4;
	v15 =	vld [tilespmem:s14+$0x18420]  }
0x116: {  	s28 =	sor.u32 s30, s28;
	v16 =	vadd.f32 v6, v5;
	v9 =	vmul.f32 v9, v3;
	v12 =	vmul.f32 v12, v4;
	v17 =	vld [tilespmem:s14+$0x18430]  }
.Ltmp2:
0x117: {  	v8 =	vadd.f32 v8, v7;
	v10 =	vmul.f32 v10, v3;
	v5 =	vld [tilespmem:s28+$0x10400];
	v11 =	vmul.f32 v11, v4;
	(pc) =	sbr.rel @p0 .LBB2_7-.Ltmp2, $4  }
0x118: {  	v9 =	vadd.f32 v12, v9;
	v6 =	vld [tilespmem:s28+$0x14400];
	v13 =	vadd.f32 v16, v13  }
0x119: {  	v7 =	vld [tilespmem:s28+$0x10410];
	v12 =	vadd.f32 v8, v14;
	v11 =	vadd.f32 v11, v10  }
0x11a: {  	v8 =	vld [tilespmem:s28+$0x14410];
	[tilespmem:s14+$0x18400] =	vst v13;
	v10 =	vadd.f32 v9, v15  }
0x11b: {  	s29 =	sadd.s32 $0x40, s29;
	v9 =	vld [tilespmem:s28+$0x10420];
	[tilespmem:s14+$0x18410] =	vst v12;
	v11 =	vadd.f32 v11, v17  }
0x11c: {  	v12 =	vld [tilespmem:s28+$0x14420];
	[tilespmem:s14+$0x18420] =	vst v10  }
0x11d: {  	v10 =	vld [tilespmem:s28+$0x10430];
	[tilespmem:s14+$0x18430] =	vst v11  }
0x11e: {  	v11 =	vld [tilespmem:s28+$0x14430]  }
0x11f: {  	v13 =	vld [tilespmem:s28+$0x18400]  }
0x120: {  	v5 =	vmul.f32 v5, v3;
	v6 =	vmul.f32 v6, v4;
	v14 =	vld [tilespmem:s28+$0x18410]  }
0x121: {  	v7 =	vmul.f32 v7, v3;
	v15 =	vld [tilespmem:s28+$0x18420];
	v8 =	vmul.f32 v8, v4  }
0x122: {  	v61 =	vld [tilespmem:s28+$0x18430];
	v5 =	vadd.f32 v6, v5;
	v59 =	vmul.f32 v9, v3;
	v60 =	vmul.f32 v12, v4  }
0x123: {  	s25 =	sadd.s32 $0x1, s25;
	v7 =	vadd.f32 v8, v7;
	v3 =	vmul.f32 v10, v3;
	v62 =	vmul.f32 v11, v4  }
0x124: {  	p0 =	sne.s32 s25, $0x10;
	v5 =	vadd.f32 v5, v13;
	v6 =	vadd.f32 v60, v59  }
.Ltmp3:
0x125: {  	v7 =	vadd.f32 v7, v14;
	v3 =	vadd.f32 v62, v3;
	(pc) =	sbr.rel @p0 .LBB2_6-.Ltmp3, $4  }
0x126: {  	[tilespmem:s28+$0x18400] =	vst v5;
	v63 =	vadd.f32 v6, v15  }
0x127: {  	[tilespmem:s28+$0x18410] =	vst v7;
	v3 =	vadd.f32 v3, v61  }
0x128: {  	[tilespmem:s28+$0x18420] =	vst v63  }
0x129: {  	[tilespmem:s28+$0x18430] =	vst v3  }
0x12a: {  	s13 =	simm.s32 $0x0;
	s14 =	rddreg [dreg:$0xb]  }
0x12b: {  	[hbm4b:s14+s13] =	stream.linear.scatter [tilespmem:s19], [sflag:$0x8], $0x4000, $0x38;
	[tilespmem:$0x1C400] =	vst v63  }
0x12c: {  	_ =	swait.ge [sflag:s12], $0x4000  }
0x12d: {  	[sflag:s12] =	ssyncset.done $0x0  }
0x12e: {  	[sflag:s12] =	ssyncadd.s32 $0xFFFFC000  }
0x12f: {  	v3 =	vld [tilespmem:$0x180];
	_ =	sdelay $0x4  }
0x130: {  	v4 =	vshll.u32 v3, $0x3  }
0x131: {  	v3 =	vand.u32 $0x7, v3;
	v4 =	vand.u32 $0xFFFFFFC0, v4  }
0x132: {  	v3 =	vor.u32 v3, v4  }
0x133: {  	v4 =	vperm.xlane v3, v0;
	_ =	sdelay $0x1  }
0x134: {  	v4 =	vadd.s32 v1, v4;
	_ =	sdelay $0x3  }
0x135: {  	s25 =	simm.s32 $0x10400  }
0x136: {  	[tilespmem:s25], [sflag:$0x5] =	stream.indirect_vreg.gather [hbm4b:s3+s13], $0x80, v4, vm0, $0xb8;
	[tilespmem:$0x1C400] =	vst v63  }
0x137: {  	s26 =	simm.s32 $0x10C00;
	v3 =	vperm.xlane v3, v2  }
0x138: {  	[tilespmem:s26], [sflag:$0x5] =	stream.indirect_vreg.gather [hbm4b:s7+s13], $0x80, v4, vm0, $0xb8;
	[tilespmem:$0x1C400] =	vst v63  }
0x139: {  	s28 =	simm.s32 $0x11400;
	v3 =	vadd.s32 v1, v3  }
0x13a: {  	[tilespmem:s28], [sflag:$0x5] =	stream.indirect_vreg.gather [hbm4b:s9+s13], $0x80, v4, vm0, $0xb8;
	[tilespmem:$0x1C400] =	vst v63  }
0x13b: {  	s29 =	simm.s32 $0x11C00  }
0x13c: {  	[tilespmem:s29], [sflag:$0x5] =	stream.indirect_vreg.gather [hbm4b:s10+s13], $0x80, v4, vm0, $0xb8;
	[tilespmem:$0x1C400] =	vst v63  }
0x13d: {  	s30 =	simm.s32 $0x12400  }
0x13e: {  	[tilespmem:s30], [sflag:$0x5] =	stream.indirect_vreg.gather [hbm4b:s3+s13], $0x80, v3, vm0, $0xb8;
	[tilespmem:$0x1C400] =	vst v63  }
0x13f: {  	s15 =	simm.s32 $0x12C00  }
0x140: {  	[tilespmem:s15], [sflag:$0x5] =	stream.indirect_vreg.gather [hbm4b:s7+s13], $0x80, v3, vm0, $0xb8;
	[tilespmem:$0x1C400] =	vst v63  }
0x141: {  	s25 =	simm.s32 $0x13400  }
0x142: {  	[tilespmem:s25], [sflag:$0x5] =	stream.indirect_vreg.gather [hbm4b:s9+s13], $0x80, v3, vm0, $0xb8;
	[tilespmem:$0x1C400] =	vst v63  }
0x143: {  	s26 =	simm.s32 $0x13C00  }
0x144: {  	[tilespmem:s26], [sflag:$0x5] =	stream.indirect_vreg.gather [hbm4b:s10+s13], $0x80, v3, vm0, $0xb8;
	[tilespmem:$0x1C400] =	vst v63  }
0x145: {  	v3 =	vld [tilespmem:$0x380];
	_ =	sdelay $0x4  }
0x146: {  	v63 =	vshll.u32 v3, $0x3  }
0x147: {  	v3 =	vand.u32 $0x7, v3;
	v4 =	vand.u32 $0xFFFFFFC0, v63  }
0x148: {  	v3 =	vor.u32 v3, v4  }
0x149: {  	v4 =	vperm.xlane v3, v0;
	_ =	sdelay $0x1  }
0x14a: {  	v4 =	vadd.s32 v1, v4;
	_ =	sdelay $0x3  }
0x14b: {  	s28 =	simm.s32 $0x14400  }
0x14c: {  	[tilespmem:s28], [sflag:$0x6] =	stream.indirect_vreg.gather [hbm4b:s3+s13], $0x80, v4, vm0, $0xb8;
	[tilespmem:$0x1C400] =	vst v63  }
0x14d: {  	s29 =	simm.s32 $0x14C00;
	v3 =	vperm.xlane v3, v2  }
0x14e: {  	[tilespmem:s29], [sflag:$0x6] =	stream.indirect_vreg.gather [hbm4b:s7+s13], $0x80, v4, vm0, $0xb8;
	[tilespmem:$0x1C400] =	vst v63  }
0x14f: {  	v3 =	vadd.s32 v1, v3  }
0x150: {  	[tilespmem:s16], [sflag:$0x6] =	stream.indirect_vreg.gather [hbm4b:s9+s13], $0x80, v4, vm0, $0xb8;
	[tilespmem:$0x1C400] =	vst v63  }
0x151: {  	_ = 	snop  }
0x152: {  	[tilespmem:s31], [sflag:$0x6] =	stream.indirect_vreg.gather [hbm4b:s10+s13], $0x80, v4, vm0, $0xb8;
	[tilespmem:$0x1C400] =	vst v63  }
0x153: {  	_ = 	snop  }
0x154: {  	[tilespmem:s17], [sflag:$0x6] =	stream.indirect_vreg.gather [hbm4b:s3+s13], $0x80, v3, vm0, $0xb8;
	[tilespmem:$0x1C400] =	vst v63  }
0x155: {  	_ = 	snop  }
0x156: {  	[tilespmem:s0], [sflag:$0x6] =	stream.indirect_vreg.gather [hbm4b:s7+s13], $0x80, v3, vm0, $0xb8;
	[tilespmem:$0x1C400] =	vst v63  }
0x157: {  	_ = 	snop  }
0x158: {  	[tilespmem:s18], [sflag:$0x6] =	stream.indirect_vreg.gather [hbm4b:s9+s13], $0x80, v3, vm0, $0xb8;
	[tilespmem:$0x1C400] =	vst v63  }
0x159: {  	_ = 	snop  }
0x15a: {  	[tilespmem:s1], [sflag:$0x6] =	stream.indirect_vreg.gather [hbm4b:s10+s13], $0x80, v3, vm0, $0xb8;
	[tilespmem:$0x1C400] =	vst v63  }
0x15b: {  	s30 =	rddreg [dreg:$0xc]  }
0x15c: {  	[tilespmem:s19], [sflag:$0x7] =	stream.linear.gather [hbm4b:s30+s13], $0x4000, $0x38;
	[tilespmem:$0x1C400] =	vst v63  }
0x15d: {  	_ =	swait.ge [sflag:s21], $0x4000  }
0x15e: {  	[sflag:s21] =	ssyncset.done $0x0  }
0x15f: {  	[sflag:s21] =	ssyncadd.s32 $0xFFFFC000  }
0x160: {  	_ =	swait.ge [sflag:s22], $0x4000  }
0x161: {  	[sflag:s22] =	ssyncset.done $0x0  }
0x162: {  	[sflag:s22] =	ssyncadd.s32 $0xFFFFC000  }
0x163: {  	_ =	swait.ge [sflag:s23], $0x4000  }
0x164: {  	[sflag:s23] =	ssyncset.done $0x0  }
0x165: {  	s25 =	simm.s32 $0x0;
	[sflag:s23] =	ssyncadd.s32 $0xFFFFC000  }
.LBB2_10:
0x166: {  	s14 =	sshll.u32 s25, $0x7;
	s15 =	sshll.u32 s25, $0xA  }
0x167: {  	s15 =	sand.u32 $0x2000, s15;
	s26 =	sand.u32 $0x380, s14  }
0x168: {  	s30 =	sand.u32 $0x40, s13;
	s26 =	sor.u32 s15, s26  }
0x169: {  	s28 =	sand.u32 $0x1C00, s13;
	v3 =	vld [tilespmem:s14+$0x1400];
	s15 =	sor.u32 s30, s26  }
0x16a: {  	v4 =	vld [tilespmem:s14+$0x3400];
	s14 =	sor.u32 s28, s15  }
0x16b: {  	v5 =	vld [tilespmem:s14+$0x4400]  }
0x16c: {  	v6 =	vld [tilespmem:s14+$0x8400]  }
0x16d: {  	v7 =	vld [tilespmem:s14+$0x4410]  }
0x16e: {  	v8 =	vld [tilespmem:s14+$0x8410]  }
0x16f: {  	v9 =	vld [tilespmem:s14+$0x4420]  }
0x170: {  	v10 =	vld [tilespmem:s14+$0x8420]  }
0x171: {  	v11 =	vld [tilespmem:s14+$0x4430]  }
0x172: {  	v12 =	vld [tilespmem:s14+$0x8430]  }
0x173: {  	s30 =	simm.s32 $0x40;
	v13 =	vld [tilespmem:s14+$0xC400]  }
0x174: {  	s28 =	sand.u32 $0x40, s30;
	s15 =	simm.s32 $0x200;
	v14 =	vld [tilespmem:s14+$0xC410];
	v5 =	vmul.f32 v5, v3;
	v6 =	vmul.f32 v6, v4  }
0x175: {  	s29 =	sand.u32 $0x1C00, s15;
	s28 =	sor.u32 s28, s26;
	v15 =	vld [tilespmem:s14+$0xC420];
	v7 =	vmul.f32 v7, v3;
	v8 =	vmul.f32 v8, v4  }
0x176: {  	v16 =	vld [tilespmem:s14+$0xC430];
	s28 =	sor.u32 s29, s28;
	v9 =	vmul.f32 v9, v3;
	v10 =	vmul.f32 v10, v4;
	v17 =	vadd.f32 v6, v5  }
0x177: {  	v11 =	vmul.f32 v11, v3;
	v12 =	vmul.f32 v12, v4;
	v5 =	vld [tilespmem:s28+$0x4400];
	v18 =	vadd.f32 v8, v7  }
0x178: {  	v6 =	vld [tilespmem:s28+$0x8400];
	v10 =	vadd.f32 v10, v9;
	v13 =	vadd.f32 v17, v13  }
0x179: {  	v7 =	vld [tilespmem:s28+$0x4410];
	v11 =	vadd.f32 v12, v11;
	v14 =	vadd.f32 v18, v14  }
0x17a: {  	v8 =	vld [tilespmem:s28+$0x8410];
	v10 =	vadd.f32 v10, v15;
	[tilespmem:s14+$0xC400] =	vst v13  }
0x17b: {  	s29 =	simm.s32 $0x80;
	v11 =	vadd.f32 v11, v16;
	v9 =	vld [tilespmem:s28+$0x4420];
	[tilespmem:s14+$0xC410] =	vst v14  }
.LBB2_11:
0x17c: {  	p0 =	sne.s32 s29, $0x3C0;
	v12 =	vld [tilespmem:s28+$0x8420];
	[tilespmem:s14+$0xC420] =	vst v10  }
0x17d: {  	v10 =	vld [tilespmem:s28+$0x4430];
	[tilespmem:s14+$0xC430] =	vst v11;
	s14 =	smov.u32 s28  }
0x17e: {  	v11 =	vld [tilespmem:s14+$0x8430]  }
0x17f: {  	v13 =	vld [tilespmem:s14+$0xC400]  }
0x180: {  	v5 =	vmul.f32 v5, v3;
	s15 =	sadd.s32 $0x200, s15;
	s28 =	sand.u32 $0x40, s29;
	v6 =	vmul.f32 v6, v4;
	v14 =	vld [tilespmem:s14+$0xC410]  }
0x181: {  	s30 =	sand.u32 $0x1C00, s15;
	s28 =	sor.u32 s28, s26;
	v7 =	vmul.f32 v7, v3;
	v8 =	vmul.f32 v8, v4;
	v15 =	vld [tilespmem:s14+$0xC420]  }
0x182: {  	s28 =	sor.u32 s30, s28;
	v16 =	vadd.f32 v6, v5;
	v9 =	vmul.f32 v9, v3;
	v12 =	vmul.f32 v12, v4;
	v17 =	vld [tilespmem:s14+$0xC430]  }
.Ltmp4:
0x183: {  	v8 =	vadd.f32 v8, v7;
	v10 =	vmul.f32 v10, v3;
	v5 =	vld [tilespmem:s28+$0x4400];
	v11 =	vmul.f32 v11, v4;
	(pc) =	sbr.rel @p0 .LBB2_11-.Ltmp4, $4  }
0x184: {  	v9 =	vadd.f32 v12, v9;
	v6 =	vld [tilespmem:s28+$0x8400];
	v13 =	vadd.f32 v16, v13  }
0x185: {  	v7 =	vld [tilespmem:s28+$0x4410];
	v12 =	vadd.f32 v8, v14;
	v11 =	vadd.f32 v11, v10  }
0x186: {  	v8 =	vld [tilespmem:s28+$0x8410];
	[tilespmem:s14+$0xC400] =	vst v13;
	v10 =	vadd.f32 v9, v15  }
0x187: {  	s29 =	sadd.s32 $0x40, s29;
	v9 =	vld [tilespmem:s28+$0x4420];
	[tilespmem:s14+$0xC410] =	vst v12;
	v11 =	vadd.f32 v11, v17  }
0x188: {  	v12 =	vld [tilespmem:s28+$0x8420];
	[tilespmem:s14+$0xC420] =	vst v10  }
0x189: {  	v10 =	vld [tilespmem:s28+$0x4430];
	[tilespmem:s14+$0xC430] =	vst v11  }
0x18a: {  	v11 =	vld [tilespmem:s28+$0x8430]  }
0x18b: {  	v13 =	vld [tilespmem:s28+$0xC400]  }
0x18c: {  	v5 =	vmul.f32 v5, v3;
	v6 =	vmul.f32 v6, v4;
	v14 =	vld [tilespmem:s28+$0xC410]  }
0x18d: {  	v7 =	vmul.f32 v7, v3;
	v15 =	vld [tilespmem:s28+$0xC420];
	v8 =	vmul.f32 v8, v4  }
0x18e: {  	v61 =	vld [tilespmem:s28+$0xC430];
	v5 =	vadd.f32 v6, v5;
	v59 =	vmul.f32 v9, v3;
	v60 =	vmul.f32 v12, v4  }
0x18f: {  	s25 =	sadd.s32 $0x1, s25;
	v7 =	vadd.f32 v8, v7;
	v3 =	vmul.f32 v10, v3;
	v62 =	vmul.f32 v11, v4  }
0x190: {  	p0 =	sne.s32 s25, $0x10;
	v5 =	vadd.f32 v5, v13;
	v6 =	vadd.f32 v60, v59  }
.Ltmp5:
0x191: {  	v7 =	vadd.f32 v7, v14;
	v3 =	vadd.f32 v62, v3;
	(pc) =	sbr.rel @p0 .LBB2_10-.Ltmp5, $4  }
0x192: {  	[tilespmem:s28+$0xC400] =	vst v5;
	v63 =	vadd.f32 v6, v15  }
0x193: {  	[tilespmem:s28+$0xC410] =	vst v7;
	v3 =	vadd.f32 v3, v61  }
0x194: {  	[tilespmem:s28+$0xC420] =	vst v63  }
0x195: {  	[tilespmem:s28+$0xC430] =	vst v3  }
0x196: {  	s13 =	simm.s32 $0x0;
	s14 =	rddreg [dreg:$0xd]  }
0x197: {  	[hbm4b:s14+s13] =	stream.linear.scatter [tilespmem:s11], [sflag:$0x4], $0x4000, $0x38;
	[tilespmem:$0x1C400] =	vst v63  }
0x198: {  	_ =	swait.ge [sflag:s5], $0x4000  }
0x199: {  	[sflag:s5] =	ssyncset.done $0x0  }
0x19a: {  	[sflag:s5] =	ssyncadd.s32 $0xFFFFC000  }
0x19b: {  	_ =	swait.ge [sflag:s6], $0x4000  }
0x19c: {  	[sflag:s6] =	ssyncset.done $0x0  }
0x19d: {  	[sflag:s6] =	ssyncadd.s32 $0xFFFFC000  }
0x19e: {  	_ =	swait.ge [sflag:s8], $0x4000  }
0x19f: {  	[sflag:s8] =	ssyncset.done $0x0  }
0x1a0: {  	s25 =	simm.s32 $0x0;
	[sflag:s8] =	ssyncadd.s32 $0xFFFFC000  }
.LBB2_14:
0x1a1: {  	s14 =	sshll.u32 s25, $0x7;
	s15 =	sshll.u32 s25, $0xA  }
0x1a2: {  	s15 =	sand.u32 $0x2000, s15;
	s26 =	sand.u32 $0x380, s14  }
0x1a3: {  	s30 =	sand.u32 $0x40, s13;
	s26 =	sor.u32 s15, s26  }
0x1a4: {  	s28 =	sand.u32 $0x1C00, s13;
	v3 =	vld [tilespmem:s14+$0x1C00];
	s15 =	sor.u32 s30, s26  }
0x1a5: {  	v4 =	vld [tilespmem:s14+$0x3C00];
	s14 =	sor.u32 s28, s15  }
0x1a6: {  	v5 =	vld [tilespmem:s14+$0x10400]  }
0x1a7: {  	v6 =	vld [tilespmem:s14+$0x14400]  }
0x1a8: {  	v7 =	vld [tilespmem:s14+$0x10410]  }
0x1a9: {  	v8 =	vld [tilespmem:s14+$0x14410]  }
0x1aa: {  	v9 =	vld [tilespmem:s14+$0x10420]  }
0x1ab: {  	v10 =	vld [tilespmem:s14+$0x14420]  }
0x1ac: {  	v11 =	vld [tilespmem:s14+$0x10430]  }
0x1ad: {  	v12 =	vld [tilespmem:s14+$0x14430]  }
0x1ae: {  	s30 =	simm.s32 $0x40;
	v13 =	vld [tilespmem:s14+$0x18400]  }
0x1af: {  	s28 =	sand.u32 $0x40, s30;
	s15 =	simm.s32 $0x200;
	v14 =	vld [tilespmem:s14+$0x18410];
	v5 =	vmul.f32 v5, v3;
	v6 =	vmul.f32 v6, v4  }
0x1b0: {  	s29 =	sand.u32 $0x1C00, s15;
	s28 =	sor.u32 s28, s26;
	v15 =	vld [tilespmem:s14+$0x18420];
	v7 =	vmul.f32 v7, v3;
	v8 =	vmul.f32 v8, v4  }
0x1b1: {  	v16 =	vld [tilespmem:s14+$0x18430];
	s28 =	sor.u32 s29, s28;
	v9 =	vmul.f32 v9, v3;
	v10 =	vmul.f32 v10, v4;
	v17 =	vadd.f32 v6, v5  }
0x1b2: {  	v11 =	vmul.f32 v11, v3;
	v12 =	vmul.f32 v12, v4;
	v5 =	vld [tilespmem:s28+$0x10400];
	v18 =	vadd.f32 v8, v7  }
0x1b3: {  	v6 =	vld [tilespmem:s28+$0x14400];
	v10 =	vadd.f32 v10, v9;
	v13 =	vadd.f32 v17, v13  }
0x1b4: {  	v7 =	vld [tilespmem:s28+$0x10410];
	v11 =	vadd.f32 v12, v11;
	v14 =	vadd.f32 v18, v14  }
0x1b5: {  	v8 =	vld [tilespmem:s28+$0x14410];
	v10 =	vadd.f32 v10, v15;
	[tilespmem:s14+$0x18400] =	vst v13  }
0x1b6: {  	s29 =	simm.s32 $0x80;
	v11 =	vadd.f32 v11, v16;
	v9 =	vld [tilespmem:s28+$0x10420];
	[tilespmem:s14+$0x18410] =	vst v14  }
.LBB2_15:
0x1b7: {  	p0 =	sne.s32 s29, $0x3C0;
	v12 =	vld [tilespmem:s28+$0x14420];
	[tilespmem:s14+$0x18420] =	vst v10  }
0x1b8: {  	v10 =	vld [tilespmem:s28+$0x10430];
	[tilespmem:s14+$0x18430] =	vst v11;
	s14 =	smov.u32 s28  }
0x1b9: {  	v11 =	vld [tilespmem:s14+$0x14430]  }
0x1ba: {  	v13 =	vld [tilespmem:s14+$0x18400]  }
0x1bb: {  	v5 =	vmul.f32 v5, v3;
	s15 =	sadd.s32 $0x200, s15;
	s28 =	sand.u32 $0x40, s29;
	v6 =	vmul.f32 v6, v4;
	v14 =	vld [tilespmem:s14+$0x18410]  }
0x1bc: {  	s30 =	sand.u32 $0x1C00, s15;
	s28 =	sor.u32 s28, s26;
	v7 =	vmul.f32 v7, v3;
	v8 =	vmul.f32 v8, v4;
	v15 =	vld [tilespmem:s14+$0x18420]  }
0x1bd: {  	s28 =	sor.u32 s30, s28;
	v16 =	vadd.f32 v6, v5;
	v9 =	vmul.f32 v9, v3;
	v12 =	vmul.f32 v12, v4;
	v17 =	vld [tilespmem:s14+$0x18430]  }
.Ltmp6:
0x1be: {  	v8 =	vadd.f32 v8, v7;
	v10 =	vmul.f32 v10, v3;
	v5 =	vld [tilespmem:s28+$0x10400];
	v11 =	vmul.f32 v11, v4;
	(pc) =	sbr.rel @p0 .LBB2_15-.Ltmp6, $4  }
0x1bf: {  	v9 =	vadd.f32 v12, v9;
	v6 =	vld [tilespmem:s28+$0x14400];
	v13 =	vadd.f32 v16, v13  }
0x1c0: {  	v7 =	vld [tilespmem:s28+$0x10410];
	v12 =	vadd.f32 v8, v14;
	v11 =	vadd.f32 v11, v10  }
0x1c1: {  	v8 =	vld [tilespmem:s28+$0x14410];
	[tilespmem:s14+$0x18400] =	vst v13;
	v10 =	vadd.f32 v9, v15  }
0x1c2: {  	s29 =	sadd.s32 $0x40, s29;
	v9 =	vld [tilespmem:s28+$0x10420];
	[tilespmem:s14+$0x18410] =	vst v12;
	v11 =	vadd.f32 v11, v17  }
0x1c3: {  	v12 =	vld [tilespmem:s28+$0x14420];
	[tilespmem:s14+$0x18420] =	vst v10  }
0x1c4: {  	v10 =	vld [tilespmem:s28+$0x10430];
	[tilespmem:s14+$0x18430] =	vst v11  }
0x1c5: {  	v11 =	vld [tilespmem:s28+$0x14430]  }
0x1c6: {  	v13 =	vld [tilespmem:s28+$0x18400]  }
0x1c7: {  	v5 =	vmul.f32 v5, v3;
	v6 =	vmul.f32 v6, v4;
	v14 =	vld [tilespmem:s28+$0x18410]  }
0x1c8: {  	v7 =	vmul.f32 v7, v3;
	v15 =	vld [tilespmem:s28+$0x18420];
	v8 =	vmul.f32 v8, v4  }
0x1c9: {  	v61 =	vld [tilespmem:s28+$0x18430];
	v5 =	vadd.f32 v6, v5;
	v59 =	vmul.f32 v9, v3;
	v60 =	vmul.f32 v12, v4  }
0x1ca: {  	s25 =	sadd.s32 $0x1, s25;
	v7 =	vadd.f32 v8, v7;
	v3 =	vmul.f32 v10, v3;
	v62 =	vmul.f32 v11, v4  }
0x1cb: {  	p0 =	sne.s32 s25, $0x10;
	v5 =	vadd.f32 v5, v13;
	v6 =	vadd.f32 v60, v59  }
.Ltmp7:
0x1cc: {  	v7 =	vadd.f32 v7, v14;
	v3 =	vadd.f32 v62, v3;
	(pc) =	sbr.rel @p0 .LBB2_14-.Ltmp7, $4  }
0x1cd: {  	[tilespmem:s28+$0x18400] =	vst v5;
	v63 =	vadd.f32 v6, v15  }
0x1ce: {  	[tilespmem:s28+$0x18410] =	vst v7;
	v3 =	vadd.f32 v3, v61  }
0x1cf: {  	[tilespmem:s28+$0x18420] =	vst v63  }
0x1d0: {  	[tilespmem:s28+$0x18430] =	vst v3  }
0x1d1: {  	s13 =	rddreg [dreg:$0xe]  }
0x1d2: {  	[hbm4b:s13+s2] =	stream.linear.scatter [tilespmem:s19], [sflag:$0x8], $0x4000, $0x38;
	[tilespmem:$0x1C400] =	vst v63  }
0x1d3: {  	_ =	swait.ge [sflag:s4], $0x4000  }
0x1d4: {  	[sflag:s4] =	ssyncset.done $0x0  }
0x1d5: {  	[sflag:s4] =	ssyncadd.s32 $0xFFFFC000  }
0x1d6: {  	_ =	swait.ge [sflag:s12], $0x4000  }
0x1d7: {  	s24 =	sadd.s32 $0x1, s24;
	s29 =	rddreg [dreg:$0xf]  }
0x1d8: {  	p0 =	sne.s32 s24, s29  }
.Ltmp8:
0x1d9: {  	_ = 	snop;
	(pc) =	sbr.rel @p0 .LBB2_1-.Ltmp8, $3  }
0x1da: {  	_ =	sdelay $0x1  }
0x1db: {  	[sflag:s12] =	ssyncset.done $0x0  }
0x1dc: {  	s30 =	simm.s32 $0x4400;
	[sflag:s12] =	ssyncadd.s32 $0xFFFFC000  }
0x1dd: {  	_ =	sfence.sel $0x180000  }
0x1de: {  	[bflag:$0x0] =	sbarrier.arrive $0xFFFF  }
0x1df: {  	_ =	strace $0x9000004A  }
0x1e0: {  	s0 =	stileid.u32;
	[bflag:$0x2] =	sbarrier.arrive $0xFFFF  }
0x1e1: {  	p0 =	sne.s32 s0, $0x0;
	s0 =	rddreg [dreg:$0x2]  }
0x1e2: {  	s0 =	sadd.s32 @!p0 $0x100000, s0  }
0x1e3: {  	[sflag:s0] =	ssyncadd.tile.s32 @!p0 $0x1;
	_ =	shalt  }
.Lfunc_end2:
_tile_overlayer_lowered:
.L_overlay_start_2:
0x1e4: {  	(tag) =	ssettag $0x2  }
0x1e5: {  	s0 =	rddreg [dreg:$0x0];
	s2 =	stileid.u32  }
0x1e6: {  	s1 =	rddreg [dreg:$0x1];
	p0 =	sne.s32 s2, $0x0  }
0x1e7: {  	s3 =	rddreg [dreg:$0x2];
	[bflag:$0x3] =	sbarrier.arrive $0xFFFF;
	s2 =	simm.s32 @!p0 $0x1C09  }
0x1e8: {  	[timem:s3], [sflag:s2] =	dma.local @!p0 [hbm:s0], s1  }
0x1e9: {  	s0 =	simm.s32 @!p0 $0x9  }
0x1ea: {  	_ =	swait.ge @!p0 [sflag:s0], s1  }
0x1eb: {  	s1 =	ssub.s32 @!p0 $0x0, s1;
	[sflag:s0] =	ssyncset.done @!p0 $0x0  }
0x1ec: {  	[sflag:s0] =	ssyncadd.s32 @!p0 s1  }
0x1ed: {  	[bflag:$0x3] =	sbarrier.arrive $0xFFFF  }
0x1ee: {  	_ =	shalt  }

// kernel: kernel.7.cloned.1.call-start
scs
__scs_entry_jumppad:
0x0: {  	(pc) =	sbr.rel $0x88, $3  }
0x1: {  	(tag) =	ssettag $0x0;
	lr =	simm.s32 $0x1  }
0x2: {  	[smem:$0x3F99] =	sst lr;
	_ =	strace $0xD0000000  }
0x3: {  	_ = 	snop  }
0x4: {  	_ = 	snop  }
0x5: {  	_ = 	snop  }
0x6: {  	_ = 	snop  }
0x7: {  	_ = 	snop  }
__scs_overlays_trampoline_lowered:
0x8: {  	[smem:$0x3FA8] =	sst s0  }
0x9: {  	[smem:$0x3FA9] =	sst s1  }
0xa: {  	[smem:$0x3FAA] =	sst s2  }
0xb: {  	[smem:$0x3FAB] =	sst s3  }
0xc: {  	[smem:$0x3FAC] =	sst s4  }
0xd: {  	[smem:$0x3FAD] =	sst s5  }
0xe: {  	[smem:$0x3FAE] =	sst s6  }
0xf: {  	[smem:$0x3FAF] =	sst s7  }
0x10: {  	[smem:$0x3FB0] =	sst s8  }
0x11: {  	[smem:$0x3FB1] =	sst s9;
	s0 =	simm.s32 @!p0 $0x0  }
0x12: {  	s1 =	sld [smem:$0x3F97];
	s0 =	simm.s32 @p0 $0x1  }
0x13: {  	[smem:$0x3FB2] =	sst s0;
	s0 =	simm.s32 @!p1 $0x0  }
0x14: {  	s2 =	sld [smem:$0x3F96];
	s0 =	simm.s32 @p1 $0x1  }
0x15: {  	[smem:$0x3FB3] =	sst s0;
	s0 =	simm.s32 @!p2 $0x0  }
0x16: {  	s3 =	sld [smem:$0x3FDB];
	s0 =	simm.s32 @p2 $0x1  }
0x17: {  	s4 =	simm.s32 $0x1BF5;
	[smem:$0x3FB5] =	sst s0  }
0x18: {  	s0 =	sld [smem:$0x3F98];
	_ =	swait.ge [sflag:s4], $0x0  }
0x19: {  	s7 =	sld [smem:$0x3F99]  }
0x1a: {  	s8 =	sadd.s32 $0xFFFFE003, lr  }
0x1b: {  	s9 =	sadd.s32 $0xFFFFFEF7, lr;
	s5 =	simm.s32 $0xFFFFFFFF;
	p2 =	slt.u32 s8, $0xFFFFF086  }
0x1c: {  	p1 =	slt.u32 s9, $0xF7A;
	s5 =	simm.s32 @!p2 $0x0  }
0x1d: {  	s5 =	simm.s32 @p1 $0x1;
	p0 =	seq.s32 s7, s2  }
0x1e: {  	s7 =	smul.u32 @!p0 $0xF7A, s2;
	p2 =	seq.s32 @!p0 s5, $0x0  }
0x1f: {  	s9 =	smul.u32 $0xF7A, s1;
	s8 =	simm.s32 @!p0 $0x1BF5;
	p2 =	por !p2, p0  }
0x20: {  	[sflag:s8] =	ssyncset.s32 @!p0 $0xFFFFF086;
	s6 =	sadd.s32 @!p0 s3, s7;
	s7 =	simm.s32 @!p0 $0x108  }
0x21: {  	s3 =	sadd.s32 s3, s9;
	s6 =	sadd.s32 @!p0 $0x88, s6;
	s7 =	simm.s32 @p2 $0x1082  }
0x22: {  	[simem:s7], [sflag:s8] =	dma.local @!p0 [hbm:s6], $0xF7A  }
0x23: {  	s9 =	sor.u32 $0xD0000000, s2;
	s6 =	simm.s32 $0x108;
	_ =	swait.ge @!p0 [sflag:s8], $0x0  }
0x24: {  	s3 =	sadd.s32 $0x88, s3;
	s6 =	simm.s32 @!p1 $0x1082;
	[sflag:s4] =	ssyncset.s32 $0xFFFFF086  }
0x25: {  	[simem:s6], [sflag:s4] =	dma.local [hbm:s3], $0xF7A  }
0x26: {  	[smem:$0x3F99] =	sst s1;
	(tag) =	ssettag s2;
	_ =	strace s9  }
0x27: {  	s1 =	sld [smem:$0x3FA9]  }
0x28: {  	s2 =	sld [smem:$0x3FAA]  }
0x29: {  	s4 =	sld [smem:$0x3FAC]  }
0x2a: {  	p0 =	seq.s32 s5, $0x0;
	s5 =	sld [smem:$0x3FAD]  }
0x2b: {  	s6 =	sld [smem:$0x3FAE]  }
0x2c: {  	s7 =	sld [smem:$0x3FAF]  }
0x2d: {  	s3 =	simm.s32 $0x108;
	s8 =	sld [smem:$0x3FB0]  }
0x2e: {  	s3 =	simm.s32 @!p0 $0x1082;
	s9 =	sld [smem:$0x3FB1]  }
0x2f: {  	lr =	sadd.s32 s0, s3;
	s0 =	sld [smem:$0x3FA8]  }
0x30: {  	s3 =	sld [smem:$0x3FAB]  }
0x31: {  	[smem:$0x3FB4] =	sst s10  }
0x32: {  	s10 =	sld [smem:$0x3FB2];
	_ =	sdelay $0x3  }
0x33: {  	p0 =	seq.s32 s10, $0x1;
	s10 =	sld [smem:$0x3FB4];
	_ =	sdelay $0x3  }
0x34: {  	[smem:$0x3FB4] =	sst s10  }
0x35: {  	s10 =	sld [smem:$0x3FB3];
	_ =	sdelay $0x3  }
0x36: {  	p1 =	seq.s32 s10, $0x1;
	s10 =	sld [smem:$0x3FB4];
	_ =	sdelay $0x3  }
0x37: {  	[smem:$0x3FB4] =	sst s10  }
0x38: {  	s10 =	sld [smem:$0x3FB5]  }
0x39: {  	_ = 	snop;
	(pc) =	sbr.ind lr, $3  }
0x3a: {  	_ = 	snop  }
0x3b: {  	_ = 	snop  }
0x3c: {  	p2 =	seq.s32 s10, $0x1;
	s10 =	sld [smem:$0x3FB4]  }
0x3d: {  	_ =	shalt  }
0x3e: {  	_ =	shalt  }
0x3f: {  	_ =	shalt  }
0x40: {  	_ =	shalt  }
0x41: {  	_ =	shalt  }
0x42: {  	_ =	shalt  }
0x43: {  	_ =	shalt  }
0x44: {  	_ =	shalt  }
0x45: {  	_ =	shalt  }
0x46: {  	_ =	shalt  }
0x47: {  	_ =	shalt  }
0x48: {  	_ =	shalt  }
0x49: {  	_ =	shalt  }
0x4a: {  	_ =	shalt  }
0x4b: {  	_ =	shalt  }
0x4c: {  	_ =	shalt  }
0x4d: {  	_ =	shalt  }
0x4e: {  	_ =	shalt  }
0x4f: {  	_ =	shalt  }
0x50: {  	_ =	shalt  }
0x51: {  	_ =	shalt  }
0x52: {  	_ =	shalt  }
0x53: {  	_ =	shalt  }
0x54: {  	_ =	shalt  }
0x55: {  	_ =	shalt  }
0x56: {  	_ =	shalt  }
0x57: {  	_ =	shalt  }
0x58: {  	_ =	shalt  }
0x59: {  	_ =	shalt  }
0x5a: {  	_ =	shalt  }
0x5b: {  	_ =	shalt  }
0x5c: {  	_ =	shalt  }
0x5d: {  	_ =	shalt  }
0x5e: {  	_ =	shalt  }
0x5f: {  	_ =	shalt  }
0x60: {  	_ =	shalt  }
0x61: {  	_ =	shalt  }
0x62: {  	_ =	shalt  }
0x63: {  	_ =	shalt  }
0x64: {  	_ =	shalt  }
0x65: {  	_ =	shalt  }
0x66: {  	_ =	shalt  }
0x67: {  	_ =	shalt  }
0x68: {  	_ =	shalt  }
0x69: {  	_ =	shalt  }
0x6a: {  	_ =	shalt  }
0x6b: {  	_ =	shalt  }
0x6c: {  	_ =	shalt  }
0x6d: {  	_ =	shalt  }
0x6e: {  	_ =	shalt  }
0x6f: {  	_ =	shalt  }
0x70: {  	_ =	shalt  }
0x71: {  	_ =	shalt  }
0x72: {  	_ =	shalt  }
0x73: {  	_ =	shalt  }
0x74: {  	_ =	shalt  }
0x75: {  	_ =	shalt  }
0x76: {  	_ =	shalt  }
0x77: {  	_ =	shalt  }
0x78: {  	_ =	shalt  }
0x79: {  	_ =	shalt  }
0x7a: {  	_ =	shalt  }
0x7b: {  	_ =	shalt  }
0x7c: {  	_ =	shalt  }
0x7d: {  	_ =	shalt  }
0x7e: {  	_ =	shalt  }
0x7f: {  	_ =	shalt  }
0x80: {  	_ =	shalt  }
0x81: {  	_ =	shalt  }
0x82: {  	_ =	shalt  }
0x83: {  	_ =	shalt  }
0x84: {  	_ =	shalt  }
0x85: {  	_ =	shalt  }
0x86: {  	_ =	shalt  }
0x87: {  	_ =	shalt  }
.Lfunc_end0:
.L_simem_size_0:
called_computation_lowered:
.L_overlay_start_0:
0x88: {  	s2 =	sld [smem:$0x3FD9]  }
0x89: {  	s3 =	sld [smem:$0x3FFE];
	_ =	sdelay $0x1  }
0x8a: {  	s1 =	srdreg.scid  }
0x8b: {  	s0 =	sand.u32 $0x1, s1  }
0x8c: {  	s17 =	sshll.u32 s0, $0xA;
	s2 =	sadd.s32 s3, s2  }
0x8d: {  	s2 =	sadd.s32 s2, s17  }
0x8e: {  	[smem:$0x3FC0] =	sst s2  }
0x8f: {  	_ = 	snop  }
0x90: {  	s2 =	sld [smem:$0x3FC9]  }
0x91: {  	s18 =	sld [smem:$0x3FD0];
	(tm) =	ssettm $0x1  }
0x92: {  	s4 =	sld [smem:$0x3FFB];
	_ =	sdelay $0x3  }
0x93: {  	_ =	strace s4  }
0x94: {  	s4 =	sld [smem:$0x3FFC];
	_ =	sdelay $0x3  }
0x95: {  	_ =	strace s4  }
0x96: {  	s4 =	sld [smem:$0x3FFD];
	_ =	sdelay $0x3  }
0x97: {  	_ =	strace s4  }
0x98: {  	_ =	strace $0x8FFFFFFF  }
0x99: {  	s19 =	sld [smem:$0x3FDB];
	_ =	sdelay $0x1  }
0x9a: {  	s5 =	simm.s32 $_scs_section_size  }
0x9b: {  	s6 =	simm.s32 $_size__tile_overlayer_lowered;
	s7 =	simm.s32 $_tile_overlayer_lowered  }
0x9c: {  	s22 =	simm.s32 $0x1BFF;
	s21 =	sshll.u32 s7, $0x1;
	s4 =	sadd.s32 s5, s19  }
0x9d: {  	s8 =	simm.s32 $0x0;
	s20 =	sshll.u32 s6, $0x1;
	s6 =	sadd.s32 s21, s4  }
0x9e: {  	[timem:s8], [sflag:s22] =	dma.local [hbm:s6], s20  }
0x9f: {  	_ =	swait.ge [sflag:s22], s20  }
0xa0: {  	s5 =	ssub.s32 $0x0, s20;
	[sflag:s22] =	ssyncset.done $0x0  }
0xa1: {  	[sflag:s22] =	ssyncadd.s32 s5;
	_ =	sdelay $0x1  }
0xa2: {  	s23 =	simm.s32 $0x1B8B  }
0xa3: {  	_ =	swait.ge [sflag:s23], $0x1  }
0xa4: {  	[sflag:s23] =	ssyncset.done $0x0  }
0xa5: {  	s25 =	simm.s32 $0x1B8E;
	s24 =	sld [smem:$0x3FFE];
	[sflag:s23] =	ssyncadd.s32 $0xFFFFFFFF  }
0xa6: {  	s26 =	simm.s32 $execute0_lowered;
	[smem:$0x3FD2] =	sst s25  }
0xa7: {  	s6 =	sshll.u32 s26, $0x1;
	_ =	strace $0x80000046;
	[dreg:$0x1] =	wrdreg $0xFFFFFFFF  }
0xa8: {  	s28 =	simm.s32 $_size_execute0_lowered;
	s4 =	sadd.s32 s4, s6;
	[dreg:$0x0] =	wrdreg $0x0  }
0xa9: {  	s6 =	sshll.u32 s28, $0x1;
	[dreg:$0x2] =	wrdreg s4  }
0xaa: {  	[dreg:$0x3] =	wrdreg s6  }
0xab: {  	[dreg:$0x4] =	wrdreg $0xC0  }
0xac: {  	_ =	task [dreg:s8], $0x5FFFF  }
0xad: {  	[dreg:$0x1] =	wrdreg $0xFFFFFFFF  }
0xae: {  	[dreg:$0x0] =	wrdreg $0x60  }
0xaf: {  	[dreg:$0x2] =	wrdreg s2  }
0xb0: {  	[dreg:$0x3] =	wrdreg s18  }
0xb1: {  	[dreg:$0x4] =	wrdreg s24  }
0xb2: {  	[dreg:$0x5] =	wrdreg $0x9  }
0xb3: {  	_ =	task.clear_ibuf [dreg:s8], $0x6FFFF;
	_ =	strace $0x90000046  }
0xb4: {  	s29 =	simm.s32 $0x9;
	_ =	strace $0x80000048  }
0xb5: {  	_ =	swait.ge [sflag:s29], $0x1  }
0xb6: {  	[sflag:s29] =	ssyncadd.s32 $0xFFFFFFFF  }
0xb7: {  	_ =	strace $0x90000048  }
0xb8: {  	_ =	sfence  }
0xb9: {  	s30 =	sld [smem:$0x0];
	_ =	sdelay $0x2  }
0xba: {  	s31 =	sshll.u32 s1, $0xD;
	s1 =	sshrl.u32 s1, $0x2  }
0xbb: {  	s3 =	sand.u32 $0x4000, s31;
	s1 =	sadd.s32 s1, s30  }
0xbc: {  	s0 =	sor.u32 s3, s0;
	s1 =	sshll.u32 s1, $0x11  }
0xbd: {  	s0 =	sor.u32 s1, s0  }
0xbe: {  	s0 =	sadd.s32 $0x8F2B, s0  }
0xbf: {  	[sflag:s0] =	ssyncadd.remote.s32 $0x1  }
0xc0: {  	_ =	sfence.sel $0xFFFF  }
0xc1: {  	[dreg:$0x0] =	wrdreg $0xFFFFFFFF;
	(pc) =	sbr.abs _section_cstart, $3  }
0xc2: {  	[dreg:$0x1] =	wrdreg $0xFFFFFFFF  }
0xc3: {  	_ =	task.clear_ibuf [dreg:s8], $0x2FFFF;
	_ =	strace $0x9FFFFFFF  }
0xc4: {  	(tm) =	ssettm $0x7FFFFFFF  }
0xc5: {  	_ =	shalt  }
tec
execute0_lowered:
.L_overlay_start_1:
0x0: {  	(tag) =	ssettag $0x1  }
0x1: {  	s0 =	rddreg [dreg:$0x0]  }
0x2: {  	s1 =	rddreg [dreg:$0x1]  }
0x3: {  	s6 =	rddreg [dreg:$0x2]  }
0x4: {  	s3 =	srdreg.scid;
	s4 =	stileid.u32;
	s2 =	simm.s32 $0x0  }
0x5: {  	s25 =	simm.s32 $0x10000;
	s26 =	simm.s32 $0x10080;
	s20 =	simm.s32 $0x1800  }
0x6: {  	s28 =	simm.s32 $0x5000;
	s29 =	simm.s32 $0x5800;
	s30 =	simm.s32 $0x6000  }
0x7: {  	s31 =	simm.s32 $0x6800;
	s9 =	simm.s32 $0x8000;
	s10 =	simm.s32 $0x8800  }
0x8: {  	s11 =	simm.s32 $0x9000;
	s12 =	simm.s32 $0x9800;
	s13 =	simm.s32 $0xA000  }
0x9: {  	s14 =	simm.s32 $0xA800;
	s15 =	simm.s32 $0xB000;
	s16 =	simm.s32 $0xB800  }
0xa: {  	s3 =	sand.u32 $0x1, s3;
	s4 =	sshll.u32 s4, $0x1;
	[smem:$0x7FF] =	sst s2  }
0xb: {  	s17 =	simm.s32 $0xC000;
	s4 =	sor.u32 s3, s4;
	_ =	strace $0x80000047  }
0xc: {  	s8 =	ssub.s32 $0x2, s3;
	s3 =	sadd.s32 $0x11000, s6;
	[dreg:$0x7] =	wrdreg s25  }
0xd: {  	[dreg:$0x8] =	wrdreg s26;
	s25 =	simm.s32 $0x4000;
	s26 =	simm.s32 $0x4800  }
0xe: {  	s5 =	sshll.u32 s4, $0x4;
	s22 =	sshll.u32 s4, $0xD;
	s23 =	sshrl.u32 s8, $0x1  }
0xf: {  	s4 =	sadd.s32 $0x11100, s6;
	s7 =	sadd.s32 s5, s6;
	s1 =	sadd.s32 s1, s5  }
0x10: {  	s0 =	sadd.s32 s0, s22;
	s24 =	ssub.s32 s8, s23;
	s5 =	sadd.s32 $0x11200, s6  }
0x11: {  	s6 =	sadd.s32 $0x11300, s6;
	s8 =	simm.s32 $0x3;
	s22 =	simm.s32 $0x2800  }
0x12: {  	v2 =	vlaneseq.u32;
	s23 =	simm.s32 $0x3000;
	[dreg:$0x4] =	wrdreg s1;
	s21 =	sadd.s32 $0x10E00, s7  }
0x13: {  	vm0 =	vmmov $0xffff;
	v1 =	vshrl.u32 v2, $0x3;
	[dreg:$0x6] =	wrdreg s0;
	s7 =	smax.u32 s24, $0x1;
	s24 =	simm.s32 $0x3800  }
0x14: {  	v0 =	vand.u32 $0x7, v2;
	v2 =	vor.u32 $0x8, v2;
	v1 =	vmul.u32 $0x8, v1;
	s1 =	simm.s32 $0x7800;
	[dreg:$0x5] =	wrdreg s21;
	s21 =	simm.s32 $0x2000  }
.LBB2_1:
0x15: {  	s18 =	rddreg [dreg:$0x4]  }
0x16: {  	s19 =	rddreg [dreg:$0x7]  }
0x17: {  	[tilespmem:s19], [sflag:$0x3] =	stream.linear.gather [hbm4b:s18+s2], $0x80, $0x38;
	[tilespmem:$0x10100] =	vst v63  }
0x18: {  	_ =	swait.ge [sflag:s8], $0x80  }
0x19: {  	s19 =	rddreg [dreg:$0x5];
	[sflag:s8] =	ssyncset.done $0x0  }
0x1a: {  	s0 =	rddreg [dreg:$0x8];
	[sflag:s8] =	ssyncadd.s32 $0xFFFFFF80  }
0x1b: {  	[tilespmem:s0], [sflag:$0x3] =	stream.linear.gather [hbm4b:s19+s2], $0x80, $0x38;
	[tilespmem:$0x10100] =	vst v63  }
0x1c: {  	_ =	swait.ge [sflag:s8], $0x80  }
0x1d: {  	[sflag:s8] =	ssyncset.done $0x0  }
0x1e: {  	s0 =	rddreg [dreg:$0x6];
	[sflag:s8] =	ssyncadd.s32 $0xFFFFFF80  }
0x1f: {  	[tilespmem:s2], [sflag:$0x3] =	stream.linear.gather [hbm4b:s0+s2], $0x10000, $0x38;
	[tilespmem:$0x10100] =	vst v63  }
0x20: {  	_ =	swait.ge [sflag:s8], $0x10000  }
0x21: {  	[sflag:s8] =	ssyncset.done $0x0  }
0x22: {  	[sflag:s8] =	ssyncadd.s32 $0xFFFF0000  }
0x23: {  	v3 =	vld [tilespmem:$0x10000];
	_ =	sdelay $0x4  }
0x24: {  	v4 =	vshll.u32 v3, $0x3  }
0x25: {  	v3 =	vand.u32 $0x7, v3;
	v4 =	vand.u32 $0xFFFFFFC0, v4  }
0x26: {  	v3 =	vor.u32 v3, v4  }
0x27: {  	v4 =	vperm.xlane v3, v0;
	_ =	sdelay $0x1  }
0x28: {  	v4 =	vadd.s32 v1, v4;
	_ =	sdelay $0x4  }
0x29: {  	[hbm4b:s3+s2] =	stream.indirect_vreg.scatter [tilespmem:s2], [sflag:$0x1], $0x80, v4, vm0, $0xb8;
	[tilespmem:$0x10100] =	vst v63  }
0x2a: {  	s18 =	simm.s32 $0x800;
	v3 =	vperm.xlane v3, v2  }
0x2b: {  	[hbm4b:s4+s2] =	stream.indirect_vreg.scatter [tilespmem:s18], [sflag:$0x1], $0x80, v4, vm0, $0xb8;
	[tilespmem:$0x10100] =	vst v63  }
0x2c: {  	s19 =	simm.s32 $0x1000;
	v3 =	vadd.s32 v1, v3  }
0x2d: {  	[hbm4b:s5+s2] =	stream.indirect_vreg.scatter [tilespmem:s19], [sflag:$0x1], $0x80, v4, vm0, $0xb8;
	[tilespmem:$0x10100] =	vst v63  }
0x2e: {  	_ = 	snop  }
0x2f: {  	[hbm4b:s6+s2] =	stream.indirect_vreg.scatter [tilespmem:s20], [sflag:$0x1], $0x80, v4, vm0, $0xb8;
	[tilespmem:$0x10100] =	vst v63  }
0x30: {  	_ = 	snop  }
0x31: {  	[hbm4b:s3+s2] =	stream.indirect_vreg.scatter [tilespmem:s21], [sflag:$0x1], $0x80, v3, vm0, $0xb8;
	[tilespmem:$0x10100] =	vst v63  }
0x32: {  	_ = 	snop  }
0x33: {  	[hbm4b:s4+s2] =	stream.indirect_vreg.scatter [tilespmem:s22], [sflag:$0x1], $0x80, v3, vm0, $0xb8;
	[tilespmem:$0x10100] =	vst v63  }
0x34: {  	_ = 	snop  }
0x35: {  	[hbm4b:s5+s2] =	stream.indirect_vreg.scatter [tilespmem:s23], [sflag:$0x1], $0x80, v3, vm0, $0xb8;
	[tilespmem:$0x10100] =	vst v63  }
0x36: {  	_ = 	snop  }
0x37: {  	[hbm4b:s6+s2] =	stream.indirect_vreg.scatter [tilespmem:s24], [sflag:$0x1], $0x80, v3, vm0, $0xb8;
	[tilespmem:$0x10100] =	vst v63  }
0x38: {  	v3 =	vld [tilespmem:$0x10010];
	_ =	sdelay $0x4  }
0x39: {  	v57 =	vshll.u32 v3, $0x3  }
0x3a: {  	v3 =	vand.u32 $0x7, v3;
	v4 =	vand.u32 $0xFFFFFFC0, v57  }
0x3b: {  	v3 =	vor.u32 v3, v4  }
0x3c: {  	v4 =	vperm.xlane v3, v0;
	_ =	sdelay $0x1  }
0x3d: {  	v4 =	vadd.s32 v1, v4;
	_ =	sdelay $0x4  }
0x3e: {  	[hbm4b:s3+s2] =	stream.indirect_vreg.scatter [tilespmem:s25], [sflag:$0x1], $0x80, v4, vm0, $0xb8;
	[tilespmem:$0x10100] =	vst v63  }
0x3f: {  	v3 =	vperm.xlane v3, v2  }
0x40: {  	[hbm4b:s4+s2] =	stream.indirect_vreg.scatter [tilespmem:s26], [sflag:$0x1], $0x80, v4, vm0, $0xb8;
	[tilespmem:$0x10100] =	vst v63  }
0x41: {  	v3 =	vadd.s32 v1, v3  }
0x42: {  	[hbm4b:s5+s2] =	stream.indirect_vreg.scatter [tilespmem:s28], [sflag:$0x1], $0x80, v4, vm0, $0xb8;
	[tilespmem:$0x10100] =	vst v63  }
0x43: {  	_ = 	snop  }
0x44: {  	[hbm4b:s6+s2] =	stream.indirect_vreg.scatter [tilespmem:s29], [sflag:$0x1], $0x80, v4, vm0, $0xb8;
	[tilespmem:$0x10100] =	vst v63  }
0x45: {  	_ = 	snop  }
0x46: {  	[hbm4b:s3+s2] =	stream.indirect_vreg.scatter [tilespmem:s30], [sflag:$0x1], $0x80, v3, vm0, $0xb8;
	[tilespmem:$0x10100] =	vst v63  }
0x47: {  	_ = 	snop  }
0x48: {  	[hbm4b:s4+s2] =	stream.indirect_vreg.scatter [tilespmem:s31], [sflag:$0x1], $0x80, v3, vm0, $0xb8;
	[tilespmem:$0x10100] =	vst v63  }
0x49: {  	s0 =	simm.s32 $0x7000  }
0x4a: {  	[hbm4b:s5+s2] =	stream.indirect_vreg.scatter [tilespmem:s0], [sflag:$0x1], $0x80, v3, vm0, $0xb8;
	[tilespmem:$0x10100] =	vst v63  }
0x4b: {  	_ = 	snop  }
0x4c: {  	[hbm4b:s6+s2] =	stream.indirect_vreg.scatter [tilespmem:s1], [sflag:$0x1], $0x80, v3, vm0, $0xb8;
	[tilespmem:$0x10100] =	vst v63  }
0x4d: {  	v3 =	vld [tilespmem:$0x10020];
	_ =	sdelay $0x4  }
0x4e: {  	v58 =	vshll.u32 v3, $0x3  }
0x4f: {  	v3 =	vand.u32 $0x7, v3;
	v4 =	vand.u32 $0xFFFFFFC0, v58  }
0x50: {  	v3 =	vor.u32 v3, v4  }
0x51: {  	v4 =	vperm.xlane v3, v0;
	_ =	sdelay $0x1  }
0x52: {  	v4 =	vadd.s32 v1, v4;
	_ =	sdelay $0x4  }
0x53: {  	[hbm4b:s3+s2] =	stream.indirect_vreg.scatter [tilespmem:s9], [sflag:$0x1], $0x80, v4, vm0, $0xb8;
	[tilespmem:$0x10100] =	vst v63  }
0x54: {  	v3 =	vperm.xlane v3, v2  }
0x55: {  	[hbm4b:s4+s2] =	stream.indirect_vreg.scatter [tilespmem:s10], [sflag:$0x1], $0x80, v4, vm0, $0xb8;
	[tilespmem:$0x10100] =	vst v63  }
0x56: {  	v3 =	vadd.s32 v1, v3  }
0x57: {  	[hbm4b:s5+s2] =	stream.indirect_vreg.scatter [tilespmem:s11], [sflag:$0x1], $0x80, v4, vm0, $0xb8;
	[tilespmem:$0x10100] =	vst v63  }
0x58: {  	_ = 	snop  }
0x59: {  	[hbm4b:s6+s2] =	stream.indirect_vreg.scatter [tilespmem:s12], [sflag:$0x1], $0x80, v4, vm0, $0xb8;
	[tilespmem:$0x10100] =	vst v63  }
0x5a: {  	_ = 	snop  }
0x5b: {  	[hbm4b:s3+s2] =	stream.indirect_vreg.scatter [tilespmem:s13], [sflag:$0x1], $0x80, v3, vm0, $0xb8;
	[tilespmem:$0x10100] =	vst v63  }
0x5c: {  	_ = 	snop  }
0x5d: {  	[hbm4b:s4+s2] =	stream.indirect_vreg.scatter [tilespmem:s14], [sflag:$0x1], $0x80, v3, vm0, $0xb8;
	[tilespmem:$0x10100] =	vst v63  }
0x5e: {  	_ = 	snop  }
0x5f: {  	[hbm4b:s5+s2] =	stream.indirect_vreg.scatter [tilespmem:s15], [sflag:$0x1], $0x80, v3, vm0, $0xb8;
	[tilespmem:$0x10100] =	vst v63  }
0x60: {  	_ = 	snop  }
0x61: {  	[hbm4b:s6+s2] =	stream.indirect_vreg.scatter [tilespmem:s16], [sflag:$0x1], $0x80, v3, vm0, $0xb8;
	[tilespmem:$0x10100] =	vst v63  }
0x62: {  	v3 =	vld [tilespmem:$0x10030];
	_ =	sdelay $0x4  }
0x63: {  	v59 =	vshll.u32 v3, $0x3  }
0x64: {  	v3 =	vand.u32 $0x7, v3;
	v4 =	vand.u32 $0xFFFFFFC0, v59  }
0x65: {  	v3 =	vor.u32 v3, v4  }
0x66: {  	v4 =	vperm.xlane v3, v0;
	_ =	sdelay $0x1  }
0x67: {  	v4 =	vadd.s32 v1, v4;
	_ =	sdelay $0x4  }
0x68: {  	[hbm4b:s3+s2] =	stream.indirect_vreg.scatter [tilespmem:s17], [sflag:$0x1], $0x80, v4, vm0, $0xb8;
	[tilespmem:$0x10100] =	vst v63  }
0x69: {  	s0 =	simm.s32 $0xC800;
	v3 =	vperm.xlane v3, v2  }
0x6a: {  	[hbm4b:s4+s2] =	stream.indirect_vreg.scatter [tilespmem:s0], [sflag:$0x1], $0x80, v4, vm0, $0xb8;
	[tilespmem:$0x10100] =	vst v63  }
0x6b: {  	v3 =	vadd.s32 v1, v3;
	s0 =	simm.s32 $0xD000  }
0x6c: {  	[hbm4b:s5+s2] =	stream.indirect_vreg.scatter [tilespmem:s0], [sflag:$0x1], $0x80, v4, vm0, $0xb8;
	[tilespmem:$0x10100] =	vst v63  }
0x6d: {  	s0 =	simm.s32 $0xD800  }
0x6e: {  	[hbm4b:s6+s2] =	stream.indirect_vreg.scatter [tilespmem:s0], [sflag:$0x1], $0x80, v4, vm0, $0xb8;
	[tilespmem:$0x10100] =	vst v63  }
0x6f: {  	s0 =	simm.s32 $0xE000  }
0x70: {  	[hbm4b:s3+s2] =	stream.indirect_vreg.scatter [tilespmem:s0], [sflag:$0x1], $0x80, v3, vm0, $0xb8;
	[tilespmem:$0x10100] =	vst v63  }
0x71: {  	s0 =	simm.s32 $0xE800  }
0x72: {  	[hbm4b:s4+s2] =	stream.indirect_vreg.scatter [tilespmem:s0], [sflag:$0x1], $0x80, v3, vm0, $0xb8;
	[tilespmem:$0x10100] =	vst v63  }
0x73: {  	s0 =	simm.s32 $0xF000  }
0x74: {  	[hbm4b:s5+s2] =	stream.indirect_vreg.scatter [tilespmem:s0], [sflag:$0x1], $0x80, v3, vm0, $0xb8;
	[tilespmem:$0x10100] =	vst v63  }
0x75: {  	s0 =	simm.s32 $0xF800  }
0x76: {  	[hbm4b:s6+s2] =	stream.indirect_vreg.scatter [tilespmem:s0], [sflag:$0x1], $0x80, v3, vm0, $0xb8;
	[tilespmem:$0x10100] =	vst v63  }
0x77: {  	v3 =	vld [tilespmem:$0x10080];
	_ =	sdelay $0x4  }
0x78: {  	v60 =	vshll.u32 v3, $0x3  }
0x79: {  	v3 =	vand.u32 $0x7, v3;
	v4 =	vand.u32 $0xFFFFFFC0, v60  }
0x7a: {  	v3 =	vor.u32 v3, v4  }
0x7b: {  	v4 =	vperm.xlane v3, v0;
	_ =	sdelay $0x1  }
0x7c: {  	v4 =	vadd.s32 v1, v4;
	_ =	sdelay $0x4  }
0x7d: {  	[hbm4b:s3+s2] =	stream.indirect_vreg.scatter [tilespmem:s2], [sflag:$0x2], $0x80, v4, vm0, $0xb8;
	[tilespmem:$0x10100] =	vst v63  }
0x7e: {  	v3 =	vperm.xlane v3, v2  }
0x7f: {  	[hbm4b:s4+s2] =	stream.indirect_vreg.scatter [tilespmem:s18], [sflag:$0x2], $0x80, v4, vm0, $0xb8;
	[tilespmem:$0x10100] =	vst v63  }
0x80: {  	v3 =	vadd.s32 v1, v3  }
0x81: {  	[hbm4b:s5+s2] =	stream.indirect_vreg.scatter [tilespmem:s19], [sflag:$0x2], $0x80, v4, vm0, $0xb8;
	[tilespmem:$0x10100] =	vst v63  }
0x82: {  	_ = 	snop  }
0x83: {  	[hbm4b:s6+s2] =	stream.indirect_vreg.scatter [tilespmem:s20], [sflag:$0x2], $0x80, v4, vm0, $0xb8;
	[tilespmem:$0x10100] =	vst v63  }
0x84: {  	_ = 	snop  }
0x85: {  	[hbm4b:s3+s2] =	stream.indirect_vreg.scatter [tilespmem:s21], [sflag:$0x2], $0x80, v3, vm0, $0xb8;
	[tilespmem:$0x10100] =	vst v63  }
0x86: {  	_ = 	snop  }
0x87: {  	[hbm4b:s4+s2] =	stream.indirect_vreg.scatter [tilespmem:s22], [sflag:$0x2], $0x80, v3, vm0, $0xb8;
	[tilespmem:$0x10100] =	vst v63  }
0x88: {  	_ = 	snop  }
0x89: {  	[hbm4b:s5+s2] =	stream.indirect_vreg.scatter [tilespmem:s23], [sflag:$0x2], $0x80, v3, vm0, $0xb8;
	[tilespmem:$0x10100] =	vst v63  }
0x8a: {  	_ = 	snop  }
0x8b: {  	[hbm4b:s6+s2] =	stream.indirect_vreg.scatter [tilespmem:s24], [sflag:$0x2], $0x80, v3, vm0, $0xb8;
	[tilespmem:$0x10100] =	vst v63  }
0x8c: {  	v3 =	vld [tilespmem:$0x10090];
	_ =	sdelay $0x4  }
0x8d: {  	v61 =	vshll.u32 v3, $0x3  }
0x8e: {  	v3 =	vand.u32 $0x7, v3;
	v4 =	vand.u32 $0xFFFFFFC0, v61  }
0x8f: {  	v3 =	vor.u32 v3, v4  }
0x90: {  	v4 =	vperm.xlane v3, v0;
	_ =	sdelay $0x1  }
0x91: {  	v4 =	vadd.s32 v1, v4;
	_ =	sdelay $0x4  }
0x92: {  	[hbm4b:s3+s2] =	stream.indirect_vreg.scatter [tilespmem:s25], [sflag:$0x2], $0x80, v4, vm0, $0xb8;
	[tilespmem:$0x10100] =	vst v63  }
0x93: {  	v3 =	vperm.xlane v3, v2  }
0x94: {  	[hbm4b:s4+s2] =	stream.indirect_vreg.scatter [tilespmem:s26], [sflag:$0x2], $0x80, v4, vm0, $0xb8;
	[tilespmem:$0x10100] =	vst v63  }
0x95: {  	v3 =	vadd.s32 v1, v3  }
0x96: {  	[hbm4b:s5+s2] =	stream.indirect_vreg.scatter [tilespmem:s28], [sflag:$0x2], $0x80, v4, vm0, $0xb8;
	[tilespmem:$0x10100] =	vst v63  }
0x97: {  	_ = 	snop  }
0x98: {  	[hbm4b:s6+s2] =	stream.indirect_vreg.scatter [tilespmem:s29], [sflag:$0x2], $0x80, v4, vm0, $0xb8;
	[tilespmem:$0x10100] =	vst v63  }
0x99: {  	_ = 	snop  }
0x9a: {  	[hbm4b:s3+s2] =	stream.indirect_vreg.scatter [tilespmem:s30], [sflag:$0x2], $0x80, v3, vm0, $0xb8;
	[tilespmem:$0x10100] =	vst v63  }
0x9b: {  	_ = 	snop  }
0x9c: {  	[hbm4b:s4+s2] =	stream.indirect_vreg.scatter [tilespmem:s31], [sflag:$0x2], $0x80, v3, vm0, $0xb8;
	[tilespmem:$0x10100] =	vst v63  }
0x9d: {  	s18 =	simm.s32 $0x7000  }
0x9e: {  	[hbm4b:s5+s2] =	stream.indirect_vreg.scatter [tilespmem:s18], [sflag:$0x2], $0x80, v3, vm0, $0xb8;
	[tilespmem:$0x10100] =	vst v63  }
0x9f: {  	_ = 	snop  }
0xa0: {  	[hbm4b:s6+s2] =	stream.indirect_vreg.scatter [tilespmem:s1], [sflag:$0x2], $0x80, v3, vm0, $0xb8;
	[tilespmem:$0x10100] =	vst v63  }
0xa1: {  	v3 =	vld [tilespmem:$0x100A0];
	_ =	sdelay $0x4  }
0xa2: {  	v62 =	vshll.u32 v3, $0x3  }
0xa3: {  	v3 =	vand.u32 $0x7, v3;
	v4 =	vand.u32 $0xFFFFFFC0, v62  }
0xa4: {  	v3 =	vor.u32 v3, v4  }
0xa5: {  	v4 =	vperm.xlane v3, v0;
	_ =	sdelay $0x1  }
0xa6: {  	v4 =	vadd.s32 v1, v4;
	_ =	sdelay $0x4  }
0xa7: {  	[hbm4b:s3+s2] =	stream.indirect_vreg.scatter [tilespmem:s9], [sflag:$0x2], $0x80, v4, vm0, $0xb8;
	[tilespmem:$0x10100] =	vst v63  }
0xa8: {  	v3 =	vperm.xlane v3, v2  }
0xa9: {  	[hbm4b:s4+s2] =	stream.indirect_vreg.scatter [tilespmem:s10], [sflag:$0x2], $0x80, v4, vm0, $0xb8;
	[tilespmem:$0x10100] =	vst v63  }
0xaa: {  	v3 =	vadd.s32 v1, v3  }
0xab: {  	[hbm4b:s5+s2] =	stream.indirect_vreg.scatter [tilespmem:s11], [sflag:$0x2], $0x80, v4, vm0, $0xb8;
	[tilespmem:$0x10100] =	vst v63  }
0xac: {  	_ = 	snop  }
0xad: {  	[hbm4b:s6+s2] =	stream.indirect_vreg.scatter [tilespmem:s12], [sflag:$0x2], $0x80, v4, vm0, $0xb8;
	[tilespmem:$0x10100] =	vst v63  }
0xae: {  	_ = 	snop  }
0xaf: {  	[hbm4b:s3+s2] =	stream.indirect_vreg.scatter [tilespmem:s13], [sflag:$0x2], $0x80, v3, vm0, $0xb8;
	[tilespmem:$0x10100] =	vst v63  }
0xb0: {  	_ = 	snop  }
0xb1: {  	[hbm4b:s4+s2] =	stream.indirect_vreg.scatter [tilespmem:s14], [sflag:$0x2], $0x80, v3, vm0, $0xb8;
	[tilespmem:$0x10100] =	vst v63  }
0xb2: {  	_ = 	snop  }
0xb3: {  	[hbm4b:s5+s2] =	stream.indirect_vreg.scatter [tilespmem:s15], [sflag:$0x2], $0x80, v3, vm0, $0xb8;
	[tilespmem:$0x10100] =	vst v63  }
0xb4: {  	_ = 	snop  }
0xb5: {  	[hbm4b:s6+s2] =	stream.indirect_vreg.scatter [tilespmem:s16], [sflag:$0x2], $0x80, v3, vm0, $0xb8;
	[tilespmem:$0x10100] =	vst v63  }
0xb6: {  	v3 =	vld [tilespmem:$0x100B0];
	_ =	sdelay $0x4  }
0xb7: {  	v63 =	vshll.u32 v3, $0x3  }
0xb8: {  	v3 =	vand.u32 $0x7, v3;
	v4 =	vand.u32 $0xFFFFFFC0, v63  }
0xb9: {  	v3 =	vor.u32 v3, v4  }
0xba: {  	v4 =	vperm.xlane v3, v0;
	_ =	sdelay $0x1  }
0xbb: {  	v4 =	vadd.s32 v1, v4;
	_ =	sdelay $0x4  }
0xbc: {  	[hbm4b:s3+s2] =	stream.indirect_vreg.scatter [tilespmem:s17], [sflag:$0x2], $0x80, v4, vm0, $0xb8;
	[tilespmem:$0x10100] =	vst v63  }
0xbd: {  	s19 =	simm.s32 $0xC800;
	v3 =	vperm.xlane v3, v2  }
0xbe: {  	[hbm4b:s4+s2] =	stream.indirect_vreg.scatter [tilespmem:s19], [sflag:$0x2], $0x80, v4, vm0, $0xb8;
	[tilespmem:$0x10100] =	vst v63  }
0xbf: {  	s18 =	simm.s32 $0xD000;
	v3 =	vadd.s32 v1, v3  }
0xc0: {  	[hbm4b:s5+s2] =	stream.indirect_vreg.scatter [tilespmem:s18], [sflag:$0x2], $0x80, v4, vm0, $0xb8;
	[tilespmem:$0x10100] =	vst v63  }
0xc1: {  	s19 =	simm.s32 $0xD800  }
0xc2: {  	[hbm4b:s6+s2] =	stream.indirect_vreg.scatter [tilespmem:s19], [sflag:$0x2], $0x80, v4, vm0, $0xb8;
	[tilespmem:$0x10100] =	vst v63  }
0xc3: {  	s18 =	simm.s32 $0xE000  }
0xc4: {  	[hbm4b:s3+s2] =	stream.indirect_vreg.scatter [tilespmem:s18], [sflag:$0x2], $0x80, v3, vm0, $0xb8;
	[tilespmem:$0x10100] =	vst v63  }
0xc5: {  	s19 =	simm.s32 $0xE800  }
0xc6: {  	[hbm4b:s4+s2] =	stream.indirect_vreg.scatter [tilespmem:s19], [sflag:$0x2], $0x80, v3, vm0, $0xb8;
	[tilespmem:$0x10100] =	vst v63  }
0xc7: {  	s18 =	simm.s32 $0xF000  }
0xc8: {  	[hbm4b:s5+s2] =	stream.indirect_vreg.scatter [tilespmem:s18], [sflag:$0x2], $0x80, v3, vm0, $0xb8;
	[tilespmem:$0x10100] =	vst v63  }
0xc9: {  	s19 =	simm.s32 $0xF800;
	s18 =	simm.s32 $0x1  }
0xca: {  	[hbm4b:s6+s2] =	stream.indirect_vreg.scatter [tilespmem:s19], [sflag:$0x2], $0x80, v3, vm0, $0xb8;
	[tilespmem:$0x10100] =	vst v63  }
0xcb: {  	p0 =	sne.s32 s7, $0x1;
	_ =	swait.ge [sflag:s18], $0x10000  }
.Ltmp0:
0xcc: {  	[sflag:s18] =	ssyncset.done $0x0;
	(pc) =	sbr.rel @p0 .LBB2_1-.Ltmp0, $4  }
0xcd: {  	s19 =	simm.s32 $0x2;
	[sflag:s18] =	ssyncadd.s32 $0xFFFF0000  }
0xce: {  	_ =	swait.ge [sflag:s19], $0x10000  }
0xcf: {  	[sflag:s19] =	ssyncset.done $0x0  }
0xd0: {  	s7 =	sadd.s32 $0xFFFFFFFF, s7;
	[sflag:s19] =	ssyncadd.s32 $0xFFFF0000  }
0xd1: {  	_ =	sfence.sel $0x180000  }
0xd2: {  	[bflag:$0x0] =	sbarrier.arrive $0xFFFF  }
0xd3: {  	_ =	strace $0x90000047  }
0xd4: {  	s0 =	stileid.u32;
	[bflag:$0x2] =	sbarrier.arrive $0xFFFF  }
0xd5: {  	p0 =	sne.s32 s0, $0x0;
	s0 =	rddreg [dreg:$0x3]  }
0xd6: {  	s0 =	sadd.s32 @!p0 $0x100000, s0  }
0xd7: {  	[sflag:s0] =	ssyncadd.tile.s32 @!p0 $0x1;
	_ =	shalt  }
.Lfunc_end2:
_tile_overlayer_lowered:
.L_overlay_start_2:
0xd8: {  	(tag) =	ssettag $0x2  }
0xd9: {  	s0 =	rddreg [dreg:$0x0];
	s2 =	stileid.u32  }
0xda: {  	s1 =	rddreg [dreg:$0x1];
	p0 =	sne.s32 s2, $0x0  }
0xdb: {  	s3 =	rddreg [dreg:$0x2];
	[bflag:$0x3] =	sbarrier.arrive $0xFFFF;
	s2 =	simm.s32 @!p0 $0x1C03  }
0xdc: {  	[timem:s3], [sflag:s2] =	dma.local @!p0 [hbm:s0], s1  }
0xdd: {  	s0 =	simm.s32 @!p0 $0x3  }
0xde: {  	_ =	swait.ge @!p0 [sflag:s0], s1  }
0xdf: {  	s1 =	ssub.s32 @!p0 $0x0, s1;
	[sflag:s0] =	ssyncset.done @!p0 $0x0  }
0xe0: {  	[sflag:s0] =	ssyncadd.s32 @!p0 s1  }
0xe1: {  	[bflag:$0x3] =	sbarrier.arrive $0xFFFF  }
0xe2: {  	_ =	shalt  }

</sc_bundles>
